<compile_context>
chip_gen: v7x
topology: tpu7x:2x2x1
jax: 0.10.2.dev20260603
libtpu: 0.0.44.dev20260713+nightly
codegen_flags: <defaults>
</compile_context>

<pallas_src>
import jax
import jax.numpy as jnp
import numpy as np
from jax.experimental import pallas as pl


def _grid_sample(img, coords):
    B, C, H, W = img.shape
    x = ((coords[..., 0] + 1.0) * W - 1.0) / 2.0
    y = ((coords[..., 1] + 1.0) * H - 1.0) / 2.0
    x0 = jnp.floor(x); y0 = jnp.floor(y)
    x1 = x0 + 1.0; y1 = y0 + 1.0
    wa = (x1 - x) * (y1 - y)
    wb = (x1 - x) * (y - y0)
    wc = (x - x0) * (y1 - y)
    wd = (x - x0) * (y - y0)
    flat = img.reshape(B, C, H * W)
    N = coords.shape[1]

    def gather(ix, iy):
        valid = ((ix >= 0) & (ix <= W - 1) & (iy >= 0) & (iy <= H - 1)).astype(img.dtype)
        ixc = jnp.clip(ix, 0, W - 1).astype(jnp.int32)
        iyc = jnp.clip(iy, 0, H - 1).astype(jnp.int32)
        idx = iyc * W + ixc
        vals = jnp.take_along_axis(flat, jnp.broadcast_to(idx[:, None, :], (B, C, N)), axis=2)
        return vals * valid[:, None, :]

    out = (gather(x0, y0) * wa[:, None, :] + gather(x0, y1) * wb[:, None, :]
           + gather(x1, y0) * wc[:, None, :] + gather(x1, y1) * wd[:, None, :])
    return out


def _point_sample(img, points):
    return _grid_sample(img, 2.0 * points - 1.0)


def _sampling_points(mask, N, k, beta, key):
    B = mask.shape[0]
    mask_sorted = -jnp.sort(-mask, axis=1)
    k1, k2 = jax.random.split(key)
    over = jax.random.uniform(k1, (B, k * N, 2), dtype=mask.dtype)
    over_map = _point_sample(mask_sorted, over)
    unc = -1.0 * (over_map[:, 0] - over_map[:, 1])
    nb = int(beta * N)
    _, idx = jax.lax.top_k(unc, nb)
    importance = jnp.take_along_axis(over, idx[:, :, None], axis=1)
    coverage = jax.random.uniform(k2, (B, N - nb, 2), dtype=mask.dtype)
    return jnp.concatenate([importance, coverage], axis=1)


def _mlp_body(feat_ref, w1_ref, b1_ref, w2_ref, b2_ref, out_ref):
    feat = feat_ref[0]
    h = jnp.maximum(jnp.dot(feat, w1_ref[...], preferred_element_type=jnp.float32)
                    + b1_ref[...][None, :], 0.0)
    out_ref[0] = jnp.dot(h, w2_ref[...], preferred_element_type=jnp.float32) + b2_ref[...][None, :]


def kernel(fine, coarse, W1, b1, W2, b2):
    N, k, beta = 1024, 7, 0.75
    pkey = jax.random.key(42)
    points = _sampling_points(coarse, N, k, beta, pkey)
    coarse_s = _point_sample(coarse, points)
    fine_s = _point_sample(fine, points)
    feat = jnp.concatenate([coarse_s, fine_s], axis=1)
    featT = feat.transpose(0, 2, 1)
    B = featT.shape[0]
    W2p = jnp.pad(W2, ((0, 0), (0, 121)))
    b2p = jnp.pad(b2, (0, 121))
    out = pl.pallas_call(
        _mlp_body,
        grid=(B,),
        in_specs=[
            pl.BlockSpec((1, N, 135), lambda b: (b, 0, 0)),
            pl.BlockSpec((135, 256), lambda b: (0, 0)),
            pl.BlockSpec((256,), lambda b: (0,)),
            pl.BlockSpec((256, 128), lambda b: (0, 0)),
            pl.BlockSpec((128,), lambda b: (0,)),
        ],
        out_specs=pl.BlockSpec((1, N, 128), lambda b: (b, 0, 0)),
        out_shape=jax.ShapeDtypeStruct((B, N, 128), jnp.float32),
    )(featT, W1, b1, W2p, b2p)
    rend = out[:, :, :7].transpose(0, 2, 1)
    return rend, points

# --- scband reference (transcript-rebuilt; emitter-appended) ---
"""Pipeline reference for scband-point-head-31945966747963 (READ-ONLY COPY).

The authoritative reference and input builder live on the scoring server;
editing this copy changes nothing except your own understanding.
"""

import jax, jax.numpy as jnp
import numpy as np


def grid_sample(img, coords):
    # img [B,C,H,W]; coords [B,N,2] in [-1,1], last dim (x,y); align_corners=False, zero padding
    B, C, H, W = img.shape
    x = ((coords[..., 0] + 1.0) * W - 1.0) / 2.0
    y = ((coords[..., 1] + 1.0) * H - 1.0) / 2.0
    x0 = jnp.floor(x); y0 = jnp.floor(y)
    x1 = x0 + 1.0; y1 = y0 + 1.0
    wa = (x1 - x) * (y1 - y)
    wb = (x1 - x) * (y - y0)
    wc = (x - x0) * (y1 - y)
    wd = (x - x0) * (y - y0)
    flat = img.reshape(B, C, H * W)
    N = coords.shape[1]

    def gather(ix, iy):
        valid = ((ix >= 0) & (ix <= W - 1) & (iy >= 0) & (iy <= H - 1)).astype(img.dtype)
        ixc = jnp.clip(ix, 0, W - 1).astype(jnp.int32)
        iyc = jnp.clip(iy, 0, H - 1).astype(jnp.int32)
        idx = iyc * W + ixc
        vals = jnp.take_along_axis(flat, jnp.broadcast_to(idx[:, None, :], (B, C, N)), axis=2)
        return vals * valid[:, None, :]

    out = (gather(x0, y0) * wa[:, None, :] + gather(x0, y1) * wb[:, None, :]
           + gather(x1, y0) * wc[:, None, :] + gather(x1, y1) * wd[:, None, :])
    return out  # [B, C, N]


def point_sample(img, points):
    # points in [0,1] -> grid in [-1,1]
    return grid_sample(img, 2.0 * points - 1.0)


def sampling_points(mask, N, k, beta, key):
    # training-branch of PointRend sampling_points
    B = mask.shape[0]
    mask_sorted = -jnp.sort(-mask, axis=1)  # sort channels descending
    k1, k2 = jax.random.split(key)
    over = jax.random.uniform(k1, (B, k * N, 2), dtype=mask.dtype)
    over_map = point_sample(mask_sorted, over)
    unc = -1.0 * (over_map[:, 0] - over_map[:, 1])
    nb = int(beta * N)
    _, idx = jax.lax.top_k(unc, nb)
    importance = jnp.take_along_axis(over, idx[:, :, None], axis=1)
    coverage = jax.random.uniform(k2, (B, N - nb, 2), dtype=mask.dtype)
    return jnp.concatenate([importance, coverage], axis=1)


def setup_inputs(seed: int = 0):
    key = jax.random.key(seed)
    ks = jax.random.split(key, 8)
    fine = jax.random.normal(ks[0], (4, 128, 256, 256), dtype=jnp.float32)
    coarse = jax.random.normal(ks[1], (4, 7, 128, 128), dtype=jnp.float32)
    in_c, hidden, num_classes = 135, 256, 7
    W1 = jax.random.normal(ks[2], (in_c, hidden), dtype=jnp.float32) * (1.0 / np.sqrt(in_c))
    b1 = jnp.zeros((hidden,), dtype=jnp.float32)
    W2 = jax.random.normal(ks[3], (hidden, num_classes), dtype=jnp.float32) * (1.0 / np.sqrt(hidden))
    b2 = jnp.zeros((num_classes,), dtype=jnp.float32)
    return {"fine": fine, "coarse": coarse, "W1": W1, "b1": b1, "W2": W2, "b2": b2}


def reference(fine, coarse, W1, b1, W2, b2):
    N, k, beta = 1024, 7, 0.75
    pkey = jax.random.key(42)
    points = sampling_points(coarse, N, k, beta, pkey)
    coarse_s = point_sample(coarse, points)  # [B, 7, N]
    fine_s = point_sample(fine, points)      # [B, 128, N]
    feat = jnp.concatenate([coarse_s, fine_s], axis=1)  # [B, 135, N]
    # mlp applied on transposed features: [B, N, 135] -> [B, N, 7] -> [B, 7, N]
    h = jnp.maximum(jnp.einsum('bcn,ch->bhn', feat, W1) + b1[None, :, None], 0.0)
    rend = jnp.einsum('bhn,hc->bcn', h, W2) + b2[None, :, None]
    return rend, points

if __name__ == "__main__":
    import jax
    _d = setup_inputs()
    print(jax.jit(kernel)(*tuple(_d.values())))

</pallas_src>

<mosaic_0001>
module attributes {stable_mosaic.version = 14 : i64} {
  func.func @_mlp_body(%arg0: i32, %arg1: memref<1x1024x135xf32, #tpu.memory_space<vmem>>, %arg2: memref<135x256xf32, #tpu.memory_space<vmem>>, %arg3: memref<256xf32, #tpu.memory_space<vmem>>, %arg4: memref<256x128xf32, #tpu.memory_space<vmem>>, %arg5: memref<128xf32, #tpu.memory_space<vmem>>, %arg6: memref<1x1024x128xf32, #tpu.memory_space<vmem>>) attributes {dimension_semantics = [#tpu.dimension_semantics<arbitrary>], iteration_bounds = array<i64: 4>, scalar_prefetch = 0 : i64, scratch_operands = 0 : i64, tpu.core_type = #tpu.core_type<tc>, window_params = [{transform_indices = @transform_0, window_bounds = array<i64: 1, 1024, 135>}, {pipeline_mode = #tpu.pipeline_mode<synchronous>, transform_indices = @transform_1, window_bounds = array<i64: 135, 256>}, {pipeline_mode = #tpu.pipeline_mode<synchronous>, transform_indices = @transform_2, window_bounds = array<i64: 256>}, {pipeline_mode = #tpu.pipeline_mode<synchronous>, transform_indices = @transform_3, window_bounds = array<i64: 256, 128>}, {pipeline_mode = #tpu.pipeline_mode<synchronous>, transform_indices = @transform_4, window_bounds = array<i64: 128>}, {transform_indices = @transform_5, window_bounds = array<i64: 1, 1024, 128>}]} {
    %get3A = arith.constant 0 : index
    %get3A_0 = arith.constant 0 : index
    %get3A_1 = arith.constant 0 : index
    %get3A_2 = vector.load %arg1[%get3A, %get3A_0, %get3A_1] : memref<1x1024x135xf32, #tpu.memory_space<vmem>>, vector<1x1024x135xf32>
    %get3A_3 = vector.shape_cast %get3A_2 : vector<1x1024x135xf32> to vector<1024x135xf32>
    %get3A_4 = arith.constant 0 : index
    %get3A_5 = arith.constant 0 : index
    %get3A_6 = vector.load %arg2[%get3A_4, %get3A_5] : memref<135x256xf32, #tpu.memory_space<vmem>>, vector<135x256xf32>
    %dot_general3A = arith.constant dense<0.000000e+00> : vector<1024x256xf32>
    %dot_general3A_7 = tpu.matmul %get3A_3, %get3A_6, %dot_general3A {dimension_numbers = #tpu.dot_dimension_numbers<[1], [0], [0], [1], [0, 0, 1, 1], [], []>, transpose_lhs_hint = false} : vector<1024x135xf32>, vector<135x256xf32>, vector<1024x256xf32> -> vector<1024x256xf32>
    %get3A_8 = arith.constant 0 : index
    %get3A_9 = vector.load %arg3[%get3A_8] : memref<256xf32, #tpu.memory_space<vmem>>, vector<256xf32>
    %broadcast_in_dim3A = vector.shape_cast %get3A_9 : vector<256xf32> to vector<1x256xf32>
    %add3A = vector.broadcast %broadcast_in_dim3A : vector<1x256xf32> to vector<1024x256xf32>
    %add3A_10 = arith.addf %dot_general3A_7, %add3A : vector<1024x256xf32>
    %max3A = arith.constant 0.000000e+00 : f32
    %max3A_11 = vector.broadcast %max3A : f32 to vector<1024x256xf32>
    %max3A_12 = arith.maximumf %add3A_10, %max3A_11 : vector<1024x256xf32>
    %get3A_13 = arith.constant 0 : index
    %get3A_14 = arith.constant 0 : index
    %get3A_15 = vector.load %arg4[%get3A_13, %get3A_14] : memref<256x128xf32, #tpu.memory_space<vmem>>, vector<256x128xf32>
    %dot_general3A_16 = arith.constant dense<0.000000e+00> : vector<1024x128xf32>
    %dot_general3A_17 = tpu.matmul %max3A_12, %get3A_15, %dot_general3A_16 {dimension_numbers = #tpu.dot_dimension_numbers<[1], [0], [0], [1], [0, 0, 1, 1], [], []>, transpose_lhs_hint = false} : vector<1024x256xf32>, vector<256x128xf32>, vector<1024x128xf32> -> vector<1024x128xf32>
    %get3A_18 = arith.constant 0 : index
    %get3A_19 = vector.load %arg5[%get3A_18] : memref<128xf32, #tpu.memory_space<vmem>>, vector<128xf32>
    %broadcast_in_dim3A_20 = vector.shape_cast %get3A_19 : vector<128xf32> to vector<1x128xf32>
    %add3A_21 = vector.broadcast %broadcast_in_dim3A_20 : vector<1x128xf32> to vector<1024x128xf32>
    %add3A_22 = arith.addf %dot_general3A_17, %add3A_21 : vector<1024x128xf32>
    %swap3A = arith.constant 0 : index
    %swap3A_23 = arith.constant 0 : index
    %swap3A_24 = arith.constant 0 : index
    %swap3A_25 = vector.load %arg6[%swap3A, %swap3A_23, %swap3A_24] : memref<1x1024x128xf32, #tpu.memory_space<vmem>>, vector<1x1024x128xf32>
    %swap3A_26 = vector.shape_cast %swap3A_25 : vector<1x1024x128xf32> to vector<1024x128xf32>
    %swap3A_27 = vector.shape_cast %add3A_22 : vector<1024x128xf32> to vector<1x1024x128xf32>
    tpu.vector_store %arg6[%swap3A, %swap3A_23, %swap3A_24], %swap3A_27 {strides = array<i32>} : memref<1x1024x128xf32, #tpu.memory_space<vmem>>, vector<1x1024x128xf32>,
    return
  }
  func.func @transform_0(%arg0: i32) -> (i32, i32, i32) {
    %c0_i32 = arith.constant 0 : i32
    %c0_i32_0 = arith.constant 0 : i32
    %c0_i32_1 = arith.constant 0 : i32
    return %arg0, %c0_i32, %c0_i32_0 : i32, i32, i32
  }
  func.func @transform_1(%arg0: i32) -> (i32, i32) {
    %c0_i32 = arith.constant 0 : i32
    %c0_i32_0 = arith.constant 0 : i32
    %c0_i32_1 = arith.constant 0 : i32
    return %c0_i32, %c0_i32_0 : i32, i32
  }
  func.func @transform_2(%arg0: i32) -> i32 {
    %c0_i32 = arith.constant 0 : i32
    %c0_i32_0 = arith.constant 0 : i32
    return %c0_i32 : i32
  }
  func.func @transform_3(%arg0: i32) -> (i32, i32) {
    %c0_i32 = arith.constant 0 : i32
    %c0_i32_0 = arith.constant 0 : i32
    %c0_i32_1 = arith.constant 0 : i32
    return %c0_i32, %c0_i32_0 : i32, i32
  }
  func.func @transform_4(%arg0: i32) -> i32 {
    %c0_i32 = arith.constant 0 : i32
    %c0_i32_0 = arith.constant 0 : i32
    return %c0_i32 : i32
  }
  func.func @transform_5(%arg0: i32) -> (i32, i32, i32) {
    %c0_i32 = arith.constant 0 : i32
    %c0_i32_0 = arith.constant 0 : i32
    %c0_i32_1 = arith.constant 0 : i32
    return %arg0, %c0_i32, %c0_i32_0 : i32, i32, i32
  }
}

</mosaic_0001>

<sc_bundles>
// kernel: gather_offload_async_start.10
scs
__scs_entry_jumppad:
0x0: {  	(pc) =	sbr.rel $0x88, $3  }
0x1: {  	(tag) =	ssettag $0x0;
	lr =	simm.s32 $0x1  }
0x2: {  	[smem:$0x3F9B] =	sst lr;
	_ =	strace $0xD0000000  }
0x3: {  	_ = 	snop  }
0x4: {  	_ = 	snop  }
0x5: {  	_ = 	snop  }
0x6: {  	_ = 	snop  }
0x7: {  	_ = 	snop  }
__scs_overlays_trampoline_lowered:
0x8: {  	[smem:$0x3FAA] =	sst s0  }
0x9: {  	[smem:$0x3FAB] =	sst s1  }
0xa: {  	[smem:$0x3FAC] =	sst s2  }
0xb: {  	[smem:$0x3FAD] =	sst s3  }
0xc: {  	[smem:$0x3FAE] =	sst s4  }
0xd: {  	[smem:$0x3FAF] =	sst s5  }
0xe: {  	[smem:$0x3FB0] =	sst s6  }
0xf: {  	[smem:$0x3FB1] =	sst s7  }
0x10: {  	[smem:$0x3FB2] =	sst s8  }
0x11: {  	[smem:$0x3FB3] =	sst s9;
	s0 =	simm.s32 @!p0 $0x0  }
0x12: {  	s1 =	sld [smem:$0x3F99];
	s0 =	simm.s32 @p0 $0x1  }
0x13: {  	[smem:$0x3FB4] =	sst s0;
	s0 =	simm.s32 @!p1 $0x0  }
0x14: {  	s2 =	sld [smem:$0x3F98];
	s0 =	simm.s32 @p1 $0x1  }
0x15: {  	[smem:$0x3FB5] =	sst s0;
	s0 =	simm.s32 @!p2 $0x0  }
0x16: {  	s3 =	sld [smem:$0x3FDB];
	s0 =	simm.s32 @p2 $0x1  }
0x17: {  	s4 =	simm.s32 $0x1BF5;
	[smem:$0x3FB7] =	sst s0  }
0x18: {  	s0 =	sld [smem:$0x3F9A];
	_ =	swait.ge [sflag:s4], $0x0  }
0x19: {  	s7 =	sld [smem:$0x3F9B]  }
0x1a: {  	s8 =	sadd.s32 $0xFFFFE003, lr  }
0x1b: {  	s9 =	sadd.s32 $0xFFFFFEF7, lr;
	s5 =	simm.s32 $0xFFFFFFFF;
	p2 =	slt.u32 s8, $0xFFFFF086  }
0x1c: {  	p1 =	slt.u32 s9, $0xF7A;
	s5 =	simm.s32 @!p2 $0x0  }
0x1d: {  	s5 =	simm.s32 @p1 $0x1;
	p0 =	seq.s32 s7, s2  }
0x1e: {  	s7 =	smul.u32 @!p0 $0xF7A, s2;
	p2 =	seq.s32 @!p0 s5, $0x0  }
0x1f: {  	s9 =	smul.u32 $0xF7A, s1;
	s8 =	simm.s32 @!p0 $0x1BF5;
	p2 =	por !p2, p0  }
0x20: {  	[sflag:s8] =	ssyncset.s32 @!p0 $0xFFFFF086;
	s6 =	sadd.s32 @!p0 s3, s7;
	s7 =	simm.s32 @!p0 $0x108  }
0x21: {  	s3 =	sadd.s32 s3, s9;
	s6 =	sadd.s32 @!p0 $0x88, s6;
	s7 =	simm.s32 @p2 $0x1082  }
0x22: {  	[simem:s7], [sflag:s8] =	dma.local @!p0 [hbm:s6], $0xF7A  }
0x23: {  	s9 =	sor.u32 $0xD0000000, s2;
	s6 =	simm.s32 $0x108;
	_ =	swait.ge @!p0 [sflag:s8], $0x0  }
0x24: {  	s3 =	sadd.s32 $0x88, s3;
	s6 =	simm.s32 @!p1 $0x1082;
	[sflag:s4] =	ssyncset.s32 $0xFFFFF086  }
0x25: {  	[simem:s6], [sflag:s4] =	dma.local [hbm:s3], $0xF7A  }
0x26: {  	[smem:$0x3F9B] =	sst s1;
	(tag) =	ssettag s2;
	_ =	strace s9  }
0x27: {  	s1 =	sld [smem:$0x3FAB]  }
0x28: {  	s2 =	sld [smem:$0x3FAC]  }
0x29: {  	s4 =	sld [smem:$0x3FAE]  }
0x2a: {  	p0 =	seq.s32 s5, $0x0;
	s5 =	sld [smem:$0x3FAF]  }
0x2b: {  	s6 =	sld [smem:$0x3FB0]  }
0x2c: {  	s7 =	sld [smem:$0x3FB1]  }
0x2d: {  	s3 =	simm.s32 $0x108;
	s8 =	sld [smem:$0x3FB2]  }
0x2e: {  	s3 =	simm.s32 @!p0 $0x1082;
	s9 =	sld [smem:$0x3FB3]  }
0x2f: {  	lr =	sadd.s32 s0, s3;
	s0 =	sld [smem:$0x3FAA]  }
0x30: {  	s3 =	sld [smem:$0x3FAD]  }
0x31: {  	[smem:$0x3FB6] =	sst s10  }
0x32: {  	s10 =	sld [smem:$0x3FB4];
	_ =	sdelay $0x3  }
0x33: {  	p0 =	seq.s32 s10, $0x1;
	s10 =	sld [smem:$0x3FB6];
	_ =	sdelay $0x3  }
0x34: {  	[smem:$0x3FB6] =	sst s10  }
0x35: {  	s10 =	sld [smem:$0x3FB5];
	_ =	sdelay $0x3  }
0x36: {  	p1 =	seq.s32 s10, $0x1;
	s10 =	sld [smem:$0x3FB6];
	_ =	sdelay $0x3  }
0x37: {  	[smem:$0x3FB6] =	sst s10  }
0x38: {  	s10 =	sld [smem:$0x3FB7]  }
0x39: {  	_ = 	snop;
	(pc) =	sbr.ind lr, $3  }
0x3a: {  	_ = 	snop  }
0x3b: {  	_ = 	snop  }
0x3c: {  	p2 =	seq.s32 s10, $0x1;
	s10 =	sld [smem:$0x3FB6]  }
0x3d: {  	_ =	shalt  }
0x3e: {  	_ =	shalt  }
0x3f: {  	_ =	shalt  }
0x40: {  	_ =	shalt  }
0x41: {  	_ =	shalt  }
0x42: {  	_ =	shalt  }
0x43: {  	_ =	shalt  }
0x44: {  	_ =	shalt  }
0x45: {  	_ =	shalt  }
0x46: {  	_ =	shalt  }
0x47: {  	_ =	shalt  }
0x48: {  	_ =	shalt  }
0x49: {  	_ =	shalt  }
0x4a: {  	_ =	shalt  }
0x4b: {  	_ =	shalt  }
0x4c: {  	_ =	shalt  }
0x4d: {  	_ =	shalt  }
0x4e: {  	_ =	shalt  }
0x4f: {  	_ =	shalt  }
0x50: {  	_ =	shalt  }
0x51: {  	_ =	shalt  }
0x52: {  	_ =	shalt  }
0x53: {  	_ =	shalt  }
0x54: {  	_ =	shalt  }
0x55: {  	_ =	shalt  }
0x56: {  	_ =	shalt  }
0x57: {  	_ =	shalt  }
0x58: {  	_ =	shalt  }
0x59: {  	_ =	shalt  }
0x5a: {  	_ =	shalt  }
0x5b: {  	_ =	shalt  }
0x5c: {  	_ =	shalt  }
0x5d: {  	_ =	shalt  }
0x5e: {  	_ =	shalt  }
0x5f: {  	_ =	shalt  }
0x60: {  	_ =	shalt  }
0x61: {  	_ =	shalt  }
0x62: {  	_ =	shalt  }
0x63: {  	_ =	shalt  }
0x64: {  	_ =	shalt  }
0x65: {  	_ =	shalt  }
0x66: {  	_ =	shalt  }
0x67: {  	_ =	shalt  }
0x68: {  	_ =	shalt  }
0x69: {  	_ =	shalt  }
0x6a: {  	_ =	shalt  }
0x6b: {  	_ =	shalt  }
0x6c: {  	_ =	shalt  }
0x6d: {  	_ =	shalt  }
0x6e: {  	_ =	shalt  }
0x6f: {  	_ =	shalt  }
0x70: {  	_ =	shalt  }
0x71: {  	_ =	shalt  }
0x72: {  	_ =	shalt  }
0x73: {  	_ =	shalt  }
0x74: {  	_ =	shalt  }
0x75: {  	_ =	shalt  }
0x76: {  	_ =	shalt  }
0x77: {  	_ =	shalt  }
0x78: {  	_ =	shalt  }
0x79: {  	_ =	shalt  }
0x7a: {  	_ =	shalt  }
0x7b: {  	_ =	shalt  }
0x7c: {  	_ =	shalt  }
0x7d: {  	_ =	shalt  }
0x7e: {  	_ =	shalt  }
0x7f: {  	_ =	shalt  }
0x80: {  	_ =	shalt  }
0x81: {  	_ =	shalt  }
0x82: {  	_ =	shalt  }
0x83: {  	_ =	shalt  }
0x84: {  	_ =	shalt  }
0x85: {  	_ =	shalt  }
0x86: {  	_ =	shalt  }
0x87: {  	_ =	shalt  }
.Lfunc_end0:
.L_simem_size_0:
called_computation.10_lowered:
.L_overlay_start_0:
0x88: {  	s2 =	sld [smem:$0x3FD9]  }
0x89: {  	s3 =	sld [smem:$0x3FFE];
	_ =	sdelay $0x1  }
0x8a: {  	s1 =	srdreg.scid  }
0x8b: {  	s0 =	sand.u32 $0x1, s1  }
0x8c: {  	s16 =	sshll.u32 s0, $0xA;
	s2 =	sadd.s32 s3, s2  }
0x8d: {  	s2 =	sadd.s32 s2, s16  }
0x8e: {  	[smem:$0x3FC2] =	sst s2  }
0x8f: {  	_ = 	snop  }
0x90: {  	(tm) =	ssettm $0x1  }
0x91: {  	s17 =	sld [smem:$0x3FFB];
	_ =	sdelay $0x3  }
0x92: {  	_ =	strace s17  }
0x93: {  	s2 =	sld [smem:$0x3FFC];
	_ =	sdelay $0x3  }
0x94: {  	_ =	strace s2  }
0x95: {  	s2 =	sld [smem:$0x3FFD];
	_ =	sdelay $0x3  }
0x96: {  	_ =	strace s2  }
0x97: {  	_ =	strace $0x8FFFFFFF  }
0x98: {  	s18 =	sld [smem:$0x3FDB];
	_ =	sdelay $0x1  }
0x99: {  	s19 =	simm.s32 $_scs_section_size  }
0x9a: {  	s4 =	simm.s32 $_size__tile_overlayer_lowered;
	s5 =	simm.s32 $_tile_overlayer_lowered  }
0x9b: {  	s22 =	simm.s32 $0x1BFF;
	s21 =	sshll.u32 s5, $0x1;
	s2 =	sadd.s32 s19, s18  }
0x9c: {  	s6 =	simm.s32 $0x0;
	s20 =	sshll.u32 s4, $0x1;
	s4 =	sadd.s32 s21, s2  }
0x9d: {  	[timem:s6], [sflag:s22] =	dma.local [hbm:s4], s20  }
0x9e: {  	_ =	swait.ge [sflag:s22], s20  }
0x9f: {  	s3 =	ssub.s32 $0x0, s20;
	[sflag:s22] =	ssyncset.done $0x0  }
0xa0: {  	[sflag:s22] =	ssyncadd.s32 s3;
	_ =	sdelay $0x1  }
0xa1: {  	s23 =	simm.s32 $0x1B8B  }
0xa2: {  	_ =	swait.ge [sflag:s23], $0x1  }
0xa3: {  	[sflag:s23] =	ssyncset.done $0x0  }
0xa4: {  	s25 =	simm.s32 $0x1B8E;
	s24 =	sld [smem:$0x3FFE];
	[sflag:s23] =	ssyncadd.s32 $0xFFFFFFFF  }
0xa5: {  	s26 =	simm.s32 $execute0_lowered;
	[smem:$0x3FD2] =	sst s25  }
0xa6: {  	s4 =	sshll.u32 s26, $0x1;
	_ =	strace $0x80000064;
	[dreg:$0x1] =	wrdreg $0xFFFFFFFF  }
0xa7: {  	s28 =	simm.s32 $_size_execute0_lowered;
	s2 =	sadd.s32 s2, s4;
	[dreg:$0x0] =	wrdreg $0x0  }
0xa8: {  	s4 =	sshll.u32 s28, $0x1;
	[dreg:$0x2] =	wrdreg s2  }
0xa9: {  	[dreg:$0x3] =	wrdreg s4  }
0xaa: {  	[dreg:$0x4] =	wrdreg $0xC0  }
0xab: {  	_ =	task [dreg:s6], $0x5FFFF  }
0xac: {  	[dreg:$0x1] =	wrdreg $0xFFFFFFFF  }
0xad: {  	[dreg:$0x0] =	wrdreg $0x60  }
0xae: {  	[dreg:$0x2] =	wrdreg s24  }
0xaf: {  	[dreg:$0x3] =	wrdreg $0x9  }
0xb0: {  	_ =	task.clear_ibuf [dreg:s6], $0x4FFFF;
	_ =	strace $0x90000064  }
0xb1: {  	s29 =	simm.s32 $0x9;
	_ =	strace $0x80000066  }
0xb2: {  	_ =	swait.ge [sflag:s29], $0x1  }
0xb3: {  	[sflag:s29] =	ssyncadd.s32 $0xFFFFFFFF  }
0xb4: {  	_ =	strace $0x90000066  }
0xb5: {  	_ =	sfence  }
0xb6: {  	s30 =	sld [smem:$0x0];
	_ =	sdelay $0x2  }
0xb7: {  	s31 =	sshll.u32 s1, $0xD;
	s1 =	sshrl.u32 s1, $0x2  }
0xb8: {  	s3 =	sand.u32 $0x4000, s31;
	s1 =	sadd.s32 s1, s30  }
0xb9: {  	s0 =	sor.u32 s3, s0;
	s1 =	sshll.u32 s1, $0x11  }
0xba: {  	s0 =	sor.u32 s1, s0  }
0xbb: {  	s0 =	sadd.s32 $0x8F2B, s0  }
0xbc: {  	[sflag:s0] =	ssyncadd.remote.s32 $0x1  }
0xbd: {  	_ =	sfence.sel $0xFFFF  }
0xbe: {  	[dreg:$0x0] =	wrdreg $0xFFFFFFFF;
	(pc) =	sbr.abs _section_cstart, $3  }
0xbf: {  	[dreg:$0x1] =	wrdreg $0xFFFFFFFF  }
0xc0: {  	_ =	task.clear_ibuf [dreg:s6], $0x2FFFF;
	_ =	strace $0x9FFFFFFF  }
0xc1: {  	(tm) =	ssettm $0x7FFFFFFF  }
tec
execute0_lowered:
.L_overlay_start_1:
0x0: {  	(tag) =	ssettag $0x1  }
0x1: {  	s0 =	srdreg.scid;
	s5 =	rddreg [dreg:$0x0]  }
0x2: {  	s1 =	stileid.u32;
	s6 =	simm.s32 $0x1;
	s9 =	simm.s32 $0x1  }
0x3: {  	s10 =	simm.s32 $0x3;
	s13 =	simm.s32 $0x0;
	s2 =	sshll.u32 s0, $0xD  }
0x4: {  	s12 =	simm.s32 $0x0;
	s3 =	sshll.u32 s1, $0xE;
	s2 =	sand.u32 $0x2000, s2  }
0x5: {  	s0 =	rddreg [dreg:$0x1];
	_ =	strace $0x80000065;
	s2 =	sor.u32 s3, s2  }
0x6: {  	s4 =	sadd.s32 $0x24200, s5;
	[sflag:s6] =	ssyncpa.u1 $0x0;
	s8 =	ssub.s32 $0x80000, s2  }
.Ltmp0:
0x7: {  	s3 =	sadd.s32 $0xBFE00, s5;
	s7 =	sand.u32 $0x3E000, s8;
	(pc) =	sbr.rel .LBB2_1-.Ltmp0, $4  }
0x8: {  	s5 =	sadd.s32 $0x84600, s5;
	s11 =	smov.u32 s2;
	p0 =	sne.s32 s7, $0x0  }
0x9: {  	s8 =	sshrl.u32 s8, $0x12;
	s7 =	simm.s32 $0x2;
	s9 =	simm.s32 @!p0 $0x0  }
0xa: {  	[sflag:s7] =	ssyncpa.u1 $0x0;
	p0 =	por $0x0, $0x0;
	s8 =	sadd.s32 s9, s8  }
0xb: {  	vm0 =	vmmov $0xffff;
	[sflag:s10] =	ssyncpa.u1 $0x0;
	s10 =	simm.s32 $0x0;
	s9 =	sadd.s32 $0x1, s8  }
.LBB2_4:
0xc: {  	v3 =	vshrl.u32 v0, $0x2;
	v4 =	vshrl.u32 v0, $0x9;
	v1 =	vor.u32 v1, v2  }
0xd: {  	v62 =	vshll.u32 v0, $0x17;
	v60 =	vand.u32 $0x7F, v3;
	v61 =	vand.u32 $0xFFFF, v4  }
0xe: {  	v0 =	vand.u32 $0x1800000, v62;
	v2 =	vsel vm1, $0xFFFFFFFF, v60;
	v3 =	vsel vm1, $0xFFFFFFFF, v61  }
0xf: {  	v0 =	vsel vm1, $0xFF800000, v0;
	v63 =	vand.u32 $0x7F, v3;
	v5 =	vshll.u32 v2, $0x10  }
0x10: {  	v3 =	vshll.u32 v3, $0x3;
	v5 =	vand.u32 $0xFFF80000, v5;
	v0 =	vor.u32 v0, v63  }
0x11: {  	v2 =	vshll.u32 v2, $0x7;
	v3 =	vand.u32 $0xFFFFFC00, v3;
	v0 =	vadd.s32 v5, v0  }
0x12: {  	v2 =	vand.u32 $0x380, v2;
	v0 =	vadd.s32 v3, v0  }
0x13: {  	v0 =	vor.u32 v2, v0;
	_ =	sdelay $0x1  }
0x14: {  	(ifvalue) =	ssetifvalue $0x7FFFFFFF;
	s14 =	sadd.s32 $0x10, s14  }
0x15: {  	[tilespmem:s14], [sflag:$0x1] =	stream.indirect_vreg.gather [hbm4b:s3+s10], $0x1, v1, vm0, $0x4038;
	[tilespmem:$0x8000] =	vst v63  }
0x16: {  	(ifvalue) =	ssetifvalue $0x7FFFFFFF;
	s14 =	sadd.s32 $0x10, s14  }
0x17: {  	[tilespmem:s14], [sflag:$0x1] =	stream.indirect_vreg.gather [hbm4b:s3+s10], $0x1, v0, vm0, $0x4038;
	[tilespmem:$0x8000] =	vst v63  }
0x18: {  	_ =	swait.ge [sflag:s6], $0x2000  }
0x19: {  	s30 =	sshrl.u32 s13, $0x3;
	[sflag:s6] =	ssyncset.done $0x0  }
0x1a: {  	s31 =	sand.u32 $0x7, s13;
	s14 =	sadd.s32 s5, s30;
	[sflag:s6] =	ssyncadd.s32 $0xFFFFE000  }
0x1b: {  	[hbm4b:s14+s31] =	stream.linear.scatter [tilespmem:s15], [sflag:$0x3], $0x2000, $0x38;
	[tilespmem:$0x8000] =	vst v63  }
.LBB2_5:
0x1c: {  	s15 =	sadd.s32 $0x40000, s11  }
0x1d: {  	p2 =	sgt.s32 s15, $0x7FFFF  }
0x1e: {  	s15 =	smov.u32 @p2 s2;
	p2 =	sne.s32 s12, s9  }
.Ltmp1:
0x1f: {  	p1 =	slt.u32 s12, $0x2;
	(pc) =	sbr.rel @!p2 .LBB2_6-.Ltmp1, $4  }
0x20: {  	s14 =	simm.s32 @!p1 $0x3  }
0x21: {  	s16 =	sadd.s32 $0x1, s12;
	_ =	swait.ge @!p1 [sflag:s14], $0x2000  }
0x22: {  	s13 =	smov.u32 s11;
	p0 =	por !p0, !p0;
	[sflag:s14] =	ssyncset.done @!p1 $0x0  }
0x23: {  	s12 =	smov.u32 s16;
	s11 =	smov.u32 s15;
	[sflag:s14] =	ssyncadd.s32 @!p1 $0xFFFFE000  }
.LBB2_1:
0x24: {  	p1 =	sge.u32 s12, s8  }
0x25: {  	s14 =	sxor.u32 @!p1 $0xFFFFFFFF, s12  }
0x26: {  	s31 =	sadd.s32 $0xFFFFFFFF, s12;
	s15 =	sshrl.u32 @!p1 s11, $0x3;
	s14 =	sshll.u32 @!p1 s14, $0xD  }
0x27: {  	s16 =	sand.u32 @!p1 $0x7, s11;
	s15 =	sadd.s32 @!p1 s4, s15;
	s14 =	sand.u32 @!p1 $0x2000, s14  }
0x28: {  	[tilespmem:s14], [sflag:$0x2] =	stream.linear.gather @!p1 [hbm4b:s15+s16], $0x2000, $0x38;
	[tilespmem:$0x8000] =	vst v63  }
0x29: {  	p1 =	sge.u32 s31, s8  }
.Ltmp2:
0x2a: {  	_ = 	snop;
	(pc) =	sbr.rel @p1 .LBB2_5-.Ltmp2, $1  }
0x2b: {  	_ =	sdelay $0x3  }
0x2c: {  	s14 =	simm.s32 $0x1  }
0x2d: {  	_ =	swait.ge [sflag:s7], $0x2000;
	s14 =	simm.s32 @!p0 $0x0  }
0x2e: {  	[sflag:s7] =	ssyncset.done $0x0;
	s14 =	sshll.u32 s14, $0xD  }
0x2f: {  	[sflag:s7] =	ssyncadd.s32 $0xFFFFE000;
	(ifvalue) =	ssetifvalue $0x7FFFFFFF;
	v0 =	vld.msk [tilespmem:s14+$0x0 ss:$0x1], $0xffff;
	_ =	sdelay $0x4  }
0x30: {  	s15 =	sadd.s32 $0x10, s14;
	vm1 =	veq.s32 v0, $0x80000000;
	v1 =	vshrl.u32 v0, $0x2;
	v2 =	vshrl.u32 v0, $0x9  }
0x31: {  	v3 =	vld.msk [tilespmem:s15+$0x0 ss:$0x1], $0xffff;
	v0 =	vshll.u32 v0, $0x17;
	v1 =	vand.u32 $0x7F, v1;
	v2 =	vand.u32 $0xFFFF, v2  }
0x32: {  	v0 =	vand.u32 $0x1800000, v0;
	v1 =	vsel vm1, $0xFFFFFFFF, v1;
	v2 =	vsel vm1, $0xFFFFFFFF, v2  }
0x33: {  	v0 =	vsel vm1, $0xFF800000, v0;
	v4 =	vand.u32 $0x7F, v2;
	v5 =	vshll.u32 v1, $0x10  }
0x34: {  	v2 =	vshll.u32 v2, $0x3;
	v5 =	vand.u32 $0xFFF80000, v5;
	v0 =	vor.u32 v0, v4  }
0x35: {  	v1 =	vshll.u32 v1, $0x7;
	v2 =	vand.u32 $0xFFFFFC00, v2;
	v0 =	vadd.s32 v5, v0  }
0x36: {  	v62 =	vshrl.u32 v3, $0x9;
	v1 =	vand.u32 $0x380, v1;
	v0 =	vadd.s32 v2, v0  }
0x37: {  	s17 =	sadd.s32 $0x10, s15;
	vm1 =	veq.s32 v3, $0x80000000;
	v2 =	vshrl.u32 v3, $0x2;
	v1 =	vor.u32 v1, v0  }
0x38: {  	v4 =	vand.u32 $0xFFFF, v62;
	v3 =	vshll.u32 v3, $0x17;
	v0 =	vld.msk [tilespmem:s17+$0x0 ss:$0x1], $0xffff;
	v2 =	vand.u32 $0x7F, v2  }
0x39: {  	v4 =	vsel vm1, $0xFFFFFFFF, v4;
	v3 =	vand.u32 $0x1800000, v3;
	v2 =	vsel vm1, $0xFFFFFFFF, v2  }
0x3a: {  	s31 =	sshll.u32 s12, $0xD;
	v63 =	vand.u32 $0x7F, v4;
	v3 =	vsel vm1, $0xFF800000, v3;
	v6 =	vshll.u32 v2, $0x10  }
0x3b: {  	s14 =	sor.u32 $0x4000, s14;
	s15 =	sand.u32 $0x2000, s31;
	v4 =	vshll.u32 v4, $0x3;
	(ifvalue) =	ssetifvalue $0x7FFFFFFF;
	v3 =	vor.u32 v3, v63;
	v6 =	vand.u32 $0xFFF80000, v6  }
0x3c: {  	v4 =	vand.u32 $0xFFFFFC00, v4;
	[tilespmem:s14], [sflag:$0x1] =	stream.indirect_vreg.gather [hbm4b:s3+s10], $0x1, v1, vm0, $0x4038;
	v1 =	vshll.u32 v2, $0x7;
	v2 =	vadd.s32 v6, v3;
	[tilespmem:$0x8000] =	vst v63  }
0x3d: {  	s16 =	simm.s32 $0x20;
	s15 =	sor.u32 $0x4000, s15;
	s17 =	sadd.s32 $0x10, s17;
	vm1 =	veq.s32 v0, $0x80000000;
	v1 =	vand.u32 $0x380, v1;
	v2 =	vadd.s32 v4, v2  }
.LBB2_3:
0x3e: {  	v3 =	vld.msk [tilespmem:s17+$0x0 ss:$0x1], $0xffff;
	v4 =	vshrl.u32 v0, $0x2;
	v5 =	vshrl.u32 v0, $0x9;
	v1 =	vor.u32 v1, v2;
	s16 =	sadd.s32 $0x10, s16  }
0x3f: {  	v0 =	vshll.u32 v0, $0x17;
	v2 =	vand.u32 $0x7F, v4;
	v4 =	vand.u32 $0xFFFF, v5;
	p1 =	slt.u32 s16, $0x1FF0  }
.Ltmp3:
0x40: {  	v0 =	vand.u32 $0x1800000, v0;
	v2 =	vsel vm1, $0xFFFFFFFF, v2;
	v4 =	vsel vm1, $0xFFFFFFFF, v4;
	(pc) =	sbr.rel @p1 .LBB2_3-.Ltmp3, $4  }
0x41: {  	v0 =	vsel vm1, $0xFF800000, v0;
	v5 =	vand.u32 $0x7F, v4;
	v6 =	vshll.u32 v2, $0x10  }
0x42: {  	s14 =	sadd.s32 $0x10, s14;
	v4 =	vshll.u32 v4, $0x3;
	v6 =	vand.u32 $0xFFF80000, v6;
	v7 =	vor.u32 v0, v5;
	(ifvalue) =	ssetifvalue $0x7FFFFFFF  }
0x43: {  	v2 =	vshll.u32 v2, $0x7;
	v4 =	vand.u32 $0xFFFFFC00, v4;
	v5 =	vadd.s32 v6, v7;
	[tilespmem:s14], [sflag:$0x1] =	stream.indirect_vreg.gather [hbm4b:s3+s10], $0x1, v1, vm0, $0x4038;
	[tilespmem:$0x8000] =	vst v63  }
0x44: {  	s17 =	sadd.s32 $0x10, s17;
	vm1 =	veq.s32 v3, $0x80000000;
	v1 =	vand.u32 $0x380, v2;
	v0 =	vmovc v3;
	v2 =	vadd.s32 v4, v5  }
.Ltmp4:
0x45: {  	_ = 	snop;
	(pc) =	sbr.rel .LBB2_4-.Ltmp4, $1  }
0x46: {  	_ =	sdelay $0x3  }
.LBB2_6:
0x47: {  	_ =	sfence.sel $0x180000  }
0x48: {  	s2 =	simm.s32 $0x2;
	[bflag:$0x0] =	sbarrier.arrive $0xFFFF  }
0x49: {  	s30 =	simm.s32 $0x3;
	[sflag:s2] =	ssyncpa.u1 $0x1  }
0x4a: {  	s31 =	simm.s32 $0x1;
	[sflag:s30] =	ssyncpa.u1 $0x1  }
0x4b: {  	[sflag:s31] =	ssyncpa.u1 $0x1  }
0x4c: {  	p0 =	sne.s32 s1, $0x0;
	_ =	strace $0x90000065  }
0x4d: {  	s0 =	sadd.s32 @!p0 $0x100000, s0;
	[bflag:$0x2] =	sbarrier.arrive $0xFFFF  }
0x4e: {  	[sflag:s0] =	ssyncadd.tile.s32 @!p0 $0x1;
	_ =	shalt  }
.Lfunc_end2:
_tile_overlayer_lowered:
.L_overlay_start_2:
0x4f: {  	(tag) =	ssettag $0x2  }
0x50: {  	s0 =	rddreg [dreg:$0x0];
	s2 =	stileid.u32  }
0x51: {  	s1 =	rddreg [dreg:$0x1];
	p0 =	sne.s32 s2, $0x0  }
0x52: {  	s3 =	rddreg [dreg:$0x2];
	[bflag:$0x3] =	sbarrier.arrive $0xFFFF;
	s2 =	simm.s32 @!p0 $0x1C01  }
0x53: {  	[timem:s3], [sflag:s2] =	dma.local @!p0 [hbm:s0], s1  }
0x54: {  	s0 =	simm.s32 @!p0 $0x1  }
0x55: {  	_ =	swait.ge @!p0 [sflag:s0], s1  }
0x56: {  	s1 =	ssub.s32 @!p0 $0x0, s1;
	[sflag:s0] =	ssyncset.done @!p0 $0x0  }
0x57: {  	[sflag:s0] =	ssyncadd.s32 @!p0 s1  }
0x58: {  	[bflag:$0x3] =	sbarrier.arrive $0xFFFF  }
0x59: {  	_ =	shalt  }

// kernel: gather_offload_async_start.11
scs
__scs_entry_jumppad:
0x0: {  	(pc) =	sbr.rel $0x88, $3  }
0x1: {  	(tag) =	ssettag $0x0;
	lr =	simm.s32 $0x1  }
0x2: {  	[smem:$0x3F9B] =	sst lr;
	_ =	strace $0xD0000000  }
0x3: {  	_ = 	snop  }
0x4: {  	_ = 	snop  }
0x5: {  	_ = 	snop  }
0x6: {  	_ = 	snop  }
0x7: {  	_ = 	snop  }
__scs_overlays_trampoline_lowered:
0x8: {  	[smem:$0x3FAA] =	sst s0  }
0x9: {  	[smem:$0x3FAB] =	sst s1  }
0xa: {  	[smem:$0x3FAC] =	sst s2  }
0xb: {  	[smem:$0x3FAD] =	sst s3  }
0xc: {  	[smem:$0x3FAE] =	sst s4  }
0xd: {  	[smem:$0x3FAF] =	sst s5  }
0xe: {  	[smem:$0x3FB0] =	sst s6  }
0xf: {  	[smem:$0x3FB1] =	sst s7  }
0x10: {  	[smem:$0x3FB2] =	sst s8  }
0x11: {  	[smem:$0x3FB3] =	sst s9;
	s0 =	simm.s32 @!p0 $0x0  }
0x12: {  	s1 =	sld [smem:$0x3F99];
	s0 =	simm.s32 @p0 $0x1  }
0x13: {  	[smem:$0x3FB4] =	sst s0;
	s0 =	simm.s32 @!p1 $0x0  }
0x14: {  	s2 =	sld [smem:$0x3F98];
	s0 =	simm.s32 @p1 $0x1  }
0x15: {  	[smem:$0x3FB5] =	sst s0;
	s0 =	simm.s32 @!p2 $0x0  }
0x16: {  	s3 =	sld [smem:$0x3FDB];
	s0 =	simm.s32 @p2 $0x1  }
0x17: {  	s4 =	simm.s32 $0x1BF5;
	[smem:$0x3FB7] =	sst s0  }
0x18: {  	s0 =	sld [smem:$0x3F9A];
	_ =	swait.ge [sflag:s4], $0x0  }
0x19: {  	s7 =	sld [smem:$0x3F9B]  }
0x1a: {  	s8 =	sadd.s32 $0xFFFFE003, lr  }
0x1b: {  	s9 =	sadd.s32 $0xFFFFFEF7, lr;
	s5 =	simm.s32 $0xFFFFFFFF;
	p2 =	slt.u32 s8, $0xFFFFF086  }
0x1c: {  	p1 =	slt.u32 s9, $0xF7A;
	s5 =	simm.s32 @!p2 $0x0  }
0x1d: {  	s5 =	simm.s32 @p1 $0x1;
	p0 =	seq.s32 s7, s2  }
0x1e: {  	s7 =	smul.u32 @!p0 $0xF7A, s2;
	p2 =	seq.s32 @!p0 s5, $0x0  }
0x1f: {  	s9 =	smul.u32 $0xF7A, s1;
	s8 =	simm.s32 @!p0 $0x1BF5;
	p2 =	por !p2, p0  }
0x20: {  	[sflag:s8] =	ssyncset.s32 @!p0 $0xFFFFF086;
	s6 =	sadd.s32 @!p0 s3, s7;
	s7 =	simm.s32 @!p0 $0x108  }
0x21: {  	s3 =	sadd.s32 s3, s9;
	s6 =	sadd.s32 @!p0 $0x88, s6;
	s7 =	simm.s32 @p2 $0x1082  }
0x22: {  	[simem:s7], [sflag:s8] =	dma.local @!p0 [hbm:s6], $0xF7A  }
0x23: {  	s9 =	sor.u32 $0xD0000000, s2;
	s6 =	simm.s32 $0x108;
	_ =	swait.ge @!p0 [sflag:s8], $0x0  }
0x24: {  	s3 =	sadd.s32 $0x88, s3;
	s6 =	simm.s32 @!p1 $0x1082;
	[sflag:s4] =	ssyncset.s32 $0xFFFFF086  }
0x25: {  	[simem:s6], [sflag:s4] =	dma.local [hbm:s3], $0xF7A  }
0x26: {  	[smem:$0x3F9B] =	sst s1;
	(tag) =	ssettag s2;
	_ =	strace s9  }
0x27: {  	s1 =	sld [smem:$0x3FAB]  }
0x28: {  	s2 =	sld [smem:$0x3FAC]  }
0x29: {  	s4 =	sld [smem:$0x3FAE]  }
0x2a: {  	p0 =	seq.s32 s5, $0x0;
	s5 =	sld [smem:$0x3FAF]  }
0x2b: {  	s6 =	sld [smem:$0x3FB0]  }
0x2c: {  	s7 =	sld [smem:$0x3FB1]  }
0x2d: {  	s3 =	simm.s32 $0x108;
	s8 =	sld [smem:$0x3FB2]  }
0x2e: {  	s3 =	simm.s32 @!p0 $0x1082;
	s9 =	sld [smem:$0x3FB3]  }
0x2f: {  	lr =	sadd.s32 s0, s3;
	s0 =	sld [smem:$0x3FAA]  }
0x30: {  	s3 =	sld [smem:$0x3FAD]  }
0x31: {  	[smem:$0x3FB6] =	sst s10  }
0x32: {  	s10 =	sld [smem:$0x3FB4];
	_ =	sdelay $0x3  }
0x33: {  	p0 =	seq.s32 s10, $0x1;
	s10 =	sld [smem:$0x3FB6];
	_ =	sdelay $0x3  }
0x34: {  	[smem:$0x3FB6] =	sst s10  }
0x35: {  	s10 =	sld [smem:$0x3FB5];
	_ =	sdelay $0x3  }
0x36: {  	p1 =	seq.s32 s10, $0x1;
	s10 =	sld [smem:$0x3FB6];
	_ =	sdelay $0x3  }
0x37: {  	[smem:$0x3FB6] =	sst s10  }
0x38: {  	s10 =	sld [smem:$0x3FB7]  }
0x39: {  	_ = 	snop;
	(pc) =	sbr.ind lr, $3  }
0x3a: {  	_ = 	snop  }
0x3b: {  	_ = 	snop  }
0x3c: {  	p2 =	seq.s32 s10, $0x1;
	s10 =	sld [smem:$0x3FB6]  }
0x3d: {  	_ =	shalt  }
0x3e: {  	_ =	shalt  }
0x3f: {  	_ =	shalt  }
0x40: {  	_ =	shalt  }
0x41: {  	_ =	shalt  }
0x42: {  	_ =	shalt  }
0x43: {  	_ =	shalt  }
0x44: {  	_ =	shalt  }
0x45: {  	_ =	shalt  }
0x46: {  	_ =	shalt  }
0x47: {  	_ =	shalt  }
0x48: {  	_ =	shalt  }
0x49: {  	_ =	shalt  }
0x4a: {  	_ =	shalt  }
0x4b: {  	_ =	shalt  }
0x4c: {  	_ =	shalt  }
0x4d: {  	_ =	shalt  }
0x4e: {  	_ =	shalt  }
0x4f: {  	_ =	shalt  }
0x50: {  	_ =	shalt  }
0x51: {  	_ =	shalt  }
0x52: {  	_ =	shalt  }
0x53: {  	_ =	shalt  }
0x54: {  	_ =	shalt  }
0x55: {  	_ =	shalt  }
0x56: {  	_ =	shalt  }
0x57: {  	_ =	shalt  }
0x58: {  	_ =	shalt  }
0x59: {  	_ =	shalt  }
0x5a: {  	_ =	shalt  }
0x5b: {  	_ =	shalt  }
0x5c: {  	_ =	shalt  }
0x5d: {  	_ =	shalt  }
0x5e: {  	_ =	shalt  }
0x5f: {  	_ =	shalt  }
0x60: {  	_ =	shalt  }
0x61: {  	_ =	shalt  }
0x62: {  	_ =	shalt  }
0x63: {  	_ =	shalt  }
0x64: {  	_ =	shalt  }
0x65: {  	_ =	shalt  }
0x66: {  	_ =	shalt  }
0x67: {  	_ =	shalt  }
0x68: {  	_ =	shalt  }
0x69: {  	_ =	shalt  }
0x6a: {  	_ =	shalt  }
0x6b: {  	_ =	shalt  }
0x6c: {  	_ =	shalt  }
0x6d: {  	_ =	shalt  }
0x6e: {  	_ =	shalt  }
0x6f: {  	_ =	shalt  }
0x70: {  	_ =	shalt  }
0x71: {  	_ =	shalt  }
0x72: {  	_ =	shalt  }
0x73: {  	_ =	shalt  }
0x74: {  	_ =	shalt  }
0x75: {  	_ =	shalt  }
0x76: {  	_ =	shalt  }
0x77: {  	_ =	shalt  }
0x78: {  	_ =	shalt  }
0x79: {  	_ =	shalt  }
0x7a: {  	_ =	shalt  }
0x7b: {  	_ =	shalt  }
0x7c: {  	_ =	shalt  }
0x7d: {  	_ =	shalt  }
0x7e: {  	_ =	shalt  }
0x7f: {  	_ =	shalt  }
0x80: {  	_ =	shalt  }
0x81: {  	_ =	shalt  }
0x82: {  	_ =	shalt  }
0x83: {  	_ =	shalt  }
0x84: {  	_ =	shalt  }
0x85: {  	_ =	shalt  }
0x86: {  	_ =	shalt  }
0x87: {  	_ =	shalt  }
.Lfunc_end0:
.L_simem_size_0:
called_computation.11_lowered:
.L_overlay_start_0:
0x88: {  	s2 =	sld [smem:$0x3FD9]  }
0x89: {  	s3 =	sld [smem:$0x3FFE];
	_ =	sdelay $0x1  }
0x8a: {  	s1 =	srdreg.scid  }
0x8b: {  	s0 =	sand.u32 $0x1, s1  }
0x8c: {  	s16 =	sshll.u32 s0, $0xA;
	s2 =	sadd.s32 s3, s2  }
0x8d: {  	s2 =	sadd.s32 s2, s16  }
0x8e: {  	[smem:$0x3FC2] =	sst s2  }
0x8f: {  	_ = 	snop  }
0x90: {  	(tm) =	ssettm $0x1  }
0x91: {  	s17 =	sld [smem:$0x3FFB];
	_ =	sdelay $0x3  }
0x92: {  	_ =	strace s17  }
0x93: {  	s2 =	sld [smem:$0x3FFC];
	_ =	sdelay $0x3  }
0x94: {  	_ =	strace s2  }
0x95: {  	s2 =	sld [smem:$0x3FFD];
	_ =	sdelay $0x3  }
0x96: {  	_ =	strace s2  }
0x97: {  	_ =	strace $0x8FFFFFFF  }
0x98: {  	s18 =	sld [smem:$0x3FDB];
	_ =	sdelay $0x1  }
0x99: {  	s19 =	simm.s32 $_scs_section_size  }
0x9a: {  	s4 =	simm.s32 $_size__tile_overlayer_lowered;
	s5 =	simm.s32 $_tile_overlayer_lowered  }
0x9b: {  	s22 =	simm.s32 $0x1BFF;
	s21 =	sshll.u32 s5, $0x1;
	s2 =	sadd.s32 s19, s18  }
0x9c: {  	s6 =	simm.s32 $0x0;
	s20 =	sshll.u32 s4, $0x1;
	s4 =	sadd.s32 s21, s2  }
0x9d: {  	[timem:s6], [sflag:s22] =	dma.local [hbm:s4], s20  }
0x9e: {  	_ =	swait.ge [sflag:s22], s20  }
0x9f: {  	s3 =	ssub.s32 $0x0, s20;
	[sflag:s22] =	ssyncset.done $0x0  }
0xa0: {  	[sflag:s22] =	ssyncadd.s32 s3;
	_ =	sdelay $0x1  }
0xa1: {  	s23 =	simm.s32 $0x1B8B  }
0xa2: {  	_ =	swait.ge [sflag:s23], $0x1  }
0xa3: {  	[sflag:s23] =	ssyncset.done $0x0  }
0xa4: {  	s25 =	simm.s32 $0x1B8E;
	s24 =	sld [smem:$0x3FFE];
	[sflag:s23] =	ssyncadd.s32 $0xFFFFFFFF  }
0xa5: {  	s26 =	simm.s32 $execute0_lowered;
	[smem:$0x3FD2] =	sst s25  }
0xa6: {  	s4 =	sshll.u32 s26, $0x1;
	_ =	strace $0x80000067;
	[dreg:$0x1] =	wrdreg $0xFFFFFFFF  }
0xa7: {  	s28 =	simm.s32 $_size_execute0_lowered;
	s2 =	sadd.s32 s2, s4;
	[dreg:$0x0] =	wrdreg $0x0  }
0xa8: {  	s4 =	sshll.u32 s28, $0x1;
	[dreg:$0x2] =	wrdreg s2  }
0xa9: {  	[dreg:$0x3] =	wrdreg s4  }
0xaa: {  	[dreg:$0x4] =	wrdreg $0xC0  }
0xab: {  	_ =	task [dreg:s6], $0x5FFFF  }
0xac: {  	[dreg:$0x1] =	wrdreg $0xFFFFFFFF  }
0xad: {  	[dreg:$0x0] =	wrdreg $0x60  }
0xae: {  	[dreg:$0x2] =	wrdreg s24  }
0xaf: {  	[dreg:$0x3] =	wrdreg $0x9  }
0xb0: {  	_ =	task.clear_ibuf [dreg:s6], $0x4FFFF;
	_ =	strace $0x90000067  }
0xb1: {  	s29 =	simm.s32 $0x9;
	_ =	strace $0x80000069  }
0xb2: {  	_ =	swait.ge [sflag:s29], $0x1  }
0xb3: {  	[sflag:s29] =	ssyncadd.s32 $0xFFFFFFFF  }
0xb4: {  	_ =	strace $0x90000069  }
0xb5: {  	_ =	sfence  }
0xb6: {  	s30 =	sld [smem:$0x0];
	_ =	sdelay $0x2  }
0xb7: {  	s31 =	sshll.u32 s1, $0xD;
	s1 =	sshrl.u32 s1, $0x2  }
0xb8: {  	s3 =	sand.u32 $0x4000, s31;
	s1 =	sadd.s32 s1, s30  }
0xb9: {  	s0 =	sor.u32 s3, s0;
	s1 =	sshll.u32 s1, $0x11  }
0xba: {  	s0 =	sor.u32 s1, s0  }
0xbb: {  	s0 =	sadd.s32 $0x8F2B, s0  }
0xbc: {  	[sflag:s0] =	ssyncadd.remote.s32 $0x1  }
0xbd: {  	_ =	sfence.sel $0xFFFF  }
0xbe: {  	[dreg:$0x0] =	wrdreg $0xFFFFFFFF;
	(pc) =	sbr.abs _section_cstart, $3  }
0xbf: {  	[dreg:$0x1] =	wrdreg $0xFFFFFFFF  }
0xc0: {  	_ =	task.clear_ibuf [dreg:s6], $0x2FFFF;
	_ =	strace $0x9FFFFFFF  }
0xc1: {  	(tm) =	ssettm $0x7FFFFFFF  }
tec
execute0_lowered:
.L_overlay_start_1:
0x0: {  	(tag) =	ssettag $0x1  }
0x1: {  	s0 =	srdreg.scid;
	s5 =	rddreg [dreg:$0x0]  }
0x2: {  	s1 =	stileid.u32;
	s6 =	simm.s32 $0x1;
	s9 =	simm.s32 $0x1  }
0x3: {  	s10 =	simm.s32 $0x3;
	s13 =	simm.s32 $0x0;
	s2 =	sshll.u32 s0, $0xD  }
0x4: {  	s12 =	simm.s32 $0x0;
	s3 =	sshll.u32 s1, $0xE;
	s2 =	sand.u32 $0x2000, s2  }
0x5: {  	s0 =	rddreg [dreg:$0x1];
	_ =	strace $0x80000068;
	s2 =	sor.u32 s3, s2  }
0x6: {  	s4 =	sadd.s32 $0x34400, s5;
	[sflag:s6] =	ssyncpa.u1 $0x0;
	s8 =	ssub.s32 $0x80000, s2  }
.Ltmp0:
0x7: {  	s3 =	sadd.s32 $0xBFE00, s5;
	s7 =	sand.u32 $0x3E000, s8;
	(pc) =	sbr.rel .LBB2_1-.Ltmp0, $4  }
0x8: {  	s5 =	sadd.s32 $0x84600, s5;
	s11 =	smov.u32 s2;
	p0 =	sne.s32 s7, $0x0  }
0x9: {  	s8 =	sshrl.u32 s8, $0x12;
	s7 =	simm.s32 $0x2;
	s9 =	simm.s32 @!p0 $0x0  }
0xa: {  	[sflag:s7] =	ssyncpa.u1 $0x0;
	p0 =	por $0x0, $0x0;
	s8 =	sadd.s32 s9, s8  }
0xb: {  	vm0 =	vmmov $0xffff;
	[sflag:s10] =	ssyncpa.u1 $0x0;
	s10 =	simm.s32 $0x0;
	s9 =	sadd.s32 $0x1, s8  }
.LBB2_4:
0xc: {  	v3 =	vshrl.u32 v0, $0x2;
	v4 =	vshrl.u32 v0, $0x9;
	v1 =	vor.u32 v1, v2  }
0xd: {  	v62 =	vshll.u32 v0, $0x17;
	v60 =	vand.u32 $0x7F, v3;
	v61 =	vand.u32 $0xFFFF, v4  }
0xe: {  	v0 =	vand.u32 $0x1800000, v62;
	v2 =	vsel vm1, $0xFFFFFFFF, v60;
	v3 =	vsel vm1, $0xFFFFFFFF, v61  }
0xf: {  	v0 =	vsel vm1, $0xFF800000, v0;
	v63 =	vand.u32 $0x7F, v3;
	v5 =	vshll.u32 v2, $0x10  }
0x10: {  	v3 =	vshll.u32 v3, $0x3;
	v5 =	vand.u32 $0xFFF80000, v5;
	v0 =	vor.u32 v0, v63  }
0x11: {  	v2 =	vshll.u32 v2, $0x7;
	v3 =	vand.u32 $0xFFFFFC00, v3;
	v0 =	vadd.s32 v5, v0  }
0x12: {  	v2 =	vand.u32 $0x380, v2;
	v0 =	vadd.s32 v3, v0  }
0x13: {  	v0 =	vor.u32 v2, v0;
	_ =	sdelay $0x1  }
0x14: {  	(ifvalue) =	ssetifvalue $0x7FFFFFFF;
	s14 =	sadd.s32 $0x10, s14  }
0x15: {  	[tilespmem:s14], [sflag:$0x1] =	stream.indirect_vreg.gather [hbm4b:s3+s10], $0x1, v1, vm0, $0x4038;
	[tilespmem:$0x8000] =	vst v63  }
0x16: {  	(ifvalue) =	ssetifvalue $0x7FFFFFFF;
	s14 =	sadd.s32 $0x10, s14  }
0x17: {  	[tilespmem:s14], [sflag:$0x1] =	stream.indirect_vreg.gather [hbm4b:s3+s10], $0x1, v0, vm0, $0x4038;
	[tilespmem:$0x8000] =	vst v63  }
0x18: {  	_ =	swait.ge [sflag:s6], $0x2000  }
0x19: {  	s30 =	sshrl.u32 s13, $0x3;
	[sflag:s6] =	ssyncset.done $0x0  }
0x1a: {  	s31 =	sand.u32 $0x7, s13;
	s14 =	sadd.s32 s5, s30;
	[sflag:s6] =	ssyncadd.s32 $0xFFFFE000  }
0x1b: {  	[hbm4b:s14+s31] =	stream.linear.scatter [tilespmem:s15], [sflag:$0x3], $0x2000, $0x38;
	[tilespmem:$0x8000] =	vst v63  }
.LBB2_5:
0x1c: {  	s15 =	sadd.s32 $0x40000, s11  }
0x1d: {  	p2 =	sgt.s32 s15, $0x7FFFF  }
0x1e: {  	s15 =	smov.u32 @p2 s2;
	p2 =	sne.s32 s12, s9  }
.Ltmp1:
0x1f: {  	p1 =	slt.u32 s12, $0x2;
	(pc) =	sbr.rel @!p2 .LBB2_6-.Ltmp1, $4  }
0x20: {  	s14 =	simm.s32 @!p1 $0x3  }
0x21: {  	s16 =	sadd.s32 $0x1, s12;
	_ =	swait.ge @!p1 [sflag:s14], $0x2000  }
0x22: {  	s13 =	smov.u32 s11;
	p0 =	por !p0, !p0;
	[sflag:s14] =	ssyncset.done @!p1 $0x0  }
0x23: {  	s12 =	smov.u32 s16;
	s11 =	smov.u32 s15;
	[sflag:s14] =	ssyncadd.s32 @!p1 $0xFFFFE000  }
.LBB2_1:
0x24: {  	p1 =	sge.u32 s12, s8  }
0x25: {  	s14 =	sxor.u32 @!p1 $0xFFFFFFFF, s12  }
0x26: {  	s31 =	sadd.s32 $0xFFFFFFFF, s12;
	s15 =	sshrl.u32 @!p1 s11, $0x3;
	s14 =	sshll.u32 @!p1 s14, $0xD  }
0x27: {  	s16 =	sand.u32 @!p1 $0x7, s11;
	s15 =	sadd.s32 @!p1 s4, s15;
	s14 =	sand.u32 @!p1 $0x2000, s14  }
0x28: {  	[tilespmem:s14], [sflag:$0x2] =	stream.linear.gather @!p1 [hbm4b:s15+s16], $0x2000, $0x38;
	[tilespmem:$0x8000] =	vst v63  }
0x29: {  	p1 =	sge.u32 s31, s8  }
.Ltmp2:
0x2a: {  	_ = 	snop;
	(pc) =	sbr.rel @p1 .LBB2_5-.Ltmp2, $1  }
0x2b: {  	_ =	sdelay $0x3  }
0x2c: {  	s14 =	simm.s32 $0x1  }
0x2d: {  	_ =	swait.ge [sflag:s7], $0x2000;
	s14 =	simm.s32 @!p0 $0x0  }
0x2e: {  	[sflag:s7] =	ssyncset.done $0x0;
	s14 =	sshll.u32 s14, $0xD  }
0x2f: {  	[sflag:s7] =	ssyncadd.s32 $0xFFFFE000;
	(ifvalue) =	ssetifvalue $0x7FFFFFFF;
	v0 =	vld.msk [tilespmem:s14+$0x0 ss:$0x1], $0xffff;
	_ =	sdelay $0x4  }
0x30: {  	s15 =	sadd.s32 $0x10, s14;
	vm1 =	veq.s32 v0, $0x80000000;
	v1 =	vshrl.u32 v0, $0x2;
	v2 =	vshrl.u32 v0, $0x9  }
0x31: {  	v3 =	vld.msk [tilespmem:s15+$0x0 ss:$0x1], $0xffff;
	v0 =	vshll.u32 v0, $0x17;
	v1 =	vand.u32 $0x7F, v1;
	v2 =	vand.u32 $0xFFFF, v2  }
0x32: {  	v0 =	vand.u32 $0x1800000, v0;
	v1 =	vsel vm1, $0xFFFFFFFF, v1;
	v2 =	vsel vm1, $0xFFFFFFFF, v2  }
0x33: {  	v0 =	vsel vm1, $0xFF800000, v0;
	v4 =	vand.u32 $0x7F, v2;
	v5 =	vshll.u32 v1, $0x10  }
0x34: {  	v2 =	vshll.u32 v2, $0x3;
	v5 =	vand.u32 $0xFFF80000, v5;
	v0 =	vor.u32 v0, v4  }
0x35: {  	v1 =	vshll.u32 v1, $0x7;
	v2 =	vand.u32 $0xFFFFFC00, v2;
	v0 =	vadd.s32 v5, v0  }
0x36: {  	v62 =	vshrl.u32 v3, $0x9;
	v1 =	vand.u32 $0x380, v1;
	v0 =	vadd.s32 v2, v0  }
0x37: {  	s17 =	sadd.s32 $0x10, s15;
	vm1 =	veq.s32 v3, $0x80000000;
	v2 =	vshrl.u32 v3, $0x2;
	v1 =	vor.u32 v1, v0  }
0x38: {  	v4 =	vand.u32 $0xFFFF, v62;
	v3 =	vshll.u32 v3, $0x17;
	v0 =	vld.msk [tilespmem:s17+$0x0 ss:$0x1], $0xffff;
	v2 =	vand.u32 $0x7F, v2  }
0x39: {  	v4 =	vsel vm1, $0xFFFFFFFF, v4;
	v3 =	vand.u32 $0x1800000, v3;
	v2 =	vsel vm1, $0xFFFFFFFF, v2  }
0x3a: {  	s31 =	sshll.u32 s12, $0xD;
	v63 =	vand.u32 $0x7F, v4;
	v3 =	vsel vm1, $0xFF800000, v3;
	v6 =	vshll.u32 v2, $0x10  }
0x3b: {  	s14 =	sor.u32 $0x4000, s14;
	s15 =	sand.u32 $0x2000, s31;
	v4 =	vshll.u32 v4, $0x3;
	(ifvalue) =	ssetifvalue $0x7FFFFFFF;
	v3 =	vor.u32 v3, v63;
	v6 =	vand.u32 $0xFFF80000, v6  }
0x3c: {  	v4 =	vand.u32 $0xFFFFFC00, v4;
	[tilespmem:s14], [sflag:$0x1] =	stream.indirect_vreg.gather [hbm4b:s3+s10], $0x1, v1, vm0, $0x4038;
	v1 =	vshll.u32 v2, $0x7;
	v2 =	vadd.s32 v6, v3;
	[tilespmem:$0x8000] =	vst v63  }
0x3d: {  	s16 =	simm.s32 $0x20;
	s15 =	sor.u32 $0x4000, s15;
	s17 =	sadd.s32 $0x10, s17;
	vm1 =	veq.s32 v0, $0x80000000;
	v1 =	vand.u32 $0x380, v1;
	v2 =	vadd.s32 v4, v2  }
.LBB2_3:
0x3e: {  	v3 =	vld.msk [tilespmem:s17+$0x0 ss:$0x1], $0xffff;
	v4 =	vshrl.u32 v0, $0x2;
	v5 =	vshrl.u32 v0, $0x9;
	v1 =	vor.u32 v1, v2;
	s16 =	sadd.s32 $0x10, s16  }
0x3f: {  	v0 =	vshll.u32 v0, $0x17;
	v2 =	vand.u32 $0x7F, v4;
	v4 =	vand.u32 $0xFFFF, v5;
	p1 =	slt.u32 s16, $0x1FF0  }
.Ltmp3:
0x40: {  	v0 =	vand.u32 $0x1800000, v0;
	v2 =	vsel vm1, $0xFFFFFFFF, v2;
	v4 =	vsel vm1, $0xFFFFFFFF, v4;
	(pc) =	sbr.rel @p1 .LBB2_3-.Ltmp3, $4  }
0x41: {  	v0 =	vsel vm1, $0xFF800000, v0;
	v5 =	vand.u32 $0x7F, v4;
	v6 =	vshll.u32 v2, $0x10  }
0x42: {  	s14 =	sadd.s32 $0x10, s14;
	v4 =	vshll.u32 v4, $0x3;
	v6 =	vand.u32 $0xFFF80000, v6;
	v7 =	vor.u32 v0, v5;
	(ifvalue) =	ssetifvalue $0x7FFFFFFF  }
0x43: {  	v2 =	vshll.u32 v2, $0x7;
	v4 =	vand.u32 $0xFFFFFC00, v4;
	v5 =	vadd.s32 v6, v7;
	[tilespmem:s14], [sflag:$0x1] =	stream.indirect_vreg.gather [hbm4b:s3+s10], $0x1, v1, vm0, $0x4038;
	[tilespmem:$0x8000] =	vst v63  }
0x44: {  	s17 =	sadd.s32 $0x10, s17;
	vm1 =	veq.s32 v3, $0x80000000;
	v1 =	vand.u32 $0x380, v2;
	v0 =	vmovc v3;
	v2 =	vadd.s32 v4, v5  }
.Ltmp4:
0x45: {  	_ = 	snop;
	(pc) =	sbr.rel .LBB2_4-.Ltmp4, $1  }
0x46: {  	_ =	sdelay $0x3  }
.LBB2_6:
0x47: {  	_ =	sfence.sel $0x180000  }
0x48: {  	s2 =	simm.s32 $0x2;
	[bflag:$0x0] =	sbarrier.arrive $0xFFFF  }
0x49: {  	s30 =	simm.s32 $0x3;
	[sflag:s2] =	ssyncpa.u1 $0x1  }
0x4a: {  	s31 =	simm.s32 $0x1;
	[sflag:s30] =	ssyncpa.u1 $0x1  }
0x4b: {  	[sflag:s31] =	ssyncpa.u1 $0x1  }
0x4c: {  	p0 =	sne.s32 s1, $0x0;
	_ =	strace $0x90000068  }
0x4d: {  	s0 =	sadd.s32 @!p0 $0x100000, s0;
	[bflag:$0x2] =	sbarrier.arrive $0xFFFF  }
0x4e: {  	[sflag:s0] =	ssyncadd.tile.s32 @!p0 $0x1;
	_ =	shalt  }
.Lfunc_end2:
_tile_overlayer_lowered:
.L_overlay_start_2:
0x4f: {  	(tag) =	ssettag $0x2  }
0x50: {  	s0 =	rddreg [dreg:$0x0];
	s2 =	stileid.u32  }
0x51: {  	s1 =	rddreg [dreg:$0x1];
	p0 =	sne.s32 s2, $0x0  }
0x52: {  	s3 =	rddreg [dreg:$0x2];
	[bflag:$0x3] =	sbarrier.arrive $0xFFFF;
	s2 =	simm.s32 @!p0 $0x1C01  }
0x53: {  	[timem:s3], [sflag:s2] =	dma.local @!p0 [hbm:s0], s1  }
0x54: {  	s0 =	simm.s32 @!p0 $0x1  }
0x55: {  	_ =	swait.ge @!p0 [sflag:s0], s1  }
0x56: {  	s1 =	ssub.s32 @!p0 $0x0, s1;
	[sflag:s0] =	ssyncset.done @!p0 $0x0  }
0x57: {  	[sflag:s0] =	ssyncadd.s32 @!p0 s1  }
0x58: {  	[bflag:$0x3] =	sbarrier.arrive $0xFFFF  }
0x59: {  	_ =	shalt  }

// kernel: gather_offload_async_start.12
scs
__scs_entry_jumppad:
0x0: {  	(pc) =	sbr.rel $0x88, $3  }
0x1: {  	(tag) =	ssettag $0x0;
	lr =	simm.s32 $0x1  }
0x2: {  	[smem:$0x3F9B] =	sst lr;
	_ =	strace $0xD0000000  }
0x3: {  	_ = 	snop  }
0x4: {  	_ = 	snop  }
0x5: {  	_ = 	snop  }
0x6: {  	_ = 	snop  }
0x7: {  	_ = 	snop  }
__scs_overlays_trampoline_lowered:
0x8: {  	[smem:$0x3FAA] =	sst s0  }
0x9: {  	[smem:$0x3FAB] =	sst s1  }
0xa: {  	[smem:$0x3FAC] =	sst s2  }
0xb: {  	[smem:$0x3FAD] =	sst s3  }
0xc: {  	[smem:$0x3FAE] =	sst s4  }
0xd: {  	[smem:$0x3FAF] =	sst s5  }
0xe: {  	[smem:$0x3FB0] =	sst s6  }
0xf: {  	[smem:$0x3FB1] =	sst s7  }
0x10: {  	[smem:$0x3FB2] =	sst s8  }
0x11: {  	[smem:$0x3FB3] =	sst s9;
	s0 =	simm.s32 @!p0 $0x0  }
0x12: {  	s1 =	sld [smem:$0x3F99];
	s0 =	simm.s32 @p0 $0x1  }
0x13: {  	[smem:$0x3FB4] =	sst s0;
	s0 =	simm.s32 @!p1 $0x0  }
0x14: {  	s2 =	sld [smem:$0x3F98];
	s0 =	simm.s32 @p1 $0x1  }
0x15: {  	[smem:$0x3FB5] =	sst s0;
	s0 =	simm.s32 @!p2 $0x0  }
0x16: {  	s3 =	sld [smem:$0x3FDB];
	s0 =	simm.s32 @p2 $0x1  }
0x17: {  	s4 =	simm.s32 $0x1BF5;
	[smem:$0x3FB7] =	sst s0  }
0x18: {  	s0 =	sld [smem:$0x3F9A];
	_ =	swait.ge [sflag:s4], $0x0  }
0x19: {  	s7 =	sld [smem:$0x3F9B]  }
0x1a: {  	s8 =	sadd.s32 $0xFFFFE003, lr  }
0x1b: {  	s9 =	sadd.s32 $0xFFFFFEF7, lr;
	s5 =	simm.s32 $0xFFFFFFFF;
	p2 =	slt.u32 s8, $0xFFFFF086  }
0x1c: {  	p1 =	slt.u32 s9, $0xF7A;
	s5 =	simm.s32 @!p2 $0x0  }
0x1d: {  	s5 =	simm.s32 @p1 $0x1;
	p0 =	seq.s32 s7, s2  }
0x1e: {  	s7 =	smul.u32 @!p0 $0xF7A, s2;
	p2 =	seq.s32 @!p0 s5, $0x0  }
0x1f: {  	s9 =	smul.u32 $0xF7A, s1;
	s8 =	simm.s32 @!p0 $0x1BF5;
	p2 =	por !p2, p0  }
0x20: {  	[sflag:s8] =	ssyncset.s32 @!p0 $0xFFFFF086;
	s6 =	sadd.s32 @!p0 s3, s7;
	s7 =	simm.s32 @!p0 $0x108  }
0x21: {  	s3 =	sadd.s32 s3, s9;
	s6 =	sadd.s32 @!p0 $0x88, s6;
	s7 =	simm.s32 @p2 $0x1082  }
0x22: {  	[simem:s7], [sflag:s8] =	dma.local @!p0 [hbm:s6], $0xF7A  }
0x23: {  	s9 =	sor.u32 $0xD0000000, s2;
	s6 =	simm.s32 $0x108;
	_ =	swait.ge @!p0 [sflag:s8], $0x0  }
0x24: {  	s3 =	sadd.s32 $0x88, s3;
	s6 =	simm.s32 @!p1 $0x1082;
	[sflag:s4] =	ssyncset.s32 $0xFFFFF086  }
0x25: {  	[simem:s6], [sflag:s4] =	dma.local [hbm:s3], $0xF7A  }
0x26: {  	[smem:$0x3F9B] =	sst s1;
	(tag) =	ssettag s2;
	_ =	strace s9  }
0x27: {  	s1 =	sld [smem:$0x3FAB]  }
0x28: {  	s2 =	sld [smem:$0x3FAC]  }
0x29: {  	s4 =	sld [smem:$0x3FAE]  }
0x2a: {  	p0 =	seq.s32 s5, $0x0;
	s5 =	sld [smem:$0x3FAF]  }
0x2b: {  	s6 =	sld [smem:$0x3FB0]  }
0x2c: {  	s7 =	sld [smem:$0x3FB1]  }
0x2d: {  	s3 =	simm.s32 $0x108;
	s8 =	sld [smem:$0x3FB2]  }
0x2e: {  	s3 =	simm.s32 @!p0 $0x1082;
	s9 =	sld [smem:$0x3FB3]  }
0x2f: {  	lr =	sadd.s32 s0, s3;
	s0 =	sld [smem:$0x3FAA]  }
0x30: {  	s3 =	sld [smem:$0x3FAD]  }
0x31: {  	[smem:$0x3FB6] =	sst s10  }
0x32: {  	s10 =	sld [smem:$0x3FB4];
	_ =	sdelay $0x3  }
0x33: {  	p0 =	seq.s32 s10, $0x1;
	s10 =	sld [smem:$0x3FB6];
	_ =	sdelay $0x3  }
0x34: {  	[smem:$0x3FB6] =	sst s10  }
0x35: {  	s10 =	sld [smem:$0x3FB5];
	_ =	sdelay $0x3  }
0x36: {  	p1 =	seq.s32 s10, $0x1;
	s10 =	sld [smem:$0x3FB6];
	_ =	sdelay $0x3  }
0x37: {  	[smem:$0x3FB6] =	sst s10  }
0x38: {  	s10 =	sld [smem:$0x3FB7]  }
0x39: {  	_ = 	snop;
	(pc) =	sbr.ind lr, $3  }
0x3a: {  	_ = 	snop  }
0x3b: {  	_ = 	snop  }
0x3c: {  	p2 =	seq.s32 s10, $0x1;
	s10 =	sld [smem:$0x3FB6]  }
0x3d: {  	_ =	shalt  }
0x3e: {  	_ =	shalt  }
0x3f: {  	_ =	shalt  }
0x40: {  	_ =	shalt  }
0x41: {  	_ =	shalt  }
0x42: {  	_ =	shalt  }
0x43: {  	_ =	shalt  }
0x44: {  	_ =	shalt  }
0x45: {  	_ =	shalt  }
0x46: {  	_ =	shalt  }
0x47: {  	_ =	shalt  }
0x48: {  	_ =	shalt  }
0x49: {  	_ =	shalt  }
0x4a: {  	_ =	shalt  }
0x4b: {  	_ =	shalt  }
0x4c: {  	_ =	shalt  }
0x4d: {  	_ =	shalt  }
0x4e: {  	_ =	shalt  }
0x4f: {  	_ =	shalt  }
0x50: {  	_ =	shalt  }
0x51: {  	_ =	shalt  }
0x52: {  	_ =	shalt  }
0x53: {  	_ =	shalt  }
0x54: {  	_ =	shalt  }
0x55: {  	_ =	shalt  }
0x56: {  	_ =	shalt  }
0x57: {  	_ =	shalt  }
0x58: {  	_ =	shalt  }
0x59: {  	_ =	shalt  }
0x5a: {  	_ =	shalt  }
0x5b: {  	_ =	shalt  }
0x5c: {  	_ =	shalt  }
0x5d: {  	_ =	shalt  }
0x5e: {  	_ =	shalt  }
0x5f: {  	_ =	shalt  }
0x60: {  	_ =	shalt  }
0x61: {  	_ =	shalt  }
0x62: {  	_ =	shalt  }
0x63: {  	_ =	shalt  }
0x64: {  	_ =	shalt  }
0x65: {  	_ =	shalt  }
0x66: {  	_ =	shalt  }
0x67: {  	_ =	shalt  }
0x68: {  	_ =	shalt  }
0x69: {  	_ =	shalt  }
0x6a: {  	_ =	shalt  }
0x6b: {  	_ =	shalt  }
0x6c: {  	_ =	shalt  }
0x6d: {  	_ =	shalt  }
0x6e: {  	_ =	shalt  }
0x6f: {  	_ =	shalt  }
0x70: {  	_ =	shalt  }
0x71: {  	_ =	shalt  }
0x72: {  	_ =	shalt  }
0x73: {  	_ =	shalt  }
0x74: {  	_ =	shalt  }
0x75: {  	_ =	shalt  }
0x76: {  	_ =	shalt  }
0x77: {  	_ =	shalt  }
0x78: {  	_ =	shalt  }
0x79: {  	_ =	shalt  }
0x7a: {  	_ =	shalt  }
0x7b: {  	_ =	shalt  }
0x7c: {  	_ =	shalt  }
0x7d: {  	_ =	shalt  }
0x7e: {  	_ =	shalt  }
0x7f: {  	_ =	shalt  }
0x80: {  	_ =	shalt  }
0x81: {  	_ =	shalt  }
0x82: {  	_ =	shalt  }
0x83: {  	_ =	shalt  }
0x84: {  	_ =	shalt  }
0x85: {  	_ =	shalt  }
0x86: {  	_ =	shalt  }
0x87: {  	_ =	shalt  }
.Lfunc_end0:
.L_simem_size_0:
called_computation.12_lowered:
.L_overlay_start_0:
0x88: {  	s2 =	sld [smem:$0x3FD9]  }
0x89: {  	s3 =	sld [smem:$0x3FFE];
	_ =	sdelay $0x1  }
0x8a: {  	s1 =	srdreg.scid  }
0x8b: {  	s0 =	sand.u32 $0x1, s1  }
0x8c: {  	s16 =	sshll.u32 s0, $0xA;
	s2 =	sadd.s32 s3, s2  }
0x8d: {  	s2 =	sadd.s32 s2, s16  }
0x8e: {  	[smem:$0x3FC2] =	sst s2  }
0x8f: {  	_ = 	snop  }
0x90: {  	(tm) =	ssettm $0x1  }
0x91: {  	s17 =	sld [smem:$0x3FFB];
	_ =	sdelay $0x3  }
0x92: {  	_ =	strace s17  }
0x93: {  	s2 =	sld [smem:$0x3FFC];
	_ =	sdelay $0x3  }
0x94: {  	_ =	strace s2  }
0x95: {  	s2 =	sld [smem:$0x3FFD];
	_ =	sdelay $0x3  }
0x96: {  	_ =	strace s2  }
0x97: {  	_ =	strace $0x8FFFFFFF  }
0x98: {  	s18 =	sld [smem:$0x3FDB];
	_ =	sdelay $0x1  }
0x99: {  	s19 =	simm.s32 $_scs_section_size  }
0x9a: {  	s4 =	simm.s32 $_size__tile_overlayer_lowered;
	s5 =	simm.s32 $_tile_overlayer_lowered  }
0x9b: {  	s22 =	simm.s32 $0x1BFF;
	s21 =	sshll.u32 s5, $0x1;
	s2 =	sadd.s32 s19, s18  }
0x9c: {  	s6 =	simm.s32 $0x0;
	s20 =	sshll.u32 s4, $0x1;
	s4 =	sadd.s32 s21, s2  }
0x9d: {  	[timem:s6], [sflag:s22] =	dma.local [hbm:s4], s20  }
0x9e: {  	_ =	swait.ge [sflag:s22], s20  }
0x9f: {  	s3 =	ssub.s32 $0x0, s20;
	[sflag:s22] =	ssyncset.done $0x0  }
0xa0: {  	[sflag:s22] =	ssyncadd.s32 s3;
	_ =	sdelay $0x1  }
0xa1: {  	s23 =	simm.s32 $0x1B8B  }
0xa2: {  	_ =	swait.ge [sflag:s23], $0x1  }
0xa3: {  	[sflag:s23] =	ssyncset.done $0x0  }
0xa4: {  	s25 =	simm.s32 $0x1B8E;
	s24 =	sld [smem:$0x3FFE];
	[sflag:s23] =	ssyncadd.s32 $0xFFFFFFFF  }
0xa5: {  	s26 =	simm.s32 $execute0_lowered;
	[smem:$0x3FD2] =	sst s25  }
0xa6: {  	s4 =	sshll.u32 s26, $0x1;
	_ =	strace $0x8000006A;
	[dreg:$0x1] =	wrdreg $0xFFFFFFFF  }
0xa7: {  	s28 =	simm.s32 $_size_execute0_lowered;
	s2 =	sadd.s32 s2, s4;
	[dreg:$0x0] =	wrdreg $0x0  }
0xa8: {  	s4 =	sshll.u32 s28, $0x1;
	[dreg:$0x2] =	wrdreg s2  }
0xa9: {  	[dreg:$0x3] =	wrdreg s4  }
0xaa: {  	[dreg:$0x4] =	wrdreg $0xC0  }
0xab: {  	_ =	task [dreg:s6], $0x5FFFF  }
0xac: {  	[dreg:$0x1] =	wrdreg $0xFFFFFFFF  }
0xad: {  	[dreg:$0x0] =	wrdreg $0x60  }
0xae: {  	[dreg:$0x2] =	wrdreg s24  }
0xaf: {  	[dreg:$0x3] =	wrdreg $0x9  }
0xb0: {  	_ =	task.clear_ibuf [dreg:s6], $0x4FFFF;
	_ =	strace $0x9000006A  }
0xb1: {  	s29 =	simm.s32 $0x9;
	_ =	strace $0x8000006C  }
0xb2: {  	_ =	swait.ge [sflag:s29], $0x1  }
0xb3: {  	[sflag:s29] =	ssyncadd.s32 $0xFFFFFFFF  }
0xb4: {  	_ =	strace $0x9000006C  }
0xb5: {  	_ =	sfence  }
0xb6: {  	s30 =	sld [smem:$0x0];
	_ =	sdelay $0x2  }
0xb7: {  	s31 =	sshll.u32 s1, $0xD;
	s1 =	sshrl.u32 s1, $0x2  }
0xb8: {  	s3 =	sand.u32 $0x4000, s31;
	s1 =	sadd.s32 s1, s30  }
0xb9: {  	s0 =	sor.u32 s3, s0;
	s1 =	sshll.u32 s1, $0x11  }
0xba: {  	s0 =	sor.u32 s1, s0  }
0xbb: {  	s0 =	sadd.s32 $0x8F2B, s0  }
0xbc: {  	[sflag:s0] =	ssyncadd.remote.s32 $0x1  }
0xbd: {  	_ =	sfence.sel $0xFFFF  }
0xbe: {  	[dreg:$0x0] =	wrdreg $0xFFFFFFFF;
	(pc) =	sbr.abs _section_cstart, $3  }
0xbf: {  	[dreg:$0x1] =	wrdreg $0xFFFFFFFF  }
0xc0: {  	_ =	task.clear_ibuf [dreg:s6], $0x2FFFF;
	_ =	strace $0x9FFFFFFF  }
0xc1: {  	(tm) =	ssettm $0x7FFFFFFF  }
tec
execute0_lowered:
.L_overlay_start_1:
0x0: {  	(tag) =	ssettag $0x1  }
0x1: {  	s0 =	srdreg.scid;
	s5 =	rddreg [dreg:$0x0]  }
0x2: {  	s1 =	stileid.u32;
	s6 =	simm.s32 $0x1;
	s9 =	simm.s32 $0x1  }
0x3: {  	s10 =	simm.s32 $0x3;
	s13 =	simm.s32 $0x0;
	s2 =	sshll.u32 s0, $0xD  }
0x4: {  	s12 =	simm.s32 $0x0;
	s3 =	sshll.u32 s1, $0xE;
	s2 =	sand.u32 $0x2000, s2  }
0x5: {  	s0 =	rddreg [dreg:$0x1];
	_ =	strace $0x8000006B;
	s2 =	sor.u32 s3, s2  }
0x6: {  	s4 =	sadd.s32 $0x44600, s5;
	[sflag:s6] =	ssyncpa.u1 $0x0;
	s8 =	ssub.s32 $0x80000, s2  }
.Ltmp0:
0x7: {  	s3 =	sadd.s32 $0xBFE00, s5;
	s7 =	sand.u32 $0x3E000, s8;
	(pc) =	sbr.rel .LBB2_1-.Ltmp0, $4  }
0x8: {  	s5 =	sadd.s32 $0x84600, s5;
	s11 =	smov.u32 s2;
	p0 =	sne.s32 s7, $0x0  }
0x9: {  	s8 =	sshrl.u32 s8, $0x12;
	s7 =	simm.s32 $0x2;
	s9 =	simm.s32 @!p0 $0x0  }
0xa: {  	[sflag:s7] =	ssyncpa.u1 $0x0;
	p0 =	por $0x0, $0x0;
	s8 =	sadd.s32 s9, s8  }
0xb: {  	vm0 =	vmmov $0xffff;
	[sflag:s10] =	ssyncpa.u1 $0x0;
	s10 =	simm.s32 $0x0;
	s9 =	sadd.s32 $0x1, s8  }
.LBB2_4:
0xc: {  	v3 =	vshrl.u32 v0, $0x2;
	v4 =	vshrl.u32 v0, $0x9;
	v1 =	vor.u32 v1, v2  }
0xd: {  	v62 =	vshll.u32 v0, $0x17;
	v60 =	vand.u32 $0x7F, v3;
	v61 =	vand.u32 $0xFFFF, v4  }
0xe: {  	v0 =	vand.u32 $0x1800000, v62;
	v2 =	vsel vm1, $0xFFFFFFFF, v60;
	v3 =	vsel vm1, $0xFFFFFFFF, v61  }
0xf: {  	v0 =	vsel vm1, $0xFF800000, v0;
	v63 =	vand.u32 $0x7F, v3;
	v5 =	vshll.u32 v2, $0x10  }
0x10: {  	v3 =	vshll.u32 v3, $0x3;
	v5 =	vand.u32 $0xFFF80000, v5;
	v0 =	vor.u32 v0, v63  }
0x11: {  	v2 =	vshll.u32 v2, $0x7;
	v3 =	vand.u32 $0xFFFFFC00, v3;
	v0 =	vadd.s32 v5, v0  }
0x12: {  	v2 =	vand.u32 $0x380, v2;
	v0 =	vadd.s32 v3, v0  }
0x13: {  	v0 =	vor.u32 v2, v0;
	_ =	sdelay $0x1  }
0x14: {  	(ifvalue) =	ssetifvalue $0x7FFFFFFF;
	s14 =	sadd.s32 $0x10, s14  }
0x15: {  	[tilespmem:s14], [sflag:$0x1] =	stream.indirect_vreg.gather [hbm4b:s3+s10], $0x1, v1, vm0, $0x4038;
	[tilespmem:$0x8000] =	vst v63  }
0x16: {  	(ifvalue) =	ssetifvalue $0x7FFFFFFF;
	s14 =	sadd.s32 $0x10, s14  }
0x17: {  	[tilespmem:s14], [sflag:$0x1] =	stream.indirect_vreg.gather [hbm4b:s3+s10], $0x1, v0, vm0, $0x4038;
	[tilespmem:$0x8000] =	vst v63  }
0x18: {  	_ =	swait.ge [sflag:s6], $0x2000  }
0x19: {  	s30 =	sshrl.u32 s13, $0x3;
	[sflag:s6] =	ssyncset.done $0x0  }
0x1a: {  	s31 =	sand.u32 $0x7, s13;
	s14 =	sadd.s32 s5, s30;
	[sflag:s6] =	ssyncadd.s32 $0xFFFFE000  }
0x1b: {  	[hbm4b:s14+s31] =	stream.linear.scatter [tilespmem:s15], [sflag:$0x3], $0x2000, $0x38;
	[tilespmem:$0x8000] =	vst v63  }
.LBB2_5:
0x1c: {  	s15 =	sadd.s32 $0x40000, s11  }
0x1d: {  	p2 =	sgt.s32 s15, $0x7FFFF  }
0x1e: {  	s15 =	smov.u32 @p2 s2;
	p2 =	sne.s32 s12, s9  }
.Ltmp1:
0x1f: {  	p1 =	slt.u32 s12, $0x2;
	(pc) =	sbr.rel @!p2 .LBB2_6-.Ltmp1, $4  }
0x20: {  	s14 =	simm.s32 @!p1 $0x3  }
0x21: {  	s16 =	sadd.s32 $0x1, s12;
	_ =	swait.ge @!p1 [sflag:s14], $0x2000  }
0x22: {  	s13 =	smov.u32 s11;
	p0 =	por !p0, !p0;
	[sflag:s14] =	ssyncset.done @!p1 $0x0  }
0x23: {  	s12 =	smov.u32 s16;
	s11 =	smov.u32 s15;
	[sflag:s14] =	ssyncadd.s32 @!p1 $0xFFFFE000  }
.LBB2_1:
0x24: {  	p1 =	sge.u32 s12, s8  }
0x25: {  	s14 =	sxor.u32 @!p1 $0xFFFFFFFF, s12  }
0x26: {  	s31 =	sadd.s32 $0xFFFFFFFF, s12;
	s15 =	sshrl.u32 @!p1 s11, $0x3;
	s14 =	sshll.u32 @!p1 s14, $0xD  }
0x27: {  	s16 =	sand.u32 @!p1 $0x7, s11;
	s15 =	sadd.s32 @!p1 s4, s15;
	s14 =	sand.u32 @!p1 $0x2000, s14  }
0x28: {  	[tilespmem:s14], [sflag:$0x2] =	stream.linear.gather @!p1 [hbm4b:s15+s16], $0x2000, $0x38;
	[tilespmem:$0x8000] =	vst v63  }
0x29: {  	p1 =	sge.u32 s31, s8  }
.Ltmp2:
0x2a: {  	_ = 	snop;
	(pc) =	sbr.rel @p1 .LBB2_5-.Ltmp2, $1  }
0x2b: {  	_ =	sdelay $0x3  }
0x2c: {  	s14 =	simm.s32 $0x1  }
0x2d: {  	_ =	swait.ge [sflag:s7], $0x2000;
	s14 =	simm.s32 @!p0 $0x0  }
0x2e: {  	[sflag:s7] =	ssyncset.done $0x0;
	s14 =	sshll.u32 s14, $0xD  }
0x2f: {  	[sflag:s7] =	ssyncadd.s32 $0xFFFFE000;
	(ifvalue) =	ssetifvalue $0x7FFFFFFF;
	v0 =	vld.msk [tilespmem:s14+$0x0 ss:$0x1], $0xffff;
	_ =	sdelay $0x4  }
0x30: {  	s15 =	sadd.s32 $0x10, s14;
	vm1 =	veq.s32 v0, $0x80000000;
	v1 =	vshrl.u32 v0, $0x2;
	v2 =	vshrl.u32 v0, $0x9  }
0x31: {  	v3 =	vld.msk [tilespmem:s15+$0x0 ss:$0x1], $0xffff;
	v0 =	vshll.u32 v0, $0x17;
	v1 =	vand.u32 $0x7F, v1;
	v2 =	vand.u32 $0xFFFF, v2  }
0x32: {  	v0 =	vand.u32 $0x1800000, v0;
	v1 =	vsel vm1, $0xFFFFFFFF, v1;
	v2 =	vsel vm1, $0xFFFFFFFF, v2  }
0x33: {  	v0 =	vsel vm1, $0xFF800000, v0;
	v4 =	vand.u32 $0x7F, v2;
	v5 =	vshll.u32 v1, $0x10  }
0x34: {  	v2 =	vshll.u32 v2, $0x3;
	v5 =	vand.u32 $0xFFF80000, v5;
	v0 =	vor.u32 v0, v4  }
0x35: {  	v1 =	vshll.u32 v1, $0x7;
	v2 =	vand.u32 $0xFFFFFC00, v2;
	v0 =	vadd.s32 v5, v0  }
0x36: {  	v62 =	vshrl.u32 v3, $0x9;
	v1 =	vand.u32 $0x380, v1;
	v0 =	vadd.s32 v2, v0  }
0x37: {  	s17 =	sadd.s32 $0x10, s15;
	vm1 =	veq.s32 v3, $0x80000000;
	v2 =	vshrl.u32 v3, $0x2;
	v1 =	vor.u32 v1, v0  }
0x38: {  	v4 =	vand.u32 $0xFFFF, v62;
	v3 =	vshll.u32 v3, $0x17;
	v0 =	vld.msk [tilespmem:s17+$0x0 ss:$0x1], $0xffff;
	v2 =	vand.u32 $0x7F, v2  }
0x39: {  	v4 =	vsel vm1, $0xFFFFFFFF, v4;
	v3 =	vand.u32 $0x1800000, v3;
	v2 =	vsel vm1, $0xFFFFFFFF, v2  }
0x3a: {  	s31 =	sshll.u32 s12, $0xD;
	v63 =	vand.u32 $0x7F, v4;
	v3 =	vsel vm1, $0xFF800000, v3;
	v6 =	vshll.u32 v2, $0x10  }
0x3b: {  	s14 =	sor.u32 $0x4000, s14;
	s15 =	sand.u32 $0x2000, s31;
	v4 =	vshll.u32 v4, $0x3;
	(ifvalue) =	ssetifvalue $0x7FFFFFFF;
	v3 =	vor.u32 v3, v63;
	v6 =	vand.u32 $0xFFF80000, v6  }
0x3c: {  	v4 =	vand.u32 $0xFFFFFC00, v4;
	[tilespmem:s14], [sflag:$0x1] =	stream.indirect_vreg.gather [hbm4b:s3+s10], $0x1, v1, vm0, $0x4038;
	v1 =	vshll.u32 v2, $0x7;
	v2 =	vadd.s32 v6, v3;
	[tilespmem:$0x8000] =	vst v63  }
0x3d: {  	s16 =	simm.s32 $0x20;
	s15 =	sor.u32 $0x4000, s15;
	s17 =	sadd.s32 $0x10, s17;
	vm1 =	veq.s32 v0, $0x80000000;
	v1 =	vand.u32 $0x380, v1;
	v2 =	vadd.s32 v4, v2  }
.LBB2_3:
0x3e: {  	v3 =	vld.msk [tilespmem:s17+$0x0 ss:$0x1], $0xffff;
	v4 =	vshrl.u32 v0, $0x2;
	v5 =	vshrl.u32 v0, $0x9;
	v1 =	vor.u32 v1, v2;
	s16 =	sadd.s32 $0x10, s16  }
0x3f: {  	v0 =	vshll.u32 v0, $0x17;
	v2 =	vand.u32 $0x7F, v4;
	v4 =	vand.u32 $0xFFFF, v5;
	p1 =	slt.u32 s16, $0x1FF0  }
.Ltmp3:
0x40: {  	v0 =	vand.u32 $0x1800000, v0;
	v2 =	vsel vm1, $0xFFFFFFFF, v2;
	v4 =	vsel vm1, $0xFFFFFFFF, v4;
	(pc) =	sbr.rel @p1 .LBB2_3-.Ltmp3, $4  }
0x41: {  	v0 =	vsel vm1, $0xFF800000, v0;
	v5 =	vand.u32 $0x7F, v4;
	v6 =	vshll.u32 v2, $0x10  }
0x42: {  	s14 =	sadd.s32 $0x10, s14;
	v4 =	vshll.u32 v4, $0x3;
	v6 =	vand.u32 $0xFFF80000, v6;
	v7 =	vor.u32 v0, v5;
	(ifvalue) =	ssetifvalue $0x7FFFFFFF  }
0x43: {  	v2 =	vshll.u32 v2, $0x7;
	v4 =	vand.u32 $0xFFFFFC00, v4;
	v5 =	vadd.s32 v6, v7;
	[tilespmem:s14], [sflag:$0x1] =	stream.indirect_vreg.gather [hbm4b:s3+s10], $0x1, v1, vm0, $0x4038;
	[tilespmem:$0x8000] =	vst v63  }
0x44: {  	s17 =	sadd.s32 $0x10, s17;
	vm1 =	veq.s32 v3, $0x80000000;
	v1 =	vand.u32 $0x380, v2;
	v0 =	vmovc v3;
	v2 =	vadd.s32 v4, v5  }
.Ltmp4:
0x45: {  	_ = 	snop;
	(pc) =	sbr.rel .LBB2_4-.Ltmp4, $1  }
0x46: {  	_ =	sdelay $0x3  }
.LBB2_6:
0x47: {  	_ =	sfence.sel $0x180000  }
0x48: {  	s2 =	simm.s32 $0x2;
	[bflag:$0x0] =	sbarrier.arrive $0xFFFF  }
0x49: {  	s30 =	simm.s32 $0x3;
	[sflag:s2] =	ssyncpa.u1 $0x1  }
0x4a: {  	s31 =	simm.s32 $0x1;
	[sflag:s30] =	ssyncpa.u1 $0x1  }
0x4b: {  	[sflag:s31] =	ssyncpa.u1 $0x1  }
0x4c: {  	p0 =	sne.s32 s1, $0x0;
	_ =	strace $0x9000006B  }
0x4d: {  	s0 =	sadd.s32 @!p0 $0x100000, s0;
	[bflag:$0x2] =	sbarrier.arrive $0xFFFF  }
0x4e: {  	[sflag:s0] =	ssyncadd.tile.s32 @!p0 $0x1;
	_ =	shalt  }
.Lfunc_end2:
_tile_overlayer_lowered:
.L_overlay_start_2:
0x4f: {  	(tag) =	ssettag $0x2  }
0x50: {  	s0 =	rddreg [dreg:$0x0];
	s2 =	stileid.u32  }
0x51: {  	s1 =	rddreg [dreg:$0x1];
	p0 =	sne.s32 s2, $0x0  }
0x52: {  	s3 =	rddreg [dreg:$0x2];
	[bflag:$0x3] =	sbarrier.arrive $0xFFFF;
	s2 =	simm.s32 @!p0 $0x1C01  }
0x53: {  	[timem:s3], [sflag:s2] =	dma.local @!p0 [hbm:s0], s1  }
0x54: {  	s0 =	simm.s32 @!p0 $0x1  }
0x55: {  	_ =	swait.ge @!p0 [sflag:s0], s1  }
0x56: {  	s1 =	ssub.s32 @!p0 $0x0, s1;
	[sflag:s0] =	ssyncset.done @!p0 $0x0  }
0x57: {  	[sflag:s0] =	ssyncadd.s32 @!p0 s1  }
0x58: {  	[bflag:$0x3] =	sbarrier.arrive $0xFFFF  }
0x59: {  	_ =	shalt  }

// kernel: gather_offload_async_start.1
scs
__scs_entry_jumppad:
0x0: {  	(pc) =	sbr.rel $0x88, $3  }
0x1: {  	(tag) =	ssettag $0x0;
	lr =	simm.s32 $0x1  }
0x2: {  	[smem:$0x3F9B] =	sst lr;
	_ =	strace $0xD0000000  }
0x3: {  	_ = 	snop  }
0x4: {  	_ = 	snop  }
0x5: {  	_ = 	snop  }
0x6: {  	_ = 	snop  }
0x7: {  	_ = 	snop  }
__scs_overlays_trampoline_lowered:
0x8: {  	[smem:$0x3FAA] =	sst s0  }
0x9: {  	[smem:$0x3FAB] =	sst s1  }
0xa: {  	[smem:$0x3FAC] =	sst s2  }
0xb: {  	[smem:$0x3FAD] =	sst s3  }
0xc: {  	[smem:$0x3FAE] =	sst s4  }
0xd: {  	[smem:$0x3FAF] =	sst s5  }
0xe: {  	[smem:$0x3FB0] =	sst s6  }
0xf: {  	[smem:$0x3FB1] =	sst s7  }
0x10: {  	[smem:$0x3FB2] =	sst s8  }
0x11: {  	[smem:$0x3FB3] =	sst s9;
	s0 =	simm.s32 @!p0 $0x0  }
0x12: {  	s1 =	sld [smem:$0x3F99];
	s0 =	simm.s32 @p0 $0x1  }
0x13: {  	[smem:$0x3FB4] =	sst s0;
	s0 =	simm.s32 @!p1 $0x0  }
0x14: {  	s2 =	sld [smem:$0x3F98];
	s0 =	simm.s32 @p1 $0x1  }
0x15: {  	[smem:$0x3FB5] =	sst s0;
	s0 =	simm.s32 @!p2 $0x0  }
0x16: {  	s3 =	sld [smem:$0x3FDB];
	s0 =	simm.s32 @p2 $0x1  }
0x17: {  	s4 =	simm.s32 $0x1BF5;
	[smem:$0x3FB7] =	sst s0  }
0x18: {  	s0 =	sld [smem:$0x3F9A];
	_ =	swait.ge [sflag:s4], $0x0  }
0x19: {  	s7 =	sld [smem:$0x3F9B]  }
0x1a: {  	s8 =	sadd.s32 $0xFFFFE003, lr  }
0x1b: {  	s9 =	sadd.s32 $0xFFFFFEF7, lr;
	s5 =	simm.s32 $0xFFFFFFFF;
	p2 =	slt.u32 s8, $0xFFFFF086  }
0x1c: {  	p1 =	slt.u32 s9, $0xF7A;
	s5 =	simm.s32 @!p2 $0x0  }
0x1d: {  	s5 =	simm.s32 @p1 $0x1;
	p0 =	seq.s32 s7, s2  }
0x1e: {  	s7 =	smul.u32 @!p0 $0xF7A, s2;
	p2 =	seq.s32 @!p0 s5, $0x0  }
0x1f: {  	s9 =	smul.u32 $0xF7A, s1;
	s8 =	simm.s32 @!p0 $0x1BF5;
	p2 =	por !p2, p0  }
0x20: {  	[sflag:s8] =	ssyncset.s32 @!p0 $0xFFFFF086;
	s6 =	sadd.s32 @!p0 s3, s7;
	s7 =	simm.s32 @!p0 $0x108  }
0x21: {  	s3 =	sadd.s32 s3, s9;
	s6 =	sadd.s32 @!p0 $0x88, s6;
	s7 =	simm.s32 @p2 $0x1082  }
0x22: {  	[simem:s7], [sflag:s8] =	dma.local @!p0 [hbm:s6], $0xF7A  }
0x23: {  	s9 =	sor.u32 $0xD0000000, s2;
	s6 =	simm.s32 $0x108;
	_ =	swait.ge @!p0 [sflag:s8], $0x0  }
0x24: {  	s3 =	sadd.s32 $0x88, s3;
	s6 =	simm.s32 @!p1 $0x1082;
	[sflag:s4] =	ssyncset.s32 $0xFFFFF086  }
0x25: {  	[simem:s6], [sflag:s4] =	dma.local [hbm:s3], $0xF7A  }
0x26: {  	[smem:$0x3F9B] =	sst s1;
	(tag) =	ssettag s2;
	_ =	strace s9  }
0x27: {  	s1 =	sld [smem:$0x3FAB]  }
0x28: {  	s2 =	sld [smem:$0x3FAC]  }
0x29: {  	s4 =	sld [smem:$0x3FAE]  }
0x2a: {  	p0 =	seq.s32 s5, $0x0;
	s5 =	sld [smem:$0x3FAF]  }
0x2b: {  	s6 =	sld [smem:$0x3FB0]  }
0x2c: {  	s7 =	sld [smem:$0x3FB1]  }
0x2d: {  	s3 =	simm.s32 $0x108;
	s8 =	sld [smem:$0x3FB2]  }
0x2e: {  	s3 =	simm.s32 @!p0 $0x1082;
	s9 =	sld [smem:$0x3FB3]  }
0x2f: {  	lr =	sadd.s32 s0, s3;
	s0 =	sld [smem:$0x3FAA]  }
0x30: {  	s3 =	sld [smem:$0x3FAD]  }
0x31: {  	[smem:$0x3FB6] =	sst s10  }
0x32: {  	s10 =	sld [smem:$0x3FB4];
	_ =	sdelay $0x3  }
0x33: {  	p0 =	seq.s32 s10, $0x1;
	s10 =	sld [smem:$0x3FB6];
	_ =	sdelay $0x3  }
0x34: {  	[smem:$0x3FB6] =	sst s10  }
0x35: {  	s10 =	sld [smem:$0x3FB5];
	_ =	sdelay $0x3  }
0x36: {  	p1 =	seq.s32 s10, $0x1;
	s10 =	sld [smem:$0x3FB6];
	_ =	sdelay $0x3  }
0x37: {  	[smem:$0x3FB6] =	sst s10  }
0x38: {  	s10 =	sld [smem:$0x3FB7]  }
0x39: {  	_ = 	snop;
	(pc) =	sbr.ind lr, $3  }
0x3a: {  	_ = 	snop  }
0x3b: {  	_ = 	snop  }
0x3c: {  	p2 =	seq.s32 s10, $0x1;
	s10 =	sld [smem:$0x3FB6]  }
0x3d: {  	_ =	shalt  }
0x3e: {  	_ =	shalt  }
0x3f: {  	_ =	shalt  }
0x40: {  	_ =	shalt  }
0x41: {  	_ =	shalt  }
0x42: {  	_ =	shalt  }
0x43: {  	_ =	shalt  }
0x44: {  	_ =	shalt  }
0x45: {  	_ =	shalt  }
0x46: {  	_ =	shalt  }
0x47: {  	_ =	shalt  }
0x48: {  	_ =	shalt  }
0x49: {  	_ =	shalt  }
0x4a: {  	_ =	shalt  }
0x4b: {  	_ =	shalt  }
0x4c: {  	_ =	shalt  }
0x4d: {  	_ =	shalt  }
0x4e: {  	_ =	shalt  }
0x4f: {  	_ =	shalt  }
0x50: {  	_ =	shalt  }
0x51: {  	_ =	shalt  }
0x52: {  	_ =	shalt  }
0x53: {  	_ =	shalt  }
0x54: {  	_ =	shalt  }
0x55: {  	_ =	shalt  }
0x56: {  	_ =	shalt  }
0x57: {  	_ =	shalt  }
0x58: {  	_ =	shalt  }
0x59: {  	_ =	shalt  }
0x5a: {  	_ =	shalt  }
0x5b: {  	_ =	shalt  }
0x5c: {  	_ =	shalt  }
0x5d: {  	_ =	shalt  }
0x5e: {  	_ =	shalt  }
0x5f: {  	_ =	shalt  }
0x60: {  	_ =	shalt  }
0x61: {  	_ =	shalt  }
0x62: {  	_ =	shalt  }
0x63: {  	_ =	shalt  }
0x64: {  	_ =	shalt  }
0x65: {  	_ =	shalt  }
0x66: {  	_ =	shalt  }
0x67: {  	_ =	shalt  }
0x68: {  	_ =	shalt  }
0x69: {  	_ =	shalt  }
0x6a: {  	_ =	shalt  }
0x6b: {  	_ =	shalt  }
0x6c: {  	_ =	shalt  }
0x6d: {  	_ =	shalt  }
0x6e: {  	_ =	shalt  }
0x6f: {  	_ =	shalt  }
0x70: {  	_ =	shalt  }
0x71: {  	_ =	shalt  }
0x72: {  	_ =	shalt  }
0x73: {  	_ =	shalt  }
0x74: {  	_ =	shalt  }
0x75: {  	_ =	shalt  }
0x76: {  	_ =	shalt  }
0x77: {  	_ =	shalt  }
0x78: {  	_ =	shalt  }
0x79: {  	_ =	shalt  }
0x7a: {  	_ =	shalt  }
0x7b: {  	_ =	shalt  }
0x7c: {  	_ =	shalt  }
0x7d: {  	_ =	shalt  }
0x7e: {  	_ =	shalt  }
0x7f: {  	_ =	shalt  }
0x80: {  	_ =	shalt  }
0x81: {  	_ =	shalt  }
0x82: {  	_ =	shalt  }
0x83: {  	_ =	shalt  }
0x84: {  	_ =	shalt  }
0x85: {  	_ =	shalt  }
0x86: {  	_ =	shalt  }
0x87: {  	_ =	shalt  }
.Lfunc_end0:
.L_simem_size_0:
called_computation.1_lowered:
.L_overlay_start_0:
0x88: {  	s2 =	sld [smem:$0x3FD9]  }
0x89: {  	s3 =	sld [smem:$0x3FFE];
	_ =	sdelay $0x1  }
0x8a: {  	s1 =	srdreg.scid  }
0x8b: {  	s0 =	sand.u32 $0x1, s1  }
0x8c: {  	s17 =	sshll.u32 s0, $0xA;
	s2 =	sadd.s32 s3, s2  }
0x8d: {  	s2 =	sadd.s32 s2, s17  }
0x8e: {  	[smem:$0x3FC2] =	sst s2  }
0x8f: {  	_ = 	snop  }
0x90: {  	(tm) =	ssettm $0x1  }
0x91: {  	s18 =	sld [smem:$0x3FFB];
	_ =	sdelay $0x3  }
0x92: {  	_ =	strace s18  }
0x93: {  	s2 =	sld [smem:$0x3FFC];
	_ =	sdelay $0x3  }
0x94: {  	_ =	strace s2  }
0x95: {  	s2 =	sld [smem:$0x3FFD];
	_ =	sdelay $0x3  }
0x96: {  	_ =	strace s2  }
0x97: {  	_ =	strace $0x8FFFFFFF  }
0x98: {  	s19 =	sld [smem:$0x3FDB];
	_ =	sdelay $0x1  }
0x99: {  	s20 =	simm.s32 $_scs_section_size  }
0x9a: {  	s4 =	simm.s32 $_size__tile_overlayer_lowered;
	s5 =	simm.s32 $_tile_overlayer_lowered  }
0x9b: {  	s6 =	simm.s32 $0x1BFF;
	s21 =	sshll.u32 s5, $0x1;
	s3 =	sadd.s32 s20, s19  }
0x9c: {  	s22 =	simm.s32 $0x0;
	s4 =	sshll.u32 s4, $0x1;
	s5 =	sadd.s32 s21, s3  }
0x9d: {  	[timem:s22], [sflag:s6] =	dma.local [hbm:s5], s4  }
0x9e: {  	_ =	swait.ge [sflag:s6], s4  }
0x9f: {  	s4 =	ssub.s32 $0x0, s4;
	[sflag:s6] =	ssyncset.done $0x0  }
0xa0: {  	[sflag:s6] =	ssyncadd.s32 s4;
	_ =	sdelay $0x1  }
0xa1: {  	s23 =	simm.s32 $0x1B8B  }
0xa2: {  	_ =	swait.ge [sflag:s23], $0x1  }
0xa3: {  	[sflag:s23] =	ssyncset.done $0x0  }
0xa4: {  	[sflag:s23] =	ssyncadd.s32 $0xFFFFFFFF  }
0xa5: {  	s4 =	sld [smem:$0x0]  }
0xa6: {  	s5 =	sand.u32 $0xFFFFFFFE, s1  }
0xa7: {  	p0 =	sne.s32 s1, s5  }
0xa8: {  	s5 =	sshll.u32 @p0 s5, $0xE  }
0xa9: {  	s5 =	sadd.s32 @p0 $0x11B8D, s5;
	s6 =	sshll.u32 @p0 s4, $0x11  }
0xaa: {  	s5 =	sor.u32 @p0 s6, s5  }
0xab: {  	[sflag:s5] =	ssyncadd.remote.s32 @p0 $0x1;
	_ =	sdelay $0x1  }
0xac: {  	s5 =	simm.s32 @p0 $0x1B8D  }
0xad: {  	_ =	swait.eq @p0 [sflag:s5], $0x1  }
0xae: {  	[sflag:s5] =	ssyncadd.s32 @p0 $0xFFFFFFFF  }
0xaf: {  	s6 =	sshll.u32 @!p0 s1, $0xE  }
0xb0: {  	s6 =	sor.u32 @!p0 $0x4000, s6;
	s5 =	simm.s32 @!p0 $0x1B8D  }
0xb1: {  	s4 =	sshll.u32 @!p0 s4, $0x11;
	s6 =	sadd.s32 @!p0 $0x11B8D, s6;
	_ =	swait.eq @!p0 [sflag:s5], $0x1  }
0xb2: {  	s4 =	sor.u32 @!p0 s4, s6;
	[sflag:s5] =	ssyncadd.s32 @!p0 $0xFFFFFFFF  }
0xb3: {  	s25 =	simm.s32 $0x1B8E;
	s24 =	sld [smem:$0x3FFE];
	[sflag:s4] =	ssyncadd.remote.s32 @!p0 $0x1  }
0xb4: {  	s26 =	simm.s32 $execute0_lowered;
	[smem:$0x3FD2] =	sst s25  }
0xb5: {  	s5 =	sshll.u32 s26, $0x1;
	_ =	strace $0x80000049;
	[dreg:$0x1] =	wrdreg $0xFFFFFFFF  }
0xb6: {  	s28 =	simm.s32 $_size_execute0_lowered;
	s3 =	sadd.s32 s3, s5;
	[dreg:$0x0] =	wrdreg $0x0  }
0xb7: {  	s5 =	sshll.u32 s28, $0x1;
	[dreg:$0x2] =	wrdreg s3  }
0xb8: {  	[dreg:$0x3] =	wrdreg s5  }
0xb9: {  	[dreg:$0x4] =	wrdreg $0xC0  }
0xba: {  	_ =	task [dreg:s22], $0x5FFFF  }
0xbb: {  	[dreg:$0x1] =	wrdreg $0xFFFFFFFF  }
0xbc: {  	[dreg:$0x0] =	wrdreg $0x60  }
0xbd: {  	[dreg:$0x2] =	wrdreg s24  }
0xbe: {  	[dreg:$0x3] =	wrdreg $0x9  }
0xbf: {  	_ =	task.clear_ibuf [dreg:s22], $0x4FFFF;
	_ =	strace $0x90000049  }
0xc0: {  	s29 =	simm.s32 $0x9;
	_ =	strace $0x8000004B  }
0xc1: {  	_ =	swait.ge [sflag:s29], $0x1  }
0xc2: {  	[sflag:s29] =	ssyncadd.s32 $0xFFFFFFFF  }
0xc3: {  	_ =	strace $0x9000004B  }
0xc4: {  	_ =	sfence  }
0xc5: {  	s30 =	sld [smem:$0x0];
	_ =	sdelay $0x2  }
0xc6: {  	s31 =	sshll.u32 s1, $0xD;
	s1 =	sshrl.u32 s1, $0x2  }
0xc7: {  	s4 =	sand.u32 $0x4000, s31;
	s1 =	sadd.s32 s1, s30  }
0xc8: {  	s0 =	sor.u32 s4, s0;
	s1 =	sshll.u32 s1, $0x11  }
0xc9: {  	s0 =	sor.u32 s1, s0  }
0xca: {  	s0 =	sadd.s32 $0x8F2B, s0  }
0xcb: {  	[sflag:s0] =	ssyncadd.remote.s32 $0x1  }
0xcc: {  	_ =	sfence.sel $0xFFFF  }
0xcd: {  	[dreg:$0x0] =	wrdreg $0xFFFFFFFF;
	(pc) =	sbr.abs _section_cstart, $3  }
0xce: {  	[dreg:$0x1] =	wrdreg $0xFFFFFFFF  }
0xcf: {  	_ =	task.clear_ibuf [dreg:s22], $0x2FFFF;
	_ =	strace $0x9FFFFFFF  }
0xd0: {  	(tm) =	ssettm $0x7FFFFFFF  }
0xd1: {  	_ =	shalt  }
tec
execute0_lowered:
.L_overlay_start_1:
0x0: {  	(tag) =	ssettag $0x1  }
0x1: {  	s8 =	rddreg [dreg:$0x0]  }
0x2: {  	s0 =	rddreg [dreg:$0x1];
	_ =	strace $0x8000004A;
	s1 =	stileid.u32  }
0x3: {  	s3 =	srdreg.scid;
	s4 =	simm.s32 $0x1;
	s7 =	simm.s32 $0x1  }
0x4: {  	s9 =	simm.s32 $0x1;
	s10 =	simm.s32 $0x3;
	s13 =	simm.s32 $0x0  }
0x5: {  	s12 =	simm.s32 $0x0;
	s5 =	sand.u32 $0x1, s3;
	s6 =	sshll.u32 s1, $0x1  }
0x6: {  	s2 =	sadd.s32 $0x1EC00, s8;
	s3 =	sadd.s32 $0x2DA00, s8;
	s5 =	sor.u32 s6, s5  }
.Ltmp0:
0x7: {  	[sflag:s4] =	ssyncpa.u1 $0x0;
	p0 =	slt.u32 s5, $0x19;
	(pc) =	sbr.rel .LBB2_1-.Ltmp0, $4  }
0x8: {  	s6 =	simm.s32 $0x2;
	s7 =	simm.s32 @!p0 $0x0;
	p0 =	sne.s32 s5, $0x18  }
0x9: {  	[sflag:s6] =	ssyncpa.u1 $0x0;
	s5 =	smul.u32 $0xE00, s5;
	s9 =	simm.s32 @!p0 $0x0  }
0xa: {  	s8 =	sadd.s32 $0x4C7200, s8;
	[sflag:s10] =	ssyncpa.u1 $0x0;
	s7 =	sadd.s32 s9, s7  }
0xb: {  	vm0 =	vmmov $0xffff;
	s10 =	simm.s32 $0x0;
	s11 =	smov.u32 s5;
	s9 =	sadd.s32 $0x1, s7  }
.LBB2_4:
0xc: {  	vm1 =	veq.s32 v0, $0x80000000;
	v3 =	vand.u32 $0x3, v0;
	v62 =	vshll.u32 v0, $0xE  }
0xd: {  	v2 =	vand.u32 $0x3FFF, v2;
	v3 =	vsel vm1, $0xFFFFFFFF, v3;
	v0 =	vand.u32 $0x70000, v62  }
0xe: {  	v0 =	vsel vm1, $0xFFFF0000, v0;
	v4 =	vand.u32 $0xFFFF0000, v3;
	v3 =	vshll.u32 v3, $0x7  }
0xf: {  	v2 =	vsel vm1, $0xFFFFFFFF, v2;
	v0 =	vadd.s32 v4, v0;
	v3 =	vand.u32 $0x180, v3  }
0x10: {  	v63 =	vand.u32 $0x7F, v2;
	v2 =	vshll.u32 v2, $0x2;
	v0 =	vor.u32 v3, v0  }
0x11: {  	v2 =	vand.u32 $0xFFFFFE00, v2;
	v0 =	vor.u32 v63, v0  }
0x12: {  	v0 =	vadd.s32 v2, v0;
	_ =	sdelay $0x1  }
0x13: {  	(ifvalue) =	ssetifvalue $0x7FFFFFFF;
	s15 =	sadd.s32 $0x10, s15  }
0x14: {  	[tilespmem:s15], [sflag:$0x1] =	stream.indirect_vreg.gather [hbm4b:s2+s10], $0x1, v1, vm0, $0x4038;
	[tilespmem:$0x3800] =	vst v63  }
0x15: {  	(ifvalue) =	ssetifvalue $0x7FFFFFFF;
	s15 =	sadd.s32 $0x10, s15  }
0x16: {  	[tilespmem:s15], [sflag:$0x1] =	stream.indirect_vreg.gather [hbm4b:s2+s10], $0x1, v0, vm0, $0x4038;
	[tilespmem:$0x3800] =	vst v63  }
0x17: {  	_ =	swait.ge [sflag:s4], $0xE00  }
0x18: {  	s30 =	sshrl.u32 s13, $0x3;
	[sflag:s4] =	ssyncset.done $0x0  }
0x19: {  	s31 =	sand.u32 $0x7, s13;
	s15 =	sadd.s32 s8, s30;
	[sflag:s4] =	ssyncadd.s32 $0xFFFFF200  }
0x1a: {  	[hbm4b:s15+s31] =	stream.linear.scatter [tilespmem:s14], [sflag:$0x3], $0xE00, $0x38;
	[tilespmem:$0x3800] =	vst v63  }
.LBB2_5:
0x1b: {  	s15 =	sadd.s32 $0x1C000, s11  }
0x1c: {  	p1 =	sgt.s32 s15, $0x30FFF  }
0x1d: {  	s15 =	smov.u32 @p1 s5;
	p1 =	sne.s32 s12, s9  }
.Ltmp1:
0x1e: {  	p0 =	slt.u32 s12, $0x2;
	(pc) =	sbr.rel @!p1 .LBB2_6-.Ltmp1, $4  }
0x1f: {  	s14 =	simm.s32 @!p0 $0x3  }
0x20: {  	_ =	swait.ge @!p0 [sflag:s14], $0xE00  }
0x21: {  	s16 =	sadd.s32 $0x1, s12;
	s13 =	smov.u32 s11;
	[sflag:s14] =	ssyncset.done @!p0 $0x0  }
0x22: {  	s12 =	smov.u32 s16;
	s11 =	smov.u32 s15;
	[sflag:s14] =	ssyncadd.s32 @!p0 $0xFFFFF200  }
.LBB2_1:
0x23: {  	p0 =	sge.u32 s12, s7  }
0x24: {  	s14 =	sxor.u32 @!p0 $0x1, s12  }
0x25: {  	s14 =	smul.u32 @!p0 $0x3800, s14  }
0x26: {  	s31 =	sadd.s32 $0xFFFFFFFF, s12;
	s15 =	sshrl.u32 @!p0 s11, $0x3  }
0x27: {  	s16 =	sand.u32 @!p0 $0x7, s11;
	s15 =	sadd.s32 @!p0 s3, s15;
	s14 =	sshra.s32 @!p0 s14, $0x2  }
0x28: {  	[tilespmem:s14], [sflag:$0x2] =	stream.linear.gather @!p0 [hbm4b:s15+s16], $0xE00, $0x38;
	[tilespmem:$0x3800] =	vst v63  }
0x29: {  	p0 =	sge.u32 s31, s7  }
.Ltmp2:
0x2a: {  	_ = 	snop;
	(pc) =	sbr.rel @p0 .LBB2_5-.Ltmp2, $1  }
0x2b: {  	_ =	sdelay $0x3  }
0x2c: {  	s14 =	sand.u32 $0x1, s12  }
0x2d: {  	_ =	swait.ge [sflag:s6], $0xE00;
	p0 =	seq.s32 s14, $0x1;
	s14 =	simm.s32 $0xE00  }
0x2e: {  	[sflag:s6] =	ssyncset.done $0x0;
	s14 =	simm.s32 @!p0 $0x0  }
0x2f: {  	[sflag:s6] =	ssyncadd.s32 $0xFFFFF200;
	(ifvalue) =	ssetifvalue $0x7FFFFFFF;
	v0 =	vld.msk [tilespmem:s14+$0x0 ss:$0x1], $0xffff;
	_ =	sdelay $0x1  }
0x30: {  	s15 =	sadd.s32 $0x10, s14  }
0x31: {  	v3 =	vld.msk [tilespmem:s15+$0x0 ss:$0x1], $0xffff;
	_ =	sdelay $0x1  }
0x32: {  	v1 =	vshrl.u32 v0, $0x5  }
0x33: {  	vm1 =	veq.s32 v0, $0x80000000;
	v2 =	vand.u32 $0x3, v0;
	v0 =	vshll.u32 v0, $0xE  }
0x34: {  	v2 =	vsel vm1, $0xFFFFFFFF, v2;
	v0 =	vand.u32 $0x70000, v0  }
0x35: {  	v1 =	vand.u32 $0x3FFF, v1;
	v62 =	vand.u32 $0x3, v3;
	v0 =	vsel vm1, $0xFFFF0000, v0  }
0x36: {  	v4 =	vand.u32 $0xFFFF0000, v2;
	v2 =	vshll.u32 v2, $0x7;
	v1 =	vsel vm1, $0xFFFFFFFF, v1  }
0x37: {  	vm1 =	veq.s32 v3, $0x80000000;
	v0 =	vadd.s32 v4, v0;
	v2 =	vand.u32 $0x180, v2  }
0x38: {  	v61 =	vand.u32 $0x7F, v1;
	v1 =	vshll.u32 v1, $0x2;
	v0 =	vor.u32 v2, v0  }
0x39: {  	v4 =	vsel vm1, $0xFFFFFFFF, v62;
	v1 =	vand.u32 $0xFFFFFE00, v1;
	v0 =	vor.u32 v61, v0  }
0x3a: {  	s15 =	sadd.s32 $0x10, s15;
	v2 =	vshrl.u32 v3, $0x5;
	v3 =	vshll.u32 v3, $0xE;
	v1 =	vadd.s32 v1, v0  }
0x3b: {  	v5 =	vand.u32 $0xFFFF0000, v4;
	v3 =	vand.u32 $0x70000, v3;
	v0 =	vld.msk [tilespmem:s15+$0x0 ss:$0x1], $0xffff  }
0x3c: {  	v4 =	vshll.u32 v4, $0x7;
	v2 =	vand.u32 $0x3FFF, v2;
	v3 =	vsel vm1, $0xFFFF0000, v3  }
0x3d: {  	v4 =	vand.u32 $0x180, v4;
	v2 =	vsel vm1, $0xFFFFFFFF, v2;
	v3 =	vadd.s32 v5, v3  }
0x3e: {  	s14 =	sadd.s32 $0x1C00, s14;
	(ifvalue) =	ssetifvalue $0x7FFFFFFF;
	v63 =	vand.u32 $0x7F, v2;
	v2 =	vshll.u32 v2, $0x2;
	v3 =	vor.u32 v4, v3  }
0x3f: {  	v3 =	vor.u32 v63, v3;
	[tilespmem:s14], [sflag:$0x1] =	stream.indirect_vreg.gather [hbm4b:s2+s10], $0x1, v1, vm0, $0x4038;
	v1 =	vand.u32 $0xFFFFFE00, v2;
	[tilespmem:$0x3800] =	vst v63  }
0x40: {  	s16 =	simm.s32 $0x20;
	s17 =	sadd.s32 $0x10, s15;
	s15 =	smov.u32 s14;
	v2 =	vshrl.u32 v0, $0x5;
	v1 =	vadd.s32 v1, v3  }
.LBB2_3:
0x41: {  	vm1 =	veq.s32 v0, $0x80000000;
	v3 =	vand.u32 $0x3, v0;
	v4 =	vshll.u32 v0, $0xE;
	v0 =	vld.msk [tilespmem:s17+$0x0 ss:$0x1], $0xffff;
	s16 =	sadd.s32 $0x10, s16  }
0x42: {  	v2 =	vand.u32 $0x3FFF, v2;
	v3 =	vsel vm1, $0xFFFFFFFF, v3;
	v4 =	vand.u32 $0x70000, v4;
	p0 =	slt.u32 s16, $0xDF0  }
.Ltmp3:
0x43: {  	v4 =	vsel vm1, $0xFFFF0000, v4;
	v5 =	vand.u32 $0xFFFF0000, v3;
	v3 =	vshll.u32 v3, $0x7;
	(pc) =	sbr.rel @p0 .LBB2_3-.Ltmp3, $4  }
0x44: {  	s15 =	sadd.s32 $0x10, s15;
	v2 =	vsel vm1, $0xFFFFFFFF, v2;
	v4 =	vadd.s32 v5, v4;
	v3 =	vand.u32 $0x180, v3;
	(ifvalue) =	ssetifvalue $0x7FFFFFFF  }
0x45: {  	v5 =	vand.u32 $0x7F, v2;
	v2 =	vshll.u32 v2, $0x2;
	v3 =	vor.u32 v3, v4;
	[tilespmem:s15], [sflag:$0x1] =	stream.indirect_vreg.gather [hbm4b:s2+s10], $0x1, v1, vm0, $0x4038;
	[tilespmem:$0x3800] =	vst v63  }
0x46: {  	v1 =	vand.u32 $0xFFFFFE00, v2;
	v3 =	vor.u32 v5, v3  }
0x47: {  	s17 =	sadd.s32 $0x10, s17;
	v2 =	vshrl.u32 v0, $0x5;
	v1 =	vadd.s32 v1, v3  }
.Ltmp4:
0x48: {  	_ = 	snop;
	(pc) =	sbr.rel .LBB2_4-.Ltmp4, $1  }
0x49: {  	_ =	sdelay $0x3  }
.LBB2_6:
0x4a: {  	_ =	sfence.sel $0x180000  }
0x4b: {  	s2 =	simm.s32 $0x2;
	[bflag:$0x0] =	sbarrier.arrive $0xFFFF  }
0x4c: {  	s30 =	simm.s32 $0x3;
	[sflag:s2] =	ssyncpa.u1 $0x1  }
0x4d: {  	s31 =	simm.s32 $0x1;
	[sflag:s30] =	ssyncpa.u1 $0x1  }
0x4e: {  	[sflag:s31] =	ssyncpa.u1 $0x1  }
0x4f: {  	p0 =	sne.s32 s1, $0x0;
	_ =	strace $0x9000004A  }
0x50: {  	s0 =	sadd.s32 @!p0 $0x100000, s0;
	[bflag:$0x2] =	sbarrier.arrive $0xFFFF  }
0x51: {  	[sflag:s0] =	ssyncadd.tile.s32 @!p0 $0x1;
	_ =	shalt  }
.Lfunc_end2:
_tile_overlayer_lowered:
.L_overlay_start_2:
0x52: {  	(tag) =	ssettag $0x2  }
0x53: {  	s0 =	rddreg [dreg:$0x0];
	s2 =	stileid.u32  }
0x54: {  	s1 =	rddreg [dreg:$0x1];
	p0 =	sne.s32 s2, $0x0  }
0x55: {  	s3 =	rddreg [dreg:$0x2];
	[bflag:$0x3] =	sbarrier.arrive $0xFFFF;
	s2 =	simm.s32 @!p0 $0x1C01  }
0x56: {  	[timem:s3], [sflag:s2] =	dma.local @!p0 [hbm:s0], s1  }
0x57: {  	s0 =	simm.s32 @!p0 $0x1  }
0x58: {  	_ =	swait.ge @!p0 [sflag:s0], s1  }
0x59: {  	s1 =	ssub.s32 @!p0 $0x0, s1;
	[sflag:s0] =	ssyncset.done @!p0 $0x0  }
0x5a: {  	[sflag:s0] =	ssyncadd.s32 @!p0 s1  }
0x5b: {  	[bflag:$0x3] =	sbarrier.arrive $0xFFFF  }
0x5c: {  	_ =	shalt  }

// kernel: gather_offload_async_start.2
scs
__scs_entry_jumppad:
0x0: {  	(pc) =	sbr.rel $0x88, $3  }
0x1: {  	(tag) =	ssettag $0x0;
	lr =	simm.s32 $0x1  }
0x2: {  	[smem:$0x3F9B] =	sst lr;
	_ =	strace $0xD0000000  }
0x3: {  	_ = 	snop  }
0x4: {  	_ = 	snop  }
0x5: {  	_ = 	snop  }
0x6: {  	_ = 	snop  }
0x7: {  	_ = 	snop  }
__scs_overlays_trampoline_lowered:
0x8: {  	[smem:$0x3FAA] =	sst s0  }
0x9: {  	[smem:$0x3FAB] =	sst s1  }
0xa: {  	[smem:$0x3FAC] =	sst s2  }
0xb: {  	[smem:$0x3FAD] =	sst s3  }
0xc: {  	[smem:$0x3FAE] =	sst s4  }
0xd: {  	[smem:$0x3FAF] =	sst s5  }
0xe: {  	[smem:$0x3FB0] =	sst s6  }
0xf: {  	[smem:$0x3FB1] =	sst s7  }
0x10: {  	[smem:$0x3FB2] =	sst s8  }
0x11: {  	[smem:$0x3FB3] =	sst s9;
	s0 =	simm.s32 @!p0 $0x0  }
0x12: {  	s1 =	sld [smem:$0x3F99];
	s0 =	simm.s32 @p0 $0x1  }
0x13: {  	[smem:$0x3FB4] =	sst s0;
	s0 =	simm.s32 @!p1 $0x0  }
0x14: {  	s2 =	sld [smem:$0x3F98];
	s0 =	simm.s32 @p1 $0x1  }
0x15: {  	[smem:$0x3FB5] =	sst s0;
	s0 =	simm.s32 @!p2 $0x0  }
0x16: {  	s3 =	sld [smem:$0x3FDB];
	s0 =	simm.s32 @p2 $0x1  }
0x17: {  	s4 =	simm.s32 $0x1BF5;
	[smem:$0x3FB7] =	sst s0  }
0x18: {  	s0 =	sld [smem:$0x3F9A];
	_ =	swait.ge [sflag:s4], $0x0  }
0x19: {  	s7 =	sld [smem:$0x3F9B]  }
0x1a: {  	s8 =	sadd.s32 $0xFFFFE003, lr  }
0x1b: {  	s9 =	sadd.s32 $0xFFFFFEF7, lr;
	s5 =	simm.s32 $0xFFFFFFFF;
	p2 =	slt.u32 s8, $0xFFFFF086  }
0x1c: {  	p1 =	slt.u32 s9, $0xF7A;
	s5 =	simm.s32 @!p2 $0x0  }
0x1d: {  	s5 =	simm.s32 @p1 $0x1;
	p0 =	seq.s32 s7, s2  }
0x1e: {  	s7 =	smul.u32 @!p0 $0xF7A, s2;
	p2 =	seq.s32 @!p0 s5, $0x0  }
0x1f: {  	s9 =	smul.u32 $0xF7A, s1;
	s8 =	simm.s32 @!p0 $0x1BF5;
	p2 =	por !p2, p0  }
0x20: {  	[sflag:s8] =	ssyncset.s32 @!p0 $0xFFFFF086;
	s6 =	sadd.s32 @!p0 s3, s7;
	s7 =	simm.s32 @!p0 $0x108  }
0x21: {  	s3 =	sadd.s32 s3, s9;
	s6 =	sadd.s32 @!p0 $0x88, s6;
	s7 =	simm.s32 @p2 $0x1082  }
0x22: {  	[simem:s7], [sflag:s8] =	dma.local @!p0 [hbm:s6], $0xF7A  }
0x23: {  	s9 =	sor.u32 $0xD0000000, s2;
	s6 =	simm.s32 $0x108;
	_ =	swait.ge @!p0 [sflag:s8], $0x0  }
0x24: {  	s3 =	sadd.s32 $0x88, s3;
	s6 =	simm.s32 @!p1 $0x1082;
	[sflag:s4] =	ssyncset.s32 $0xFFFFF086  }
0x25: {  	[simem:s6], [sflag:s4] =	dma.local [hbm:s3], $0xF7A  }
0x26: {  	[smem:$0x3F9B] =	sst s1;
	(tag) =	ssettag s2;
	_ =	strace s9  }
0x27: {  	s1 =	sld [smem:$0x3FAB]  }
0x28: {  	s2 =	sld [smem:$0x3FAC]  }
0x29: {  	s4 =	sld [smem:$0x3FAE]  }
0x2a: {  	p0 =	seq.s32 s5, $0x0;
	s5 =	sld [smem:$0x3FAF]  }
0x2b: {  	s6 =	sld [smem:$0x3FB0]  }
0x2c: {  	s7 =	sld [smem:$0x3FB1]  }
0x2d: {  	s3 =	simm.s32 $0x108;
	s8 =	sld [smem:$0x3FB2]  }
0x2e: {  	s3 =	simm.s32 @!p0 $0x1082;
	s9 =	sld [smem:$0x3FB3]  }
0x2f: {  	lr =	sadd.s32 s0, s3;
	s0 =	sld [smem:$0x3FAA]  }
0x30: {  	s3 =	sld [smem:$0x3FAD]  }
0x31: {  	[smem:$0x3FB6] =	sst s10  }
0x32: {  	s10 =	sld [smem:$0x3FB4];
	_ =	sdelay $0x3  }
0x33: {  	p0 =	seq.s32 s10, $0x1;
	s10 =	sld [smem:$0x3FB6];
	_ =	sdelay $0x3  }
0x34: {  	[smem:$0x3FB6] =	sst s10  }
0x35: {  	s10 =	sld [smem:$0x3FB5];
	_ =	sdelay $0x3  }
0x36: {  	p1 =	seq.s32 s10, $0x1;
	s10 =	sld [smem:$0x3FB6];
	_ =	sdelay $0x3  }
0x37: {  	[smem:$0x3FB6] =	sst s10  }
0x38: {  	s10 =	sld [smem:$0x3FB7]  }
0x39: {  	_ = 	snop;
	(pc) =	sbr.ind lr, $3  }
0x3a: {  	_ = 	snop  }
0x3b: {  	_ = 	snop  }
0x3c: {  	p2 =	seq.s32 s10, $0x1;
	s10 =	sld [smem:$0x3FB6]  }
0x3d: {  	_ =	shalt  }
0x3e: {  	_ =	shalt  }
0x3f: {  	_ =	shalt  }
0x40: {  	_ =	shalt  }
0x41: {  	_ =	shalt  }
0x42: {  	_ =	shalt  }
0x43: {  	_ =	shalt  }
0x44: {  	_ =	shalt  }
0x45: {  	_ =	shalt  }
0x46: {  	_ =	shalt  }
0x47: {  	_ =	shalt  }
0x48: {  	_ =	shalt  }
0x49: {  	_ =	shalt  }
0x4a: {  	_ =	shalt  }
0x4b: {  	_ =	shalt  }
0x4c: {  	_ =	shalt  }
0x4d: {  	_ =	shalt  }
0x4e: {  	_ =	shalt  }
0x4f: {  	_ =	shalt  }
0x50: {  	_ =	shalt  }
0x51: {  	_ =	shalt  }
0x52: {  	_ =	shalt  }
0x53: {  	_ =	shalt  }
0x54: {  	_ =	shalt  }
0x55: {  	_ =	shalt  }
0x56: {  	_ =	shalt  }
0x57: {  	_ =	shalt  }
0x58: {  	_ =	shalt  }
0x59: {  	_ =	shalt  }
0x5a: {  	_ =	shalt  }
0x5b: {  	_ =	shalt  }
0x5c: {  	_ =	shalt  }
0x5d: {  	_ =	shalt  }
0x5e: {  	_ =	shalt  }
0x5f: {  	_ =	shalt  }
0x60: {  	_ =	shalt  }
0x61: {  	_ =	shalt  }
0x62: {  	_ =	shalt  }
0x63: {  	_ =	shalt  }
0x64: {  	_ =	shalt  }
0x65: {  	_ =	shalt  }
0x66: {  	_ =	shalt  }
0x67: {  	_ =	shalt  }
0x68: {  	_ =	shalt  }
0x69: {  	_ =	shalt  }
0x6a: {  	_ =	shalt  }
0x6b: {  	_ =	shalt  }
0x6c: {  	_ =	shalt  }
0x6d: {  	_ =	shalt  }
0x6e: {  	_ =	shalt  }
0x6f: {  	_ =	shalt  }
0x70: {  	_ =	shalt  }
0x71: {  	_ =	shalt  }
0x72: {  	_ =	shalt  }
0x73: {  	_ =	shalt  }
0x74: {  	_ =	shalt  }
0x75: {  	_ =	shalt  }
0x76: {  	_ =	shalt  }
0x77: {  	_ =	shalt  }
0x78: {  	_ =	shalt  }
0x79: {  	_ =	shalt  }
0x7a: {  	_ =	shalt  }
0x7b: {  	_ =	shalt  }
0x7c: {  	_ =	shalt  }
0x7d: {  	_ =	shalt  }
0x7e: {  	_ =	shalt  }
0x7f: {  	_ =	shalt  }
0x80: {  	_ =	shalt  }
0x81: {  	_ =	shalt  }
0x82: {  	_ =	shalt  }
0x83: {  	_ =	shalt  }
0x84: {  	_ =	shalt  }
0x85: {  	_ =	shalt  }
0x86: {  	_ =	shalt  }
0x87: {  	_ =	shalt  }
.Lfunc_end0:
.L_simem_size_0:
called_computation.2_lowered:
.L_overlay_start_0:
0x88: {  	s2 =	sld [smem:$0x3FD9]  }
0x89: {  	s3 =	sld [smem:$0x3FFE];
	_ =	sdelay $0x1  }
0x8a: {  	s1 =	srdreg.scid  }
0x8b: {  	s0 =	sand.u32 $0x1, s1  }
0x8c: {  	s17 =	sshll.u32 s0, $0xA;
	s2 =	sadd.s32 s3, s2  }
0x8d: {  	s2 =	sadd.s32 s2, s17  }
0x8e: {  	[smem:$0x3FC2] =	sst s2  }
0x8f: {  	_ = 	snop  }
0x90: {  	(tm) =	ssettm $0x1  }
0x91: {  	s18 =	sld [smem:$0x3FFB];
	_ =	sdelay $0x3  }
0x92: {  	_ =	strace s18  }
0x93: {  	s2 =	sld [smem:$0x3FFC];
	_ =	sdelay $0x3  }
0x94: {  	_ =	strace s2  }
0x95: {  	s2 =	sld [smem:$0x3FFD];
	_ =	sdelay $0x3  }
0x96: {  	_ =	strace s2  }
0x97: {  	_ =	strace $0x8FFFFFFF  }
0x98: {  	s19 =	sld [smem:$0x3FDB];
	_ =	sdelay $0x1  }
0x99: {  	s20 =	simm.s32 $_scs_section_size  }
0x9a: {  	s4 =	simm.s32 $_size__tile_overlayer_lowered;
	s5 =	simm.s32 $_tile_overlayer_lowered  }
0x9b: {  	s6 =	simm.s32 $0x1BFF;
	s21 =	sshll.u32 s5, $0x1;
	s3 =	sadd.s32 s20, s19  }
0x9c: {  	s22 =	simm.s32 $0x0;
	s4 =	sshll.u32 s4, $0x1;
	s5 =	sadd.s32 s21, s3  }
0x9d: {  	[timem:s22], [sflag:s6] =	dma.local [hbm:s5], s4  }
0x9e: {  	_ =	swait.ge [sflag:s6], s4  }
0x9f: {  	s4 =	ssub.s32 $0x0, s4;
	[sflag:s6] =	ssyncset.done $0x0  }
0xa0: {  	[sflag:s6] =	ssyncadd.s32 s4;
	_ =	sdelay $0x1  }
0xa1: {  	s23 =	simm.s32 $0x1B8B  }
0xa2: {  	_ =	swait.ge [sflag:s23], $0x1  }
0xa3: {  	[sflag:s23] =	ssyncset.done $0x0  }
0xa4: {  	[sflag:s23] =	ssyncadd.s32 $0xFFFFFFFF  }
0xa5: {  	s4 =	sld [smem:$0x0]  }
0xa6: {  	s5 =	sand.u32 $0xFFFFFFFE, s1  }
0xa7: {  	p0 =	sne.s32 s1, s5  }
0xa8: {  	s5 =	sshll.u32 @p0 s5, $0xE  }
0xa9: {  	s5 =	sadd.s32 @p0 $0x11B8D, s5;
	s6 =	sshll.u32 @p0 s4, $0x11  }
0xaa: {  	s5 =	sor.u32 @p0 s6, s5  }
0xab: {  	[sflag:s5] =	ssyncadd.remote.s32 @p0 $0x1;
	_ =	sdelay $0x1  }
0xac: {  	s5 =	simm.s32 @p0 $0x1B8D  }
0xad: {  	_ =	swait.eq @p0 [sflag:s5], $0x1  }
0xae: {  	[sflag:s5] =	ssyncadd.s32 @p0 $0xFFFFFFFF  }
0xaf: {  	s6 =	sshll.u32 @!p0 s1, $0xE  }
0xb0: {  	s6 =	sor.u32 @!p0 $0x4000, s6;
	s5 =	simm.s32 @!p0 $0x1B8D  }
0xb1: {  	s4 =	sshll.u32 @!p0 s4, $0x11;
	s6 =	sadd.s32 @!p0 $0x11B8D, s6;
	_ =	swait.eq @!p0 [sflag:s5], $0x1  }
0xb2: {  	s4 =	sor.u32 @!p0 s4, s6;
	[sflag:s5] =	ssyncadd.s32 @!p0 $0xFFFFFFFF  }
0xb3: {  	s25 =	simm.s32 $0x1B8E;
	s24 =	sld [smem:$0x3FFE];
	[sflag:s4] =	ssyncadd.remote.s32 @!p0 $0x1  }
0xb4: {  	s26 =	simm.s32 $execute0_lowered;
	[smem:$0x3FD2] =	sst s25  }
0xb5: {  	s5 =	sshll.u32 s26, $0x1;
	_ =	strace $0x8000004C;
	[dreg:$0x1] =	wrdreg $0xFFFFFFFF  }
0xb6: {  	s28 =	simm.s32 $_size_execute0_lowered;
	s3 =	sadd.s32 s3, s5;
	[dreg:$0x0] =	wrdreg $0x0  }
0xb7: {  	s5 =	sshll.u32 s28, $0x1;
	[dreg:$0x2] =	wrdreg s3  }
0xb8: {  	[dreg:$0x3] =	wrdreg s5  }
0xb9: {  	[dreg:$0x4] =	wrdreg $0xC0  }
0xba: {  	_ =	task [dreg:s22], $0x5FFFF  }
0xbb: {  	[dreg:$0x1] =	wrdreg $0xFFFFFFFF  }
0xbc: {  	[dreg:$0x0] =	wrdreg $0x60  }
0xbd: {  	[dreg:$0x2] =	wrdreg s24  }
0xbe: {  	[dreg:$0x3] =	wrdreg $0xA  }
0xbf: {  	_ =	task.clear_ibuf [dreg:s22], $0x4FFFF;
	_ =	strace $0x9000004C  }
0xc0: {  	s29 =	simm.s32 $0xA;
	_ =	strace $0x8000004E  }
0xc1: {  	_ =	swait.ge [sflag:s29], $0x1  }
0xc2: {  	[sflag:s29] =	ssyncadd.s32 $0xFFFFFFFF  }
0xc3: {  	_ =	strace $0x9000004E  }
0xc4: {  	_ =	sfence  }
0xc5: {  	s30 =	sld [smem:$0x0];
	_ =	sdelay $0x2  }
0xc6: {  	s31 =	sshll.u32 s1, $0xD;
	s1 =	sshrl.u32 s1, $0x2  }
0xc7: {  	s4 =	sand.u32 $0x4000, s31;
	s1 =	sadd.s32 s1, s30  }
0xc8: {  	s0 =	sor.u32 s4, s0;
	s1 =	sshll.u32 s1, $0x11  }
0xc9: {  	s0 =	sor.u32 s1, s0  }
0xca: {  	s0 =	sadd.s32 $0x8F2B, s0  }
0xcb: {  	[sflag:s0] =	ssyncadd.remote.s32 $0x1  }
0xcc: {  	_ =	sfence.sel $0xFFFF  }
0xcd: {  	[dreg:$0x0] =	wrdreg $0xFFFFFFFF;
	(pc) =	sbr.abs _section_cstart, $3  }
0xce: {  	[dreg:$0x1] =	wrdreg $0xFFFFFFFF  }
0xcf: {  	_ =	task.clear_ibuf [dreg:s22], $0x2FFFF;
	_ =	strace $0x9FFFFFFF  }
0xd0: {  	(tm) =	ssettm $0x7FFFFFFF  }
0xd1: {  	_ =	shalt  }
tec
execute0_lowered:
.L_overlay_start_1:
0x0: {  	(tag) =	ssettag $0x1  }
0x1: {  	s8 =	rddreg [dreg:$0x0]  }
0x2: {  	s0 =	rddreg [dreg:$0x1];
	_ =	strace $0x8000004D;
	s1 =	stileid.u32  }
0x3: {  	s3 =	srdreg.scid;
	s4 =	simm.s32 $0x1;
	s7 =	simm.s32 $0x1  }
0x4: {  	s9 =	simm.s32 $0x1;
	s10 =	simm.s32 $0x3;
	s13 =	simm.s32 $0x0  }
0x5: {  	s12 =	simm.s32 $0x0;
	s5 =	sand.u32 $0x1, s3;
	s6 =	sshll.u32 s1, $0x1  }
0x6: {  	s2 =	sadd.s32 $0x1EC00, s8;
	s3 =	sadd.s32 $0x34A00, s8;
	s5 =	sor.u32 s6, s5  }
.Ltmp0:
0x7: {  	[sflag:s4] =	ssyncpa.u1 $0x0;
	p0 =	slt.u32 s5, $0x19;
	(pc) =	sbr.rel .LBB2_1-.Ltmp0, $4  }
0x8: {  	s6 =	simm.s32 $0x2;
	s7 =	simm.s32 @!p0 $0x0;
	p0 =	sne.s32 s5, $0x18  }
0x9: {  	[sflag:s6] =	ssyncpa.u1 $0x0;
	s5 =	smul.u32 $0xE00, s5;
	s9 =	simm.s32 @!p0 $0x0  }
0xa: {  	s8 =	sadd.s32 $0x18A00, s8;
	[sflag:s10] =	ssyncpa.u1 $0x0;
	s7 =	sadd.s32 s9, s7  }
0xb: {  	vm0 =	vmmov $0xffff;
	s10 =	simm.s32 $0x0;
	s11 =	smov.u32 s5;
	s9 =	sadd.s32 $0x1, s7  }
.LBB2_4:
0xc: {  	vm1 =	veq.s32 v0, $0x80000000;
	v3 =	vand.u32 $0x3, v0;
	v62 =	vshll.u32 v0, $0xE  }
0xd: {  	v2 =	vand.u32 $0x3FFF, v2;
	v3 =	vsel vm1, $0xFFFFFFFF, v3;
	v0 =	vand.u32 $0x70000, v62  }
0xe: {  	v0 =	vsel vm1, $0xFFFF0000, v0;
	v4 =	vand.u32 $0xFFFF0000, v3;
	v3 =	vshll.u32 v3, $0x7  }
0xf: {  	v2 =	vsel vm1, $0xFFFFFFFF, v2;
	v0 =	vadd.s32 v4, v0;
	v3 =	vand.u32 $0x180, v3  }
0x10: {  	v63 =	vand.u32 $0x7F, v2;
	v2 =	vshll.u32 v2, $0x2;
	v0 =	vor.u32 v3, v0  }
0x11: {  	v2 =	vand.u32 $0xFFFFFE00, v2;
	v0 =	vor.u32 v63, v0  }
0x12: {  	v0 =	vadd.s32 v2, v0;
	_ =	sdelay $0x1  }
0x13: {  	(ifvalue) =	ssetifvalue $0x7FFFFFFF;
	s15 =	sadd.s32 $0x10, s15  }
0x14: {  	[tilespmem:s15], [sflag:$0x1] =	stream.indirect_vreg.gather [hbm4b:s2+s10], $0x1, v1, vm0, $0x4038;
	[tilespmem:$0x3800] =	vst v63  }
0x15: {  	(ifvalue) =	ssetifvalue $0x7FFFFFFF;
	s15 =	sadd.s32 $0x10, s15  }
0x16: {  	[tilespmem:s15], [sflag:$0x1] =	stream.indirect_vreg.gather [hbm4b:s2+s10], $0x1, v0, vm0, $0x4038;
	[tilespmem:$0x3800] =	vst v63  }
0x17: {  	_ =	swait.ge [sflag:s4], $0xE00  }
0x18: {  	s30 =	sshrl.u32 s13, $0x3;
	[sflag:s4] =	ssyncset.done $0x0  }
0x19: {  	s31 =	sand.u32 $0x7, s13;
	s15 =	sadd.s32 s8, s30;
	[sflag:s4] =	ssyncadd.s32 $0xFFFFF200  }
0x1a: {  	[hbm4b:s15+s31] =	stream.linear.scatter [tilespmem:s14], [sflag:$0x3], $0xE00, $0x38;
	[tilespmem:$0x3800] =	vst v63  }
.LBB2_5:
0x1b: {  	s15 =	sadd.s32 $0x1C000, s11  }
0x1c: {  	p1 =	sgt.s32 s15, $0x30FFF  }
0x1d: {  	s15 =	smov.u32 @p1 s5;
	p1 =	sne.s32 s12, s9  }
.Ltmp1:
0x1e: {  	p0 =	slt.u32 s12, $0x2;
	(pc) =	sbr.rel @!p1 .LBB2_6-.Ltmp1, $4  }
0x1f: {  	s14 =	simm.s32 @!p0 $0x3  }
0x20: {  	_ =	swait.ge @!p0 [sflag:s14], $0xE00  }
0x21: {  	s16 =	sadd.s32 $0x1, s12;
	s13 =	smov.u32 s11;
	[sflag:s14] =	ssyncset.done @!p0 $0x0  }
0x22: {  	s12 =	smov.u32 s16;
	s11 =	smov.u32 s15;
	[sflag:s14] =	ssyncadd.s32 @!p0 $0xFFFFF200  }
.LBB2_1:
0x23: {  	p0 =	sge.u32 s12, s7  }
0x24: {  	s14 =	sxor.u32 @!p0 $0x1, s12  }
0x25: {  	s14 =	smul.u32 @!p0 $0x3800, s14  }
0x26: {  	s31 =	sadd.s32 $0xFFFFFFFF, s12;
	s15 =	sshrl.u32 @!p0 s11, $0x3  }
0x27: {  	s16 =	sand.u32 @!p0 $0x7, s11;
	s15 =	sadd.s32 @!p0 s3, s15;
	s14 =	sshra.s32 @!p0 s14, $0x2  }
0x28: {  	[tilespmem:s14], [sflag:$0x2] =	stream.linear.gather @!p0 [hbm4b:s15+s16], $0xE00, $0x38;
	[tilespmem:$0x3800] =	vst v63  }
0x29: {  	p0 =	sge.u32 s31, s7  }
.Ltmp2:
0x2a: {  	_ = 	snop;
	(pc) =	sbr.rel @p0 .LBB2_5-.Ltmp2, $1  }
0x2b: {  	_ =	sdelay $0x3  }
0x2c: {  	s14 =	sand.u32 $0x1, s12  }
0x2d: {  	_ =	swait.ge [sflag:s6], $0xE00;
	p0 =	seq.s32 s14, $0x1;
	s14 =	simm.s32 $0xE00  }
0x2e: {  	[sflag:s6] =	ssyncset.done $0x0;
	s14 =	simm.s32 @!p0 $0x0  }
0x2f: {  	[sflag:s6] =	ssyncadd.s32 $0xFFFFF200;
	(ifvalue) =	ssetifvalue $0x7FFFFFFF;
	v0 =	vld.msk [tilespmem:s14+$0x0 ss:$0x1], $0xffff;
	_ =	sdelay $0x1  }
0x30: {  	s15 =	sadd.s32 $0x10, s14  }
0x31: {  	v3 =	vld.msk [tilespmem:s15+$0x0 ss:$0x1], $0xffff;
	_ =	sdelay $0x1  }
0x32: {  	v1 =	vshrl.u32 v0, $0x5  }
0x33: {  	vm1 =	veq.s32 v0, $0x80000000;
	v2 =	vand.u32 $0x3, v0;
	v0 =	vshll.u32 v0, $0xE  }
0x34: {  	v2 =	vsel vm1, $0xFFFFFFFF, v2;
	v0 =	vand.u32 $0x70000, v0  }
0x35: {  	v1 =	vand.u32 $0x3FFF, v1;
	v62 =	vand.u32 $0x3, v3;
	v0 =	vsel vm1, $0xFFFF0000, v0  }
0x36: {  	v4 =	vand.u32 $0xFFFF0000, v2;
	v2 =	vshll.u32 v2, $0x7;
	v1 =	vsel vm1, $0xFFFFFFFF, v1  }
0x37: {  	vm1 =	veq.s32 v3, $0x80000000;
	v0 =	vadd.s32 v4, v0;
	v2 =	vand.u32 $0x180, v2  }
0x38: {  	v61 =	vand.u32 $0x7F, v1;
	v1 =	vshll.u32 v1, $0x2;
	v0 =	vor.u32 v2, v0  }
0x39: {  	v4 =	vsel vm1, $0xFFFFFFFF, v62;
	v1 =	vand.u32 $0xFFFFFE00, v1;
	v0 =	vor.u32 v61, v0  }
0x3a: {  	s15 =	sadd.s32 $0x10, s15;
	v2 =	vshrl.u32 v3, $0x5;
	v3 =	vshll.u32 v3, $0xE;
	v1 =	vadd.s32 v1, v0  }
0x3b: {  	v5 =	vand.u32 $0xFFFF0000, v4;
	v3 =	vand.u32 $0x70000, v3;
	v0 =	vld.msk [tilespmem:s15+$0x0 ss:$0x1], $0xffff  }
0x3c: {  	v4 =	vshll.u32 v4, $0x7;
	v2 =	vand.u32 $0x3FFF, v2;
	v3 =	vsel vm1, $0xFFFF0000, v3  }
0x3d: {  	v4 =	vand.u32 $0x180, v4;
	v2 =	vsel vm1, $0xFFFFFFFF, v2;
	v3 =	vadd.s32 v5, v3  }
0x3e: {  	s14 =	sadd.s32 $0x1C00, s14;
	(ifvalue) =	ssetifvalue $0x7FFFFFFF;
	v63 =	vand.u32 $0x7F, v2;
	v2 =	vshll.u32 v2, $0x2;
	v3 =	vor.u32 v4, v3  }
0x3f: {  	v3 =	vor.u32 v63, v3;
	[tilespmem:s14], [sflag:$0x1] =	stream.indirect_vreg.gather [hbm4b:s2+s10], $0x1, v1, vm0, $0x4038;
	v1 =	vand.u32 $0xFFFFFE00, v2;
	[tilespmem:$0x3800] =	vst v63  }
0x40: {  	s16 =	simm.s32 $0x20;
	s17 =	sadd.s32 $0x10, s15;
	s15 =	smov.u32 s14;
	v2 =	vshrl.u32 v0, $0x5;
	v1 =	vadd.s32 v1, v3  }
.LBB2_3:
0x41: {  	vm1 =	veq.s32 v0, $0x80000000;
	v3 =	vand.u32 $0x3, v0;
	v4 =	vshll.u32 v0, $0xE;
	v0 =	vld.msk [tilespmem:s17+$0x0 ss:$0x1], $0xffff;
	s16 =	sadd.s32 $0x10, s16  }
0x42: {  	v2 =	vand.u32 $0x3FFF, v2;
	v3 =	vsel vm1, $0xFFFFFFFF, v3;
	v4 =	vand.u32 $0x70000, v4;
	p0 =	slt.u32 s16, $0xDF0  }
.Ltmp3:
0x43: {  	v4 =	vsel vm1, $0xFFFF0000, v4;
	v5 =	vand.u32 $0xFFFF0000, v3;
	v3 =	vshll.u32 v3, $0x7;
	(pc) =	sbr.rel @p0 .LBB2_3-.Ltmp3, $4  }
0x44: {  	s15 =	sadd.s32 $0x10, s15;
	v2 =	vsel vm1, $0xFFFFFFFF, v2;
	v4 =	vadd.s32 v5, v4;
	v3 =	vand.u32 $0x180, v3;
	(ifvalue) =	ssetifvalue $0x7FFFFFFF  }
0x45: {  	v5 =	vand.u32 $0x7F, v2;
	v2 =	vshll.u32 v2, $0x2;
	v3 =	vor.u32 v3, v4;
	[tilespmem:s15], [sflag:$0x1] =	stream.indirect_vreg.gather [hbm4b:s2+s10], $0x1, v1, vm0, $0x4038;
	[tilespmem:$0x3800] =	vst v63  }
0x46: {  	v1 =	vand.u32 $0xFFFFFE00, v2;
	v3 =	vor.u32 v5, v3  }
0x47: {  	s17 =	sadd.s32 $0x10, s17;
	v2 =	vshrl.u32 v0, $0x5;
	v1 =	vadd.s32 v1, v3  }
.Ltmp4:
0x48: {  	_ = 	snop;
	(pc) =	sbr.rel .LBB2_4-.Ltmp4, $1  }
0x49: {  	_ =	sdelay $0x3  }
.LBB2_6:
0x4a: {  	_ =	sfence.sel $0x180000  }
0x4b: {  	s2 =	simm.s32 $0x2;
	[bflag:$0x0] =	sbarrier.arrive $0xFFFF  }
0x4c: {  	s30 =	simm.s32 $0x3;
	[sflag:s2] =	ssyncpa.u1 $0x1  }
0x4d: {  	s31 =	simm.s32 $0x1;
	[sflag:s30] =	ssyncpa.u1 $0x1  }
0x4e: {  	[sflag:s31] =	ssyncpa.u1 $0x1  }
0x4f: {  	p0 =	sne.s32 s1, $0x0;
	_ =	strace $0x9000004D  }
0x50: {  	s0 =	sadd.s32 @!p0 $0x100000, s0;
	[bflag:$0x2] =	sbarrier.arrive $0xFFFF  }
0x51: {  	[sflag:s0] =	ssyncadd.tile.s32 @!p0 $0x1;
	_ =	shalt  }
.Lfunc_end2:
_tile_overlayer_lowered:
.L_overlay_start_2:
0x52: {  	(tag) =	ssettag $0x2  }
0x53: {  	s0 =	rddreg [dreg:$0x0];
	s2 =	stileid.u32  }
0x54: {  	s1 =	rddreg [dreg:$0x1];
	p0 =	sne.s32 s2, $0x0  }
0x55: {  	s3 =	rddreg [dreg:$0x2];
	[bflag:$0x3] =	sbarrier.arrive $0xFFFF;
	s2 =	simm.s32 @!p0 $0x1C01  }
0x56: {  	[timem:s3], [sflag:s2] =	dma.local @!p0 [hbm:s0], s1  }
0x57: {  	s0 =	simm.s32 @!p0 $0x1  }
0x58: {  	_ =	swait.ge @!p0 [sflag:s0], s1  }
0x59: {  	s1 =	ssub.s32 @!p0 $0x0, s1;
	[sflag:s0] =	ssyncset.done @!p0 $0x0  }
0x5a: {  	[sflag:s0] =	ssyncadd.s32 @!p0 s1  }
0x5b: {  	[bflag:$0x3] =	sbarrier.arrive $0xFFFF  }
0x5c: {  	_ =	shalt  }

// kernel: gather_offload_async_start.3
scs
__scs_entry_jumppad:
0x0: {  	(pc) =	sbr.rel $0x88, $3  }
0x1: {  	(tag) =	ssettag $0x0;
	lr =	simm.s32 $0x1  }
0x2: {  	[smem:$0x3F9B] =	sst lr;
	_ =	strace $0xD0000000  }
0x3: {  	_ = 	snop  }
0x4: {  	_ = 	snop  }
0x5: {  	_ = 	snop  }
0x6: {  	_ = 	snop  }
0x7: {  	_ = 	snop  }
__scs_overlays_trampoline_lowered:
0x8: {  	[smem:$0x3FAA] =	sst s0  }
0x9: {  	[smem:$0x3FAB] =	sst s1  }
0xa: {  	[smem:$0x3FAC] =	sst s2  }
0xb: {  	[smem:$0x3FAD] =	sst s3  }
0xc: {  	[smem:$0x3FAE] =	sst s4  }
0xd: {  	[smem:$0x3FAF] =	sst s5  }
0xe: {  	[smem:$0x3FB0] =	sst s6  }
0xf: {  	[smem:$0x3FB1] =	sst s7  }
0x10: {  	[smem:$0x3FB2] =	sst s8  }
0x11: {  	[smem:$0x3FB3] =	sst s9;
	s0 =	simm.s32 @!p0 $0x0  }
0x12: {  	s1 =	sld [smem:$0x3F99];
	s0 =	simm.s32 @p0 $0x1  }
0x13: {  	[smem:$0x3FB4] =	sst s0;
	s0 =	simm.s32 @!p1 $0x0  }
0x14: {  	s2 =	sld [smem:$0x3F98];
	s0 =	simm.s32 @p1 $0x1  }
0x15: {  	[smem:$0x3FB5] =	sst s0;
	s0 =	simm.s32 @!p2 $0x0  }
0x16: {  	s3 =	sld [smem:$0x3FDB];
	s0 =	simm.s32 @p2 $0x1  }
0x17: {  	s4 =	simm.s32 $0x1BF5;
	[smem:$0x3FB7] =	sst s0  }
0x18: {  	s0 =	sld [smem:$0x3F9A];
	_ =	swait.ge [sflag:s4], $0x0  }
0x19: {  	s7 =	sld [smem:$0x3F9B]  }
0x1a: {  	s8 =	sadd.s32 $0xFFFFE003, lr  }
0x1b: {  	s9 =	sadd.s32 $0xFFFFFEF7, lr;
	s5 =	simm.s32 $0xFFFFFFFF;
	p2 =	slt.u32 s8, $0xFFFFF086  }
0x1c: {  	p1 =	slt.u32 s9, $0xF7A;
	s5 =	simm.s32 @!p2 $0x0  }
0x1d: {  	s5 =	simm.s32 @p1 $0x1;
	p0 =	seq.s32 s7, s2  }
0x1e: {  	s7 =	smul.u32 @!p0 $0xF7A, s2;
	p2 =	seq.s32 @!p0 s5, $0x0  }
0x1f: {  	s9 =	smul.u32 $0xF7A, s1;
	s8 =	simm.s32 @!p0 $0x1BF5;
	p2 =	por !p2, p0  }
0x20: {  	[sflag:s8] =	ssyncset.s32 @!p0 $0xFFFFF086;
	s6 =	sadd.s32 @!p0 s3, s7;
	s7 =	simm.s32 @!p0 $0x108  }
0x21: {  	s3 =	sadd.s32 s3, s9;
	s6 =	sadd.s32 @!p0 $0x88, s6;
	s7 =	simm.s32 @p2 $0x1082  }
0x22: {  	[simem:s7], [sflag:s8] =	dma.local @!p0 [hbm:s6], $0xF7A  }
0x23: {  	s9 =	sor.u32 $0xD0000000, s2;
	s6 =	simm.s32 $0x108;
	_ =	swait.ge @!p0 [sflag:s8], $0x0  }
0x24: {  	s3 =	sadd.s32 $0x88, s3;
	s6 =	simm.s32 @!p1 $0x1082;
	[sflag:s4] =	ssyncset.s32 $0xFFFFF086  }
0x25: {  	[simem:s6], [sflag:s4] =	dma.local [hbm:s3], $0xF7A  }
0x26: {  	[smem:$0x3F9B] =	sst s1;
	(tag) =	ssettag s2;
	_ =	strace s9  }
0x27: {  	s1 =	sld [smem:$0x3FAB]  }
0x28: {  	s2 =	sld [smem:$0x3FAC]  }
0x29: {  	s4 =	sld [smem:$0x3FAE]  }
0x2a: {  	p0 =	seq.s32 s5, $0x0;
	s5 =	sld [smem:$0x3FAF]  }
0x2b: {  	s6 =	sld [smem:$0x3FB0]  }
0x2c: {  	s7 =	sld [smem:$0x3FB1]  }
0x2d: {  	s3 =	simm.s32 $0x108;
	s8 =	sld [smem:$0x3FB2]  }
0x2e: {  	s3 =	simm.s32 @!p0 $0x1082;
	s9 =	sld [smem:$0x3FB3]  }
0x2f: {  	lr =	sadd.s32 s0, s3;
	s0 =	sld [smem:$0x3FAA]  }
0x30: {  	s3 =	sld [smem:$0x3FAD]  }
0x31: {  	[smem:$0x3FB6] =	sst s10  }
0x32: {  	s10 =	sld [smem:$0x3FB4];
	_ =	sdelay $0x3  }
0x33: {  	p0 =	seq.s32 s10, $0x1;
	s10 =	sld [smem:$0x3FB6];
	_ =	sdelay $0x3  }
0x34: {  	[smem:$0x3FB6] =	sst s10  }
0x35: {  	s10 =	sld [smem:$0x3FB5];
	_ =	sdelay $0x3  }
0x36: {  	p1 =	seq.s32 s10, $0x1;
	s10 =	sld [smem:$0x3FB6];
	_ =	sdelay $0x3  }
0x37: {  	[smem:$0x3FB6] =	sst s10  }
0x38: {  	s10 =	sld [smem:$0x3FB7]  }
0x39: {  	_ = 	snop;
	(pc) =	sbr.ind lr, $3  }
0x3a: {  	_ = 	snop  }
0x3b: {  	_ = 	snop  }
0x3c: {  	p2 =	seq.s32 s10, $0x1;
	s10 =	sld [smem:$0x3FB6]  }
0x3d: {  	_ =	shalt  }
0x3e: {  	_ =	shalt  }
0x3f: {  	_ =	shalt  }
0x40: {  	_ =	shalt  }
0x41: {  	_ =	shalt  }
0x42: {  	_ =	shalt  }
0x43: {  	_ =	shalt  }
0x44: {  	_ =	shalt  }
0x45: {  	_ =	shalt  }
0x46: {  	_ =	shalt  }
0x47: {  	_ =	shalt  }
0x48: {  	_ =	shalt  }
0x49: {  	_ =	shalt  }
0x4a: {  	_ =	shalt  }
0x4b: {  	_ =	shalt  }
0x4c: {  	_ =	shalt  }
0x4d: {  	_ =	shalt  }
0x4e: {  	_ =	shalt  }
0x4f: {  	_ =	shalt  }
0x50: {  	_ =	shalt  }
0x51: {  	_ =	shalt  }
0x52: {  	_ =	shalt  }
0x53: {  	_ =	shalt  }
0x54: {  	_ =	shalt  }
0x55: {  	_ =	shalt  }
0x56: {  	_ =	shalt  }
0x57: {  	_ =	shalt  }
0x58: {  	_ =	shalt  }
0x59: {  	_ =	shalt  }
0x5a: {  	_ =	shalt  }
0x5b: {  	_ =	shalt  }
0x5c: {  	_ =	shalt  }
0x5d: {  	_ =	shalt  }
0x5e: {  	_ =	shalt  }
0x5f: {  	_ =	shalt  }
0x60: {  	_ =	shalt  }
0x61: {  	_ =	shalt  }
0x62: {  	_ =	shalt  }
0x63: {  	_ =	shalt  }
0x64: {  	_ =	shalt  }
0x65: {  	_ =	shalt  }
0x66: {  	_ =	shalt  }
0x67: {  	_ =	shalt  }
0x68: {  	_ =	shalt  }
0x69: {  	_ =	shalt  }
0x6a: {  	_ =	shalt  }
0x6b: {  	_ =	shalt  }
0x6c: {  	_ =	shalt  }
0x6d: {  	_ =	shalt  }
0x6e: {  	_ =	shalt  }
0x6f: {  	_ =	shalt  }
0x70: {  	_ =	shalt  }
0x71: {  	_ =	shalt  }
0x72: {  	_ =	shalt  }
0x73: {  	_ =	shalt  }
0x74: {  	_ =	shalt  }
0x75: {  	_ =	shalt  }
0x76: {  	_ =	shalt  }
0x77: {  	_ =	shalt  }
0x78: {  	_ =	shalt  }
0x79: {  	_ =	shalt  }
0x7a: {  	_ =	shalt  }
0x7b: {  	_ =	shalt  }
0x7c: {  	_ =	shalt  }
0x7d: {  	_ =	shalt  }
0x7e: {  	_ =	shalt  }
0x7f: {  	_ =	shalt  }
0x80: {  	_ =	shalt  }
0x81: {  	_ =	shalt  }
0x82: {  	_ =	shalt  }
0x83: {  	_ =	shalt  }
0x84: {  	_ =	shalt  }
0x85: {  	_ =	shalt  }
0x86: {  	_ =	shalt  }
0x87: {  	_ =	shalt  }
.Lfunc_end0:
.L_simem_size_0:
called_computation.3_lowered:
.L_overlay_start_0:
0x88: {  	s2 =	sld [smem:$0x3FD9]  }
0x89: {  	s3 =	sld [smem:$0x3FFE];
	_ =	sdelay $0x1  }
0x8a: {  	s1 =	srdreg.scid  }
0x8b: {  	s0 =	sand.u32 $0x1, s1  }
0x8c: {  	s16 =	sshll.u32 s0, $0xA;
	s2 =	sadd.s32 s3, s2  }
0x8d: {  	s2 =	sadd.s32 s2, s16  }
0x8e: {  	[smem:$0x3FC2] =	sst s2  }
0x8f: {  	_ = 	snop  }
0x90: {  	(tm) =	ssettm $0x1  }
0x91: {  	s17 =	sld [smem:$0x3FFB];
	_ =	sdelay $0x3  }
0x92: {  	_ =	strace s17  }
0x93: {  	s2 =	sld [smem:$0x3FFC];
	_ =	sdelay $0x3  }
0x94: {  	_ =	strace s2  }
0x95: {  	s2 =	sld [smem:$0x3FFD];
	_ =	sdelay $0x3  }
0x96: {  	_ =	strace s2  }
0x97: {  	_ =	strace $0x8FFFFFFF  }
0x98: {  	s18 =	sld [smem:$0x3FDB];
	_ =	sdelay $0x1  }
0x99: {  	s19 =	simm.s32 $_scs_section_size  }
0x9a: {  	s4 =	simm.s32 $_size__tile_overlayer_lowered;
	s5 =	simm.s32 $_tile_overlayer_lowered  }
0x9b: {  	s22 =	simm.s32 $0x1BFF;
	s21 =	sshll.u32 s5, $0x1;
	s2 =	sadd.s32 s19, s18  }
0x9c: {  	s6 =	simm.s32 $0x0;
	s20 =	sshll.u32 s4, $0x1;
	s4 =	sadd.s32 s21, s2  }
0x9d: {  	[timem:s6], [sflag:s22] =	dma.local [hbm:s4], s20  }
0x9e: {  	_ =	swait.ge [sflag:s22], s20  }
0x9f: {  	s3 =	ssub.s32 $0x0, s20;
	[sflag:s22] =	ssyncset.done $0x0  }
0xa0: {  	[sflag:s22] =	ssyncadd.s32 s3;
	_ =	sdelay $0x1  }
0xa1: {  	s23 =	simm.s32 $0x1B8B  }
0xa2: {  	_ =	swait.ge [sflag:s23], $0x1  }
0xa3: {  	[sflag:s23] =	ssyncset.done $0x0  }
0xa4: {  	s25 =	simm.s32 $0x1B8E;
	s24 =	sld [smem:$0x3FFE];
	[sflag:s23] =	ssyncadd.s32 $0xFFFFFFFF  }
0xa5: {  	s26 =	simm.s32 $execute0_lowered;
	[smem:$0x3FD2] =	sst s25  }
0xa6: {  	s4 =	sshll.u32 s26, $0x1;
	_ =	strace $0x80000046;
	[dreg:$0x1] =	wrdreg $0xFFFFFFFF  }
0xa7: {  	s28 =	simm.s32 $_size_execute0_lowered;
	s2 =	sadd.s32 s2, s4;
	[dreg:$0x0] =	wrdreg $0x0  }
0xa8: {  	s4 =	sshll.u32 s28, $0x1;
	[dreg:$0x2] =	wrdreg s2  }
0xa9: {  	[dreg:$0x3] =	wrdreg s4  }
0xaa: {  	[dreg:$0x4] =	wrdreg $0xC0  }
0xab: {  	_ =	task [dreg:s6], $0x5FFFF  }
0xac: {  	[dreg:$0x1] =	wrdreg $0xFFFFFFFF  }
0xad: {  	[dreg:$0x0] =	wrdreg $0x60  }
0xae: {  	[dreg:$0x2] =	wrdreg s24  }
0xaf: {  	[dreg:$0x3] =	wrdreg $0xA  }
0xb0: {  	_ =	task.clear_ibuf [dreg:s6], $0x4FFFF;
	_ =	strace $0x90000046  }
0xb1: {  	s29 =	simm.s32 $0xA;
	_ =	strace $0x80000048  }
0xb2: {  	_ =	swait.ge [sflag:s29], $0x1  }
0xb3: {  	[sflag:s29] =	ssyncadd.s32 $0xFFFFFFFF  }
0xb4: {  	_ =	strace $0x90000048  }
0xb5: {  	_ =	sfence  }
0xb6: {  	s30 =	sld [smem:$0x0];
	_ =	sdelay $0x2  }
0xb7: {  	s31 =	sshll.u32 s1, $0xD;
	s1 =	sshrl.u32 s1, $0x2  }
0xb8: {  	s3 =	sand.u32 $0x4000, s31;
	s1 =	sadd.s32 s1, s30  }
0xb9: {  	s0 =	sor.u32 s3, s0;
	s1 =	sshll.u32 s1, $0x11  }
0xba: {  	s0 =	sor.u32 s1, s0  }
0xbb: {  	s0 =	sadd.s32 $0x8F2B, s0  }
0xbc: {  	[sflag:s0] =	ssyncadd.remote.s32 $0x1  }
0xbd: {  	_ =	sfence.sel $0xFFFF  }
0xbe: {  	[dreg:$0x0] =	wrdreg $0xFFFFFFFF;
	(pc) =	sbr.abs _section_cstart, $3  }
0xbf: {  	[dreg:$0x1] =	wrdreg $0xFFFFFFFF  }
0xc0: {  	_ =	task.clear_ibuf [dreg:s6], $0x2FFFF;
	_ =	strace $0x9FFFFFFF  }
0xc1: {  	(tm) =	ssettm $0x7FFFFFFF  }
tec
execute0_lowered:
.L_overlay_start_1:
0x0: {  	(tag) =	ssettag $0x1  }
0x1: {  	s8 =	rddreg [dreg:$0x0]  }
0x2: {  	s0 =	rddreg [dreg:$0x1];
	_ =	strace $0x80000047;
	s1 =	stileid.u32  }
0x3: {  	s3 =	srdreg.scid;
	s4 =	simm.s32 $0x1;
	s7 =	simm.s32 $0x1  }
0x4: {  	s9 =	simm.s32 $0x1;
	s10 =	simm.s32 $0x3;
	s13 =	simm.s32 $0x0  }
0x5: {  	s12 =	simm.s32 $0x0;
	s5 =	sand.u32 $0x1, s3;
	s6 =	sshll.u32 s1, $0x1  }
0x6: {  	s2 =	sadd.s32 $0x1EC00, s8;
	s3 =	sadd.s32 $0x18A00, s8;
	s5 =	sor.u32 s6, s5  }
.Ltmp0:
0x7: {  	[sflag:s4] =	ssyncpa.u1 $0x0;
	p0 =	slt.u32 s5, $0x19;
	(pc) =	sbr.rel .LBB2_1-.Ltmp0, $4  }
0x8: {  	s6 =	simm.s32 $0x2;
	s7 =	simm.s32 @!p0 $0x0;
	p0 =	sne.s32 s5, $0x18  }
0x9: {  	[sflag:s6] =	ssyncpa.u1 $0x0;
	s5 =	smul.u32 $0xE00, s5;
	s9 =	simm.s32 @!p0 $0x0  }
0xa: {  	s8 =	sadd.s32 $0x4C1000, s8;
	[sflag:s10] =	ssyncpa.u1 $0x0;
	s7 =	sadd.s32 s9, s7  }
0xb: {  	vm0 =	vmmov $0xffff;
	s10 =	simm.s32 $0x0;
	s11 =	smov.u32 s5;
	s9 =	sadd.s32 $0x1, s7  }
.LBB2_4:
0xc: {  	vm1 =	veq.s32 v0, $0x80000000;
	v3 =	vand.u32 $0x3, v0;
	v62 =	vshll.u32 v0, $0xE  }
0xd: {  	v2 =	vand.u32 $0x3FFF, v2;
	v3 =	vsel vm1, $0xFFFFFFFF, v3;
	v0 =	vand.u32 $0x70000, v62  }
0xe: {  	v0 =	vsel vm1, $0xFFFF0000, v0;
	v4 =	vand.u32 $0xFFFF0000, v3;
	v3 =	vshll.u32 v3, $0x7  }
0xf: {  	v2 =	vsel vm1, $0xFFFFFFFF, v2;
	v0 =	vadd.s32 v4, v0;
	v3 =	vand.u32 $0x180, v3  }
0x10: {  	v63 =	vand.u32 $0x7F, v2;
	v2 =	vshll.u32 v2, $0x2;
	v0 =	vor.u32 v3, v0  }
0x11: {  	v2 =	vand.u32 $0xFFFFFE00, v2;
	v0 =	vor.u32 v63, v0  }
0x12: {  	v0 =	vadd.s32 v2, v0;
	_ =	sdelay $0x1  }
0x13: {  	(ifvalue) =	ssetifvalue $0x7FFFFFFF;
	s15 =	sadd.s32 $0x10, s15  }
0x14: {  	[tilespmem:s15], [sflag:$0x1] =	stream.indirect_vreg.gather [hbm4b:s2+s10], $0x1, v1, vm0, $0x4038;
	[tilespmem:$0x3800] =	vst v63  }
0x15: {  	(ifvalue) =	ssetifvalue $0x7FFFFFFF;
	s15 =	sadd.s32 $0x10, s15  }
0x16: {  	[tilespmem:s15], [sflag:$0x1] =	stream.indirect_vreg.gather [hbm4b:s2+s10], $0x1, v0, vm0, $0x4038;
	[tilespmem:$0x3800] =	vst v63  }
0x17: {  	_ =	swait.ge [sflag:s4], $0xE00  }
0x18: {  	s30 =	sshrl.u32 s13, $0x3;
	[sflag:s4] =	ssyncset.done $0x0  }
0x19: {  	s31 =	sand.u32 $0x7, s13;
	s15 =	sadd.s32 s8, s30;
	[sflag:s4] =	ssyncadd.s32 $0xFFFFF200  }
0x1a: {  	[hbm4b:s15+s31] =	stream.linear.scatter [tilespmem:s14], [sflag:$0x3], $0xE00, $0x38;
	[tilespmem:$0x3800] =	vst v63  }
.LBB2_5:
0x1b: {  	s15 =	sadd.s32 $0x1C000, s11  }
0x1c: {  	p1 =	sgt.s32 s15, $0x30FFF  }
0x1d: {  	s15 =	smov.u32 @p1 s5;
	p1 =	sne.s32 s12, s9  }
.Ltmp1:
0x1e: {  	p0 =	slt.u32 s12, $0x2;
	(pc) =	sbr.rel @!p1 .LBB2_6-.Ltmp1, $4  }
0x1f: {  	s14 =	simm.s32 @!p0 $0x3  }
0x20: {  	_ =	swait.ge @!p0 [sflag:s14], $0xE00  }
0x21: {  	s16 =	sadd.s32 $0x1, s12;
	s13 =	smov.u32 s11;
	[sflag:s14] =	ssyncset.done @!p0 $0x0  }
0x22: {  	s12 =	smov.u32 s16;
	s11 =	smov.u32 s15;
	[sflag:s14] =	ssyncadd.s32 @!p0 $0xFFFFF200  }
.LBB2_1:
0x23: {  	p0 =	sge.u32 s12, s7  }
0x24: {  	s14 =	sxor.u32 @!p0 $0x1, s12  }
0x25: {  	s14 =	smul.u32 @!p0 $0x3800, s14  }
0x26: {  	s31 =	sadd.s32 $0xFFFFFFFF, s12;
	s15 =	sshrl.u32 @!p0 s11, $0x3  }
0x27: {  	s16 =	sand.u32 @!p0 $0x7, s11;
	s15 =	sadd.s32 @!p0 s3, s15;
	s14 =	sshra.s32 @!p0 s14, $0x2  }
0x28: {  	[tilespmem:s14], [sflag:$0x2] =	stream.linear.gather @!p0 [hbm4b:s15+s16], $0xE00, $0x38;
	[tilespmem:$0x3800] =	vst v63  }
0x29: {  	p0 =	sge.u32 s31, s7  }
.Ltmp2:
0x2a: {  	_ = 	snop;
	(pc) =	sbr.rel @p0 .LBB2_5-.Ltmp2, $1  }
0x2b: {  	_ =	sdelay $0x3  }
0x2c: {  	s14 =	sand.u32 $0x1, s12  }
0x2d: {  	_ =	swait.ge [sflag:s6], $0xE00;
	p0 =	seq.s32 s14, $0x1;
	s14 =	simm.s32 $0xE00  }
0x2e: {  	[sflag:s6] =	ssyncset.done $0x0;
	s14 =	simm.s32 @!p0 $0x0  }
0x2f: {  	[sflag:s6] =	ssyncadd.s32 $0xFFFFF200;
	(ifvalue) =	ssetifvalue $0x7FFFFFFF;
	v0 =	vld.msk [tilespmem:s14+$0x0 ss:$0x1], $0xffff;
	_ =	sdelay $0x1  }
0x30: {  	s15 =	sadd.s32 $0x10, s14  }
0x31: {  	v3 =	vld.msk [tilespmem:s15+$0x0 ss:$0x1], $0xffff;
	_ =	sdelay $0x1  }
0x32: {  	v1 =	vshrl.u32 v0, $0x5  }
0x33: {  	vm1 =	veq.s32 v0, $0x80000000;
	v2 =	vand.u32 $0x3, v0;
	v0 =	vshll.u32 v0, $0xE  }
0x34: {  	v2 =	vsel vm1, $0xFFFFFFFF, v2;
	v0 =	vand.u32 $0x70000, v0  }
0x35: {  	v1 =	vand.u32 $0x3FFF, v1;
	v62 =	vand.u32 $0x3, v3;
	v0 =	vsel vm1, $0xFFFF0000, v0  }
0x36: {  	v4 =	vand.u32 $0xFFFF0000, v2;
	v2 =	vshll.u32 v2, $0x7;
	v1 =	vsel vm1, $0xFFFFFFFF, v1  }
0x37: {  	vm1 =	veq.s32 v3, $0x80000000;
	v0 =	vadd.s32 v4, v0;
	v2 =	vand.u32 $0x180, v2  }
0x38: {  	v61 =	vand.u32 $0x7F, v1;
	v1 =	vshll.u32 v1, $0x2;
	v0 =	vor.u32 v2, v0  }
0x39: {  	v4 =	vsel vm1, $0xFFFFFFFF, v62;
	v1 =	vand.u32 $0xFFFFFE00, v1;
	v0 =	vor.u32 v61, v0  }
0x3a: {  	s15 =	sadd.s32 $0x10, s15;
	v2 =	vshrl.u32 v3, $0x5;
	v3 =	vshll.u32 v3, $0xE;
	v1 =	vadd.s32 v1, v0  }
0x3b: {  	v5 =	vand.u32 $0xFFFF0000, v4;
	v3 =	vand.u32 $0x70000, v3;
	v0 =	vld.msk [tilespmem:s15+$0x0 ss:$0x1], $0xffff  }
0x3c: {  	v4 =	vshll.u32 v4, $0x7;
	v2 =	vand.u32 $0x3FFF, v2;
	v3 =	vsel vm1, $0xFFFF0000, v3  }
0x3d: {  	v4 =	vand.u32 $0x180, v4;
	v2 =	vsel vm1, $0xFFFFFFFF, v2;
	v3 =	vadd.s32 v5, v3  }
0x3e: {  	s14 =	sadd.s32 $0x1C00, s14;
	(ifvalue) =	ssetifvalue $0x7FFFFFFF;
	v63 =	vand.u32 $0x7F, v2;
	v2 =	vshll.u32 v2, $0x2;
	v3 =	vor.u32 v4, v3  }
0x3f: {  	v3 =	vor.u32 v63, v3;
	[tilespmem:s14], [sflag:$0x1] =	stream.indirect_vreg.gather [hbm4b:s2+s10], $0x1, v1, vm0, $0x4038;
	v1 =	vand.u32 $0xFFFFFE00, v2;
	[tilespmem:$0x3800] =	vst v63  }
0x40: {  	s16 =	simm.s32 $0x20;
	s17 =	sadd.s32 $0x10, s15;
	s15 =	smov.u32 s14;
	v2 =	vshrl.u32 v0, $0x5;
	v1 =	vadd.s32 v1, v3  }
.LBB2_3:
0x41: {  	vm1 =	veq.s32 v0, $0x80000000;
	v3 =	vand.u32 $0x3, v0;
	v4 =	vshll.u32 v0, $0xE;
	v0 =	vld.msk [tilespmem:s17+$0x0 ss:$0x1], $0xffff;
	s16 =	sadd.s32 $0x10, s16  }
0x42: {  	v2 =	vand.u32 $0x3FFF, v2;
	v3 =	vsel vm1, $0xFFFFFFFF, v3;
	v4 =	vand.u32 $0x70000, v4;
	p0 =	slt.u32 s16, $0xDF0  }
.Ltmp3:
0x43: {  	v4 =	vsel vm1, $0xFFFF0000, v4;
	v5 =	vand.u32 $0xFFFF0000, v3;
	v3 =	vshll.u32 v3, $0x7;
	(pc) =	sbr.rel @p0 .LBB2_3-.Ltmp3, $4  }
0x44: {  	s15 =	sadd.s32 $0x10, s15;
	v2 =	vsel vm1, $0xFFFFFFFF, v2;
	v4 =	vadd.s32 v5, v4;
	v3 =	vand.u32 $0x180, v3;
	(ifvalue) =	ssetifvalue $0x7FFFFFFF  }
0x45: {  	v5 =	vand.u32 $0x7F, v2;
	v2 =	vshll.u32 v2, $0x2;
	v3 =	vor.u32 v3, v4;
	[tilespmem:s15], [sflag:$0x1] =	stream.indirect_vreg.gather [hbm4b:s2+s10], $0x1, v1, vm0, $0x4038;
	[tilespmem:$0x3800] =	vst v63  }
0x46: {  	v1 =	vand.u32 $0xFFFFFE00, v2;
	v3 =	vor.u32 v5, v3  }
0x47: {  	s17 =	sadd.s32 $0x10, s17;
	v2 =	vshrl.u32 v0, $0x5;
	v1 =	vadd.s32 v1, v3  }
.Ltmp4:
0x48: {  	_ = 	snop;
	(pc) =	sbr.rel .LBB2_4-.Ltmp4, $1  }
0x49: {  	_ =	sdelay $0x3  }
.LBB2_6:
0x4a: {  	_ =	sfence.sel $0x180000  }
0x4b: {  	s2 =	simm.s32 $0x2;
	[bflag:$0x0] =	sbarrier.arrive $0xFFFF  }
0x4c: {  	s30 =	simm.s32 $0x3;
	[sflag:s2] =	ssyncpa.u1 $0x1  }
0x4d: {  	s31 =	simm.s32 $0x1;
	[sflag:s30] =	ssyncpa.u1 $0x1  }
0x4e: {  	[sflag:s31] =	ssyncpa.u1 $0x1  }
0x4f: {  	p0 =	sne.s32 s1, $0x0;
	_ =	strace $0x90000047  }
0x50: {  	s0 =	sadd.s32 @!p0 $0x100000, s0;
	[bflag:$0x2] =	sbarrier.arrive $0xFFFF  }
0x51: {  	[sflag:s0] =	ssyncadd.tile.s32 @!p0 $0x1;
	_ =	shalt  }
.Lfunc_end2:
_tile_overlayer_lowered:
.L_overlay_start_2:
0x52: {  	(tag) =	ssettag $0x2  }
0x53: {  	s0 =	rddreg [dreg:$0x0];
	s2 =	stileid.u32  }
0x54: {  	s1 =	rddreg [dreg:$0x1];
	p0 =	sne.s32 s2, $0x0  }
0x55: {  	s3 =	rddreg [dreg:$0x2];
	[bflag:$0x3] =	sbarrier.arrive $0xFFFF;
	s2 =	simm.s32 @!p0 $0x1C01  }
0x56: {  	[timem:s3], [sflag:s2] =	dma.local @!p0 [hbm:s0], s1  }
0x57: {  	s0 =	simm.s32 @!p0 $0x1  }
0x58: {  	_ =	swait.ge @!p0 [sflag:s0], s1  }
0x59: {  	s1 =	ssub.s32 @!p0 $0x0, s1;
	[sflag:s0] =	ssyncset.done @!p0 $0x0  }
0x5a: {  	[sflag:s0] =	ssyncadd.s32 @!p0 s1  }
0x5b: {  	[bflag:$0x3] =	sbarrier.arrive $0xFFFF  }
0x5c: {  	_ =	shalt  }

// kernel: gather_offload_async_start.4
scs
__scs_entry_jumppad:
0x0: {  	(pc) =	sbr.rel $0x88, $3  }
0x1: {  	(tag) =	ssettag $0x0;
	lr =	simm.s32 $0x1  }
0x2: {  	[smem:$0x3F9B] =	sst lr;
	_ =	strace $0xD0000000  }
0x3: {  	_ = 	snop  }
0x4: {  	_ = 	snop  }
0x5: {  	_ = 	snop  }
0x6: {  	_ = 	snop  }
0x7: {  	_ = 	snop  }
__scs_overlays_trampoline_lowered:
0x8: {  	[smem:$0x3FAA] =	sst s0  }
0x9: {  	[smem:$0x3FAB] =	sst s1  }
0xa: {  	[smem:$0x3FAC] =	sst s2  }
0xb: {  	[smem:$0x3FAD] =	sst s3  }
0xc: {  	[smem:$0x3FAE] =	sst s4  }
0xd: {  	[smem:$0x3FAF] =	sst s5  }
0xe: {  	[smem:$0x3FB0] =	sst s6  }
0xf: {  	[smem:$0x3FB1] =	sst s7  }
0x10: {  	[smem:$0x3FB2] =	sst s8  }
0x11: {  	[smem:$0x3FB3] =	sst s9;
	s0 =	simm.s32 @!p0 $0x0  }
0x12: {  	s1 =	sld [smem:$0x3F99];
	s0 =	simm.s32 @p0 $0x1  }
0x13: {  	[smem:$0x3FB4] =	sst s0;
	s0 =	simm.s32 @!p1 $0x0  }
0x14: {  	s2 =	sld [smem:$0x3F98];
	s0 =	simm.s32 @p1 $0x1  }
0x15: {  	[smem:$0x3FB5] =	sst s0;
	s0 =	simm.s32 @!p2 $0x0  }
0x16: {  	s3 =	sld [smem:$0x3FDB];
	s0 =	simm.s32 @p2 $0x1  }
0x17: {  	s4 =	simm.s32 $0x1BF5;
	[smem:$0x3FB7] =	sst s0  }
0x18: {  	s0 =	sld [smem:$0x3F9A];
	_ =	swait.ge [sflag:s4], $0x0  }
0x19: {  	s7 =	sld [smem:$0x3F9B]  }
0x1a: {  	s8 =	sadd.s32 $0xFFFFE003, lr  }
0x1b: {  	s9 =	sadd.s32 $0xFFFFFEF7, lr;
	s5 =	simm.s32 $0xFFFFFFFF;
	p2 =	slt.u32 s8, $0xFFFFF086  }
0x1c: {  	p1 =	slt.u32 s9, $0xF7A;
	s5 =	simm.s32 @!p2 $0x0  }
0x1d: {  	s5 =	simm.s32 @p1 $0x1;
	p0 =	seq.s32 s7, s2  }
0x1e: {  	s7 =	smul.u32 @!p0 $0xF7A, s2;
	p2 =	seq.s32 @!p0 s5, $0x0  }
0x1f: {  	s9 =	smul.u32 $0xF7A, s1;
	s8 =	simm.s32 @!p0 $0x1BF5;
	p2 =	por !p2, p0  }
0x20: {  	[sflag:s8] =	ssyncset.s32 @!p0 $0xFFFFF086;
	s6 =	sadd.s32 @!p0 s3, s7;
	s7 =	simm.s32 @!p0 $0x108  }
0x21: {  	s3 =	sadd.s32 s3, s9;
	s6 =	sadd.s32 @!p0 $0x88, s6;
	s7 =	simm.s32 @p2 $0x1082  }
0x22: {  	[simem:s7], [sflag:s8] =	dma.local @!p0 [hbm:s6], $0xF7A  }
0x23: {  	s9 =	sor.u32 $0xD0000000, s2;
	s6 =	simm.s32 $0x108;
	_ =	swait.ge @!p0 [sflag:s8], $0x0  }
0x24: {  	s3 =	sadd.s32 $0x88, s3;
	s6 =	simm.s32 @!p1 $0x1082;
	[sflag:s4] =	ssyncset.s32 $0xFFFFF086  }
0x25: {  	[simem:s6], [sflag:s4] =	dma.local [hbm:s3], $0xF7A  }
0x26: {  	[smem:$0x3F9B] =	sst s1;
	(tag) =	ssettag s2;
	_ =	strace s9  }
0x27: {  	s1 =	sld [smem:$0x3FAB]  }
0x28: {  	s2 =	sld [smem:$0x3FAC]  }
0x29: {  	s4 =	sld [smem:$0x3FAE]  }
0x2a: {  	p0 =	seq.s32 s5, $0x0;
	s5 =	sld [smem:$0x3FAF]  }
0x2b: {  	s6 =	sld [smem:$0x3FB0]  }
0x2c: {  	s7 =	sld [smem:$0x3FB1]  }
0x2d: {  	s3 =	simm.s32 $0x108;
	s8 =	sld [smem:$0x3FB2]  }
0x2e: {  	s3 =	simm.s32 @!p0 $0x1082;
	s9 =	sld [smem:$0x3FB3]  }
0x2f: {  	lr =	sadd.s32 s0, s3;
	s0 =	sld [smem:$0x3FAA]  }
0x30: {  	s3 =	sld [smem:$0x3FAD]  }
0x31: {  	[smem:$0x3FB6] =	sst s10  }
0x32: {  	s10 =	sld [smem:$0x3FB4];
	_ =	sdelay $0x3  }
0x33: {  	p0 =	seq.s32 s10, $0x1;
	s10 =	sld [smem:$0x3FB6];
	_ =	sdelay $0x3  }
0x34: {  	[smem:$0x3FB6] =	sst s10  }
0x35: {  	s10 =	sld [smem:$0x3FB5];
	_ =	sdelay $0x3  }
0x36: {  	p1 =	seq.s32 s10, $0x1;
	s10 =	sld [smem:$0x3FB6];
	_ =	sdelay $0x3  }
0x37: {  	[smem:$0x3FB6] =	sst s10  }
0x38: {  	s10 =	sld [smem:$0x3FB7]  }
0x39: {  	_ = 	snop;
	(pc) =	sbr.ind lr, $3  }
0x3a: {  	_ = 	snop  }
0x3b: {  	_ = 	snop  }
0x3c: {  	p2 =	seq.s32 s10, $0x1;
	s10 =	sld [smem:$0x3FB6]  }
0x3d: {  	_ =	shalt  }
0x3e: {  	_ =	shalt  }
0x3f: {  	_ =	shalt  }
0x40: {  	_ =	shalt  }
0x41: {  	_ =	shalt  }
0x42: {  	_ =	shalt  }
0x43: {  	_ =	shalt  }
0x44: {  	_ =	shalt  }
0x45: {  	_ =	shalt  }
0x46: {  	_ =	shalt  }
0x47: {  	_ =	shalt  }
0x48: {  	_ =	shalt  }
0x49: {  	_ =	shalt  }
0x4a: {  	_ =	shalt  }
0x4b: {  	_ =	shalt  }
0x4c: {  	_ =	shalt  }
0x4d: {  	_ =	shalt  }
0x4e: {  	_ =	shalt  }
0x4f: {  	_ =	shalt  }
0x50: {  	_ =	shalt  }
0x51: {  	_ =	shalt  }
0x52: {  	_ =	shalt  }
0x53: {  	_ =	shalt  }
0x54: {  	_ =	shalt  }
0x55: {  	_ =	shalt  }
0x56: {  	_ =	shalt  }
0x57: {  	_ =	shalt  }
0x58: {  	_ =	shalt  }
0x59: {  	_ =	shalt  }
0x5a: {  	_ =	shalt  }
0x5b: {  	_ =	shalt  }
0x5c: {  	_ =	shalt  }
0x5d: {  	_ =	shalt  }
0x5e: {  	_ =	shalt  }
0x5f: {  	_ =	shalt  }
0x60: {  	_ =	shalt  }
0x61: {  	_ =	shalt  }
0x62: {  	_ =	shalt  }
0x63: {  	_ =	shalt  }
0x64: {  	_ =	shalt  }
0x65: {  	_ =	shalt  }
0x66: {  	_ =	shalt  }
0x67: {  	_ =	shalt  }
0x68: {  	_ =	shalt  }
0x69: {  	_ =	shalt  }
0x6a: {  	_ =	shalt  }
0x6b: {  	_ =	shalt  }
0x6c: {  	_ =	shalt  }
0x6d: {  	_ =	shalt  }
0x6e: {  	_ =	shalt  }
0x6f: {  	_ =	shalt  }
0x70: {  	_ =	shalt  }
0x71: {  	_ =	shalt  }
0x72: {  	_ =	shalt  }
0x73: {  	_ =	shalt  }
0x74: {  	_ =	shalt  }
0x75: {  	_ =	shalt  }
0x76: {  	_ =	shalt  }
0x77: {  	_ =	shalt  }
0x78: {  	_ =	shalt  }
0x79: {  	_ =	shalt  }
0x7a: {  	_ =	shalt  }
0x7b: {  	_ =	shalt  }
0x7c: {  	_ =	shalt  }
0x7d: {  	_ =	shalt  }
0x7e: {  	_ =	shalt  }
0x7f: {  	_ =	shalt  }
0x80: {  	_ =	shalt  }
0x81: {  	_ =	shalt  }
0x82: {  	_ =	shalt  }
0x83: {  	_ =	shalt  }
0x84: {  	_ =	shalt  }
0x85: {  	_ =	shalt  }
0x86: {  	_ =	shalt  }
0x87: {  	_ =	shalt  }
.Lfunc_end0:
.L_simem_size_0:
called_computation.4_lowered:
.L_overlay_start_0:
0x88: {  	s2 =	sld [smem:$0x3FD9]  }
0x89: {  	s3 =	sld [smem:$0x3FFE];
	_ =	sdelay $0x1  }
0x8a: {  	s1 =	srdreg.scid  }
0x8b: {  	s0 =	sand.u32 $0x1, s1  }
0x8c: {  	s17 =	sshll.u32 s0, $0xA;
	s2 =	sadd.s32 s3, s2  }
0x8d: {  	s2 =	sadd.s32 s2, s17  }
0x8e: {  	[smem:$0x3FC2] =	sst s2  }
0x8f: {  	_ = 	snop  }
0x90: {  	(tm) =	ssettm $0x1  }
0x91: {  	s18 =	sld [smem:$0x3FFB];
	_ =	sdelay $0x3  }
0x92: {  	_ =	strace s18  }
0x93: {  	s2 =	sld [smem:$0x3FFC];
	_ =	sdelay $0x3  }
0x94: {  	_ =	strace s2  }
0x95: {  	s2 =	sld [smem:$0x3FFD];
	_ =	sdelay $0x3  }
0x96: {  	_ =	strace s2  }
0x97: {  	_ =	strace $0x8FFFFFFF  }
0x98: {  	s19 =	sld [smem:$0x3FDB];
	_ =	sdelay $0x1  }
0x99: {  	s20 =	simm.s32 $_scs_section_size  }
0x9a: {  	s4 =	simm.s32 $_size__tile_overlayer_lowered;
	s5 =	simm.s32 $_tile_overlayer_lowered  }
0x9b: {  	s6 =	simm.s32 $0x1BFF;
	s21 =	sshll.u32 s5, $0x1;
	s3 =	sadd.s32 s20, s19  }
0x9c: {  	s22 =	simm.s32 $0x0;
	s4 =	sshll.u32 s4, $0x1;
	s5 =	sadd.s32 s21, s3  }
0x9d: {  	[timem:s22], [sflag:s6] =	dma.local [hbm:s5], s4  }
0x9e: {  	_ =	swait.ge [sflag:s6], s4  }
0x9f: {  	s4 =	ssub.s32 $0x0, s4;
	[sflag:s6] =	ssyncset.done $0x0  }
0xa0: {  	[sflag:s6] =	ssyncadd.s32 s4;
	_ =	sdelay $0x1  }
0xa1: {  	s23 =	simm.s32 $0x1B8B  }
0xa2: {  	_ =	swait.ge [sflag:s23], $0x1  }
0xa3: {  	[sflag:s23] =	ssyncset.done $0x0  }
0xa4: {  	[sflag:s23] =	ssyncadd.s32 $0xFFFFFFFF  }
0xa5: {  	s4 =	sld [smem:$0x0]  }
0xa6: {  	s5 =	sand.u32 $0xFFFFFFFE, s1  }
0xa7: {  	p0 =	sne.s32 s1, s5  }
0xa8: {  	s5 =	sshll.u32 @p0 s5, $0xE  }
0xa9: {  	s5 =	sadd.s32 @p0 $0x11B8D, s5;
	s6 =	sshll.u32 @p0 s4, $0x11  }
0xaa: {  	s5 =	sor.u32 @p0 s6, s5  }
0xab: {  	[sflag:s5] =	ssyncadd.remote.s32 @p0 $0x1;
	_ =	sdelay $0x1  }
0xac: {  	s5 =	simm.s32 @p0 $0x1B8D  }
0xad: {  	_ =	swait.eq @p0 [sflag:s5], $0x1  }
0xae: {  	[sflag:s5] =	ssyncadd.s32 @p0 $0xFFFFFFFF  }
0xaf: {  	s6 =	sshll.u32 @!p0 s1, $0xE  }
0xb0: {  	s6 =	sor.u32 @!p0 $0x4000, s6;
	s5 =	simm.s32 @!p0 $0x1B8D  }
0xb1: {  	s4 =	sshll.u32 @!p0 s4, $0x11;
	s6 =	sadd.s32 @!p0 $0x11B8D, s6;
	_ =	swait.eq @!p0 [sflag:s5], $0x1  }
0xb2: {  	s4 =	sor.u32 @!p0 s4, s6;
	[sflag:s5] =	ssyncadd.s32 @!p0 $0xFFFFFFFF  }
0xb3: {  	s25 =	simm.s32 $0x1B8E;
	s24 =	sld [smem:$0x3FFE];
	[sflag:s4] =	ssyncadd.remote.s32 @!p0 $0x1  }
0xb4: {  	s26 =	simm.s32 $execute0_lowered;
	[smem:$0x3FD2] =	sst s25  }
0xb5: {  	s5 =	sshll.u32 s26, $0x1;
	_ =	strace $0x8000004F;
	[dreg:$0x1] =	wrdreg $0xFFFFFFFF  }
0xb6: {  	s28 =	simm.s32 $_size_execute0_lowered;
	s3 =	sadd.s32 s3, s5;
	[dreg:$0x0] =	wrdreg $0x0  }
0xb7: {  	s5 =	sshll.u32 s28, $0x1;
	[dreg:$0x2] =	wrdreg s3  }
0xb8: {  	[dreg:$0x3] =	wrdreg s5  }
0xb9: {  	[dreg:$0x4] =	wrdreg $0xC0  }
0xba: {  	_ =	task [dreg:s22], $0x5FFFF  }
0xbb: {  	[dreg:$0x1] =	wrdreg $0xFFFFFFFF  }
0xbc: {  	[dreg:$0x0] =	wrdreg $0x60  }
0xbd: {  	[dreg:$0x2] =	wrdreg s24  }
0xbe: {  	[dreg:$0x3] =	wrdreg $0x9  }
0xbf: {  	_ =	task.clear_ibuf [dreg:s22], $0x4FFFF;
	_ =	strace $0x9000004F  }
0xc0: {  	s29 =	simm.s32 $0x9;
	_ =	strace $0x80000051  }
0xc1: {  	_ =	swait.ge [sflag:s29], $0x1  }
0xc2: {  	[sflag:s29] =	ssyncadd.s32 $0xFFFFFFFF  }
0xc3: {  	_ =	strace $0x90000051  }
0xc4: {  	_ =	sfence  }
0xc5: {  	s30 =	sld [smem:$0x0];
	_ =	sdelay $0x2  }
0xc6: {  	s31 =	sshll.u32 s1, $0xD;
	s1 =	sshrl.u32 s1, $0x2  }
0xc7: {  	s4 =	sand.u32 $0x4000, s31;
	s1 =	sadd.s32 s1, s30  }
0xc8: {  	s0 =	sor.u32 s4, s0;
	s1 =	sshll.u32 s1, $0x11  }
0xc9: {  	s0 =	sor.u32 s1, s0  }
0xca: {  	s0 =	sadd.s32 $0x8F2B, s0  }
0xcb: {  	[sflag:s0] =	ssyncadd.remote.s32 $0x1  }
0xcc: {  	_ =	sfence.sel $0xFFFF  }
0xcd: {  	[dreg:$0x0] =	wrdreg $0xFFFFFFFF;
	(pc) =	sbr.abs _section_cstart, $3  }
0xce: {  	[dreg:$0x1] =	wrdreg $0xFFFFFFFF  }
0xcf: {  	_ =	task.clear_ibuf [dreg:s22], $0x2FFFF;
	_ =	strace $0x9FFFFFFF  }
0xd0: {  	(tm) =	ssettm $0x7FFFFFFF  }
0xd1: {  	_ =	shalt  }
tec
execute0_lowered:
.L_overlay_start_1:
0x0: {  	(tag) =	ssettag $0x1  }
0x1: {  	s8 =	rddreg [dreg:$0x0]  }
0x2: {  	s0 =	rddreg [dreg:$0x1];
	_ =	strace $0x80000050;
	s1 =	stileid.u32  }
0x3: {  	s3 =	srdreg.scid;
	s4 =	simm.s32 $0x1;
	s7 =	simm.s32 $0x1  }
0x4: {  	s9 =	simm.s32 $0x1;
	s10 =	simm.s32 $0x3;
	s13 =	simm.s32 $0x0  }
0x5: {  	s12 =	simm.s32 $0x0;
	s5 =	sand.u32 $0x1, s3;
	s6 =	sshll.u32 s1, $0x1  }
0x6: {  	s2 =	sadd.s32 $0x1EC00, s8;
	s3 =	sadd.s32 $0x3BA00, s8;
	s5 =	sor.u32 s6, s5  }
.Ltmp0:
0x7: {  	[sflag:s4] =	ssyncpa.u1 $0x0;
	p0 =	slt.u32 s5, $0x19;
	(pc) =	sbr.rel .LBB2_1-.Ltmp0, $4  }
0x8: {  	s6 =	simm.s32 $0x2;
	s7 =	simm.s32 @!p0 $0x0;
	p0 =	sne.s32 s5, $0x18  }
0x9: {  	[sflag:s6] =	ssyncpa.u1 $0x0;
	s5 =	smul.u32 $0xE00, s5;
	s9 =	simm.s32 @!p0 $0x0  }
0xa: {  	s8 =	sadd.s32 $0x2DA00, s8;
	[sflag:s10] =	ssyncpa.u1 $0x0;
	s7 =	sadd.s32 s9, s7  }
0xb: {  	vm0 =	vmmov $0xffff;
	s10 =	simm.s32 $0x0;
	s11 =	smov.u32 s5;
	s9 =	sadd.s32 $0x1, s7  }
.LBB2_4:
0xc: {  	vm1 =	veq.s32 v0, $0x80000000;
	v3 =	vand.u32 $0x3, v0;
	v62 =	vshll.u32 v0, $0xE  }
0xd: {  	v2 =	vand.u32 $0x3FFF, v2;
	v3 =	vsel vm1, $0xFFFFFFFF, v3;
	v0 =	vand.u32 $0x70000, v62  }
0xe: {  	v0 =	vsel vm1, $0xFFFF0000, v0;
	v4 =	vand.u32 $0xFFFF0000, v3;
	v3 =	vshll.u32 v3, $0x7  }
0xf: {  	v2 =	vsel vm1, $0xFFFFFFFF, v2;
	v0 =	vadd.s32 v4, v0;
	v3 =	vand.u32 $0x180, v3  }
0x10: {  	v63 =	vand.u32 $0x7F, v2;
	v2 =	vshll.u32 v2, $0x2;
	v0 =	vor.u32 v3, v0  }
0x11: {  	v2 =	vand.u32 $0xFFFFFE00, v2;
	v0 =	vor.u32 v63, v0  }
0x12: {  	v0 =	vadd.s32 v2, v0;
	_ =	sdelay $0x1  }
0x13: {  	(ifvalue) =	ssetifvalue $0x7FFFFFFF;
	s15 =	sadd.s32 $0x10, s15  }
0x14: {  	[tilespmem:s15], [sflag:$0x1] =	stream.indirect_vreg.gather [hbm4b:s2+s10], $0x1, v1, vm0, $0x4038;
	[tilespmem:$0x3800] =	vst v63  }
0x15: {  	(ifvalue) =	ssetifvalue $0x7FFFFFFF;
	s15 =	sadd.s32 $0x10, s15  }
0x16: {  	[tilespmem:s15], [sflag:$0x1] =	stream.indirect_vreg.gather [hbm4b:s2+s10], $0x1, v0, vm0, $0x4038;
	[tilespmem:$0x3800] =	vst v63  }
0x17: {  	_ =	swait.ge [sflag:s4], $0xE00  }
0x18: {  	s30 =	sshrl.u32 s13, $0x3;
	[sflag:s4] =	ssyncset.done $0x0  }
0x19: {  	s31 =	sand.u32 $0x7, s13;
	s15 =	sadd.s32 s8, s30;
	[sflag:s4] =	ssyncadd.s32 $0xFFFFF200  }
0x1a: {  	[hbm4b:s15+s31] =	stream.linear.scatter [tilespmem:s14], [sflag:$0x3], $0xE00, $0x38;
	[tilespmem:$0x3800] =	vst v63  }
.LBB2_5:
0x1b: {  	s15 =	sadd.s32 $0x1C000, s11  }
0x1c: {  	p1 =	sgt.s32 s15, $0x30FFF  }
0x1d: {  	s15 =	smov.u32 @p1 s5;
	p1 =	sne.s32 s12, s9  }
.Ltmp1:
0x1e: {  	p0 =	slt.u32 s12, $0x2;
	(pc) =	sbr.rel @!p1 .LBB2_6-.Ltmp1, $4  }
0x1f: {  	s14 =	simm.s32 @!p0 $0x3  }
0x20: {  	_ =	swait.ge @!p0 [sflag:s14], $0xE00  }
0x21: {  	s16 =	sadd.s32 $0x1, s12;
	s13 =	smov.u32 s11;
	[sflag:s14] =	ssyncset.done @!p0 $0x0  }
0x22: {  	s12 =	smov.u32 s16;
	s11 =	smov.u32 s15;
	[sflag:s14] =	ssyncadd.s32 @!p0 $0xFFFFF200  }
.LBB2_1:
0x23: {  	p0 =	sge.u32 s12, s7  }
0x24: {  	s14 =	sxor.u32 @!p0 $0x1, s12  }
0x25: {  	s14 =	smul.u32 @!p0 $0x3800, s14  }
0x26: {  	s31 =	sadd.s32 $0xFFFFFFFF, s12;
	s15 =	sshrl.u32 @!p0 s11, $0x3  }
0x27: {  	s16 =	sand.u32 @!p0 $0x7, s11;
	s15 =	sadd.s32 @!p0 s3, s15;
	s14 =	sshra.s32 @!p0 s14, $0x2  }
0x28: {  	[tilespmem:s14], [sflag:$0x2] =	stream.linear.gather @!p0 [hbm4b:s15+s16], $0xE00, $0x38;
	[tilespmem:$0x3800] =	vst v63  }
0x29: {  	p0 =	sge.u32 s31, s7  }
.Ltmp2:
0x2a: {  	_ = 	snop;
	(pc) =	sbr.rel @p0 .LBB2_5-.Ltmp2, $1  }
0x2b: {  	_ =	sdelay $0x3  }
0x2c: {  	s14 =	sand.u32 $0x1, s12  }
0x2d: {  	_ =	swait.ge [sflag:s6], $0xE00;
	p0 =	seq.s32 s14, $0x1;
	s14 =	simm.s32 $0xE00  }
0x2e: {  	[sflag:s6] =	ssyncset.done $0x0;
	s14 =	simm.s32 @!p0 $0x0  }
0x2f: {  	[sflag:s6] =	ssyncadd.s32 $0xFFFFF200;
	(ifvalue) =	ssetifvalue $0x7FFFFFFF;
	v0 =	vld.msk [tilespmem:s14+$0x0 ss:$0x1], $0xffff;
	_ =	sdelay $0x1  }
0x30: {  	s15 =	sadd.s32 $0x10, s14  }
0x31: {  	v3 =	vld.msk [tilespmem:s15+$0x0 ss:$0x1], $0xffff;
	_ =	sdelay $0x1  }
0x32: {  	v1 =	vshrl.u32 v0, $0x5  }
0x33: {  	vm1 =	veq.s32 v0, $0x80000000;
	v2 =	vand.u32 $0x3, v0;
	v0 =	vshll.u32 v0, $0xE  }
0x34: {  	v2 =	vsel vm1, $0xFFFFFFFF, v2;
	v0 =	vand.u32 $0x70000, v0  }
0x35: {  	v1 =	vand.u32 $0x3FFF, v1;
	v62 =	vand.u32 $0x3, v3;
	v0 =	vsel vm1, $0xFFFF0000, v0  }
0x36: {  	v4 =	vand.u32 $0xFFFF0000, v2;
	v2 =	vshll.u32 v2, $0x7;
	v1 =	vsel vm1, $0xFFFFFFFF, v1  }
0x37: {  	vm1 =	veq.s32 v3, $0x80000000;
	v0 =	vadd.s32 v4, v0;
	v2 =	vand.u32 $0x180, v2  }
0x38: {  	v61 =	vand.u32 $0x7F, v1;
	v1 =	vshll.u32 v1, $0x2;
	v0 =	vor.u32 v2, v0  }
0x39: {  	v4 =	vsel vm1, $0xFFFFFFFF, v62;
	v1 =	vand.u32 $0xFFFFFE00, v1;
	v0 =	vor.u32 v61, v0  }
0x3a: {  	s15 =	sadd.s32 $0x10, s15;
	v2 =	vshrl.u32 v3, $0x5;
	v3 =	vshll.u32 v3, $0xE;
	v1 =	vadd.s32 v1, v0  }
0x3b: {  	v5 =	vand.u32 $0xFFFF0000, v4;
	v3 =	vand.u32 $0x70000, v3;
	v0 =	vld.msk [tilespmem:s15+$0x0 ss:$0x1], $0xffff  }
0x3c: {  	v4 =	vshll.u32 v4, $0x7;
	v2 =	vand.u32 $0x3FFF, v2;
	v3 =	vsel vm1, $0xFFFF0000, v3  }
0x3d: {  	v4 =	vand.u32 $0x180, v4;
	v2 =	vsel vm1, $0xFFFFFFFF, v2;
	v3 =	vadd.s32 v5, v3  }
0x3e: {  	s14 =	sadd.s32 $0x1C00, s14;
	(ifvalue) =	ssetifvalue $0x7FFFFFFF;
	v63 =	vand.u32 $0x7F, v2;
	v2 =	vshll.u32 v2, $0x2;
	v3 =	vor.u32 v4, v3  }
0x3f: {  	v3 =	vor.u32 v63, v3;
	[tilespmem:s14], [sflag:$0x1] =	stream.indirect_vreg.gather [hbm4b:s2+s10], $0x1, v1, vm0, $0x4038;
	v1 =	vand.u32 $0xFFFFFE00, v2;
	[tilespmem:$0x3800] =	vst v63  }
0x40: {  	s16 =	simm.s32 $0x20;
	s17 =	sadd.s32 $0x10, s15;
	s15 =	smov.u32 s14;
	v2 =	vshrl.u32 v0, $0x5;
	v1 =	vadd.s32 v1, v3  }
.LBB2_3:
0x41: {  	vm1 =	veq.s32 v0, $0x80000000;
	v3 =	vand.u32 $0x3, v0;
	v4 =	vshll.u32 v0, $0xE;
	v0 =	vld.msk [tilespmem:s17+$0x0 ss:$0x1], $0xffff;
	s16 =	sadd.s32 $0x10, s16  }
0x42: {  	v2 =	vand.u32 $0x3FFF, v2;
	v3 =	vsel vm1, $0xFFFFFFFF, v3;
	v4 =	vand.u32 $0x70000, v4;
	p0 =	slt.u32 s16, $0xDF0  }
.Ltmp3:
0x43: {  	v4 =	vsel vm1, $0xFFFF0000, v4;
	v5 =	vand.u32 $0xFFFF0000, v3;
	v3 =	vshll.u32 v3, $0x7;
	(pc) =	sbr.rel @p0 .LBB2_3-.Ltmp3, $4  }
0x44: {  	s15 =	sadd.s32 $0x10, s15;
	v2 =	vsel vm1, $0xFFFFFFFF, v2;
	v4 =	vadd.s32 v5, v4;
	v3 =	vand.u32 $0x180, v3;
	(ifvalue) =	ssetifvalue $0x7FFFFFFF  }
0x45: {  	v5 =	vand.u32 $0x7F, v2;
	v2 =	vshll.u32 v2, $0x2;
	v3 =	vor.u32 v3, v4;
	[tilespmem:s15], [sflag:$0x1] =	stream.indirect_vreg.gather [hbm4b:s2+s10], $0x1, v1, vm0, $0x4038;
	[tilespmem:$0x3800] =	vst v63  }
0x46: {  	v1 =	vand.u32 $0xFFFFFE00, v2;
	v3 =	vor.u32 v5, v3  }
0x47: {  	s17 =	sadd.s32 $0x10, s17;
	v2 =	vshrl.u32 v0, $0x5;
	v1 =	vadd.s32 v1, v3  }
.Ltmp4:
0x48: {  	_ = 	snop;
	(pc) =	sbr.rel .LBB2_4-.Ltmp4, $1  }
0x49: {  	_ =	sdelay $0x3  }
.LBB2_6:
0x4a: {  	_ =	sfence.sel $0x180000  }
0x4b: {  	s2 =	simm.s32 $0x2;
	[bflag:$0x0] =	sbarrier.arrive $0xFFFF  }
0x4c: {  	s30 =	simm.s32 $0x3;
	[sflag:s2] =	ssyncpa.u1 $0x1  }
0x4d: {  	s31 =	simm.s32 $0x1;
	[sflag:s30] =	ssyncpa.u1 $0x1  }
0x4e: {  	[sflag:s31] =	ssyncpa.u1 $0x1  }
0x4f: {  	p0 =	sne.s32 s1, $0x0;
	_ =	strace $0x90000050  }
0x50: {  	s0 =	sadd.s32 @!p0 $0x100000, s0;
	[bflag:$0x2] =	sbarrier.arrive $0xFFFF  }
0x51: {  	[sflag:s0] =	ssyncadd.tile.s32 @!p0 $0x1;
	_ =	shalt  }
.Lfunc_end2:
_tile_overlayer_lowered:
.L_overlay_start_2:
0x52: {  	(tag) =	ssettag $0x2  }
0x53: {  	s0 =	rddreg [dreg:$0x0];
	s2 =	stileid.u32  }
0x54: {  	s1 =	rddreg [dreg:$0x1];
	p0 =	sne.s32 s2, $0x0  }
0x55: {  	s3 =	rddreg [dreg:$0x2];
	[bflag:$0x3] =	sbarrier.arrive $0xFFFF;
	s2 =	simm.s32 @!p0 $0x1C01  }
0x56: {  	[timem:s3], [sflag:s2] =	dma.local @!p0 [hbm:s0], s1  }
0x57: {  	s0 =	simm.s32 @!p0 $0x1  }
0x58: {  	_ =	swait.ge @!p0 [sflag:s0], s1  }
0x59: {  	s1 =	ssub.s32 @!p0 $0x0, s1;
	[sflag:s0] =	ssyncset.done @!p0 $0x0  }
0x5a: {  	[sflag:s0] =	ssyncadd.s32 @!p0 s1  }
0x5b: {  	[bflag:$0x3] =	sbarrier.arrive $0xFFFF  }
0x5c: {  	_ =	shalt  }

// kernel: gather_offload_async_start.5
scs
__scs_entry_jumppad:
0x0: {  	(pc) =	sbr.rel $0x88, $3  }
0x1: {  	(tag) =	ssettag $0x0;
	lr =	simm.s32 $0x1  }
0x2: {  	[smem:$0x3F9B] =	sst lr;
	_ =	strace $0xD0000000  }
0x3: {  	_ = 	snop  }
0x4: {  	_ = 	snop  }
0x5: {  	_ = 	snop  }
0x6: {  	_ = 	snop  }
0x7: {  	_ = 	snop  }
__scs_overlays_trampoline_lowered:
0x8: {  	[smem:$0x3FAA] =	sst s0  }
0x9: {  	[smem:$0x3FAB] =	sst s1  }
0xa: {  	[smem:$0x3FAC] =	sst s2  }
0xb: {  	[smem:$0x3FAD] =	sst s3  }
0xc: {  	[smem:$0x3FAE] =	sst s4  }
0xd: {  	[smem:$0x3FAF] =	sst s5  }
0xe: {  	[smem:$0x3FB0] =	sst s6  }
0xf: {  	[smem:$0x3FB1] =	sst s7  }
0x10: {  	[smem:$0x3FB2] =	sst s8  }
0x11: {  	[smem:$0x3FB3] =	sst s9;
	s0 =	simm.s32 @!p0 $0x0  }
0x12: {  	s1 =	sld [smem:$0x3F99];
	s0 =	simm.s32 @p0 $0x1  }
0x13: {  	[smem:$0x3FB4] =	sst s0;
	s0 =	simm.s32 @!p1 $0x0  }
0x14: {  	s2 =	sld [smem:$0x3F98];
	s0 =	simm.s32 @p1 $0x1  }
0x15: {  	[smem:$0x3FB5] =	sst s0;
	s0 =	simm.s32 @!p2 $0x0  }
0x16: {  	s3 =	sld [smem:$0x3FDB];
	s0 =	simm.s32 @p2 $0x1  }
0x17: {  	s4 =	simm.s32 $0x1BF5;
	[smem:$0x3FB7] =	sst s0  }
0x18: {  	s0 =	sld [smem:$0x3F9A];
	_ =	swait.ge [sflag:s4], $0x0  }
0x19: {  	s7 =	sld [smem:$0x3F9B]  }
0x1a: {  	s8 =	sadd.s32 $0xFFFFE003, lr  }
0x1b: {  	s9 =	sadd.s32 $0xFFFFFEF7, lr;
	s5 =	simm.s32 $0xFFFFFFFF;
	p2 =	slt.u32 s8, $0xFFFFF086  }
0x1c: {  	p1 =	slt.u32 s9, $0xF7A;
	s5 =	simm.s32 @!p2 $0x0  }
0x1d: {  	s5 =	simm.s32 @p1 $0x1;
	p0 =	seq.s32 s7, s2  }
0x1e: {  	s7 =	smul.u32 @!p0 $0xF7A, s2;
	p2 =	seq.s32 @!p0 s5, $0x0  }
0x1f: {  	s9 =	smul.u32 $0xF7A, s1;
	s8 =	simm.s32 @!p0 $0x1BF5;
	p2 =	por !p2, p0  }
0x20: {  	[sflag:s8] =	ssyncset.s32 @!p0 $0xFFFFF086;
	s6 =	sadd.s32 @!p0 s3, s7;
	s7 =	simm.s32 @!p0 $0x108  }
0x21: {  	s3 =	sadd.s32 s3, s9;
	s6 =	sadd.s32 @!p0 $0x88, s6;
	s7 =	simm.s32 @p2 $0x1082  }
0x22: {  	[simem:s7], [sflag:s8] =	dma.local @!p0 [hbm:s6], $0xF7A  }
0x23: {  	s9 =	sor.u32 $0xD0000000, s2;
	s6 =	simm.s32 $0x108;
	_ =	swait.ge @!p0 [sflag:s8], $0x0  }
0x24: {  	s3 =	sadd.s32 $0x88, s3;
	s6 =	simm.s32 @!p1 $0x1082;
	[sflag:s4] =	ssyncset.s32 $0xFFFFF086  }
0x25: {  	[simem:s6], [sflag:s4] =	dma.local [hbm:s3], $0xF7A  }
0x26: {  	[smem:$0x3F9B] =	sst s1;
	(tag) =	ssettag s2;
	_ =	strace s9  }
0x27: {  	s1 =	sld [smem:$0x3FAB]  }
0x28: {  	s2 =	sld [smem:$0x3FAC]  }
0x29: {  	s4 =	sld [smem:$0x3FAE]  }
0x2a: {  	p0 =	seq.s32 s5, $0x0;
	s5 =	sld [smem:$0x3FAF]  }
0x2b: {  	s6 =	sld [smem:$0x3FB0]  }
0x2c: {  	s7 =	sld [smem:$0x3FB1]  }
0x2d: {  	s3 =	simm.s32 $0x108;
	s8 =	sld [smem:$0x3FB2]  }
0x2e: {  	s3 =	simm.s32 @!p0 $0x1082;
	s9 =	sld [smem:$0x3FB3]  }
0x2f: {  	lr =	sadd.s32 s0, s3;
	s0 =	sld [smem:$0x3FAA]  }
0x30: {  	s3 =	sld [smem:$0x3FAD]  }
0x31: {  	[smem:$0x3FB6] =	sst s10  }
0x32: {  	s10 =	sld [smem:$0x3FB4];
	_ =	sdelay $0x3  }
0x33: {  	p0 =	seq.s32 s10, $0x1;
	s10 =	sld [smem:$0x3FB6];
	_ =	sdelay $0x3  }
0x34: {  	[smem:$0x3FB6] =	sst s10  }
0x35: {  	s10 =	sld [smem:$0x3FB5];
	_ =	sdelay $0x3  }
0x36: {  	p1 =	seq.s32 s10, $0x1;
	s10 =	sld [smem:$0x3FB6];
	_ =	sdelay $0x3  }
0x37: {  	[smem:$0x3FB6] =	sst s10  }
0x38: {  	s10 =	sld [smem:$0x3FB7]  }
0x39: {  	_ = 	snop;
	(pc) =	sbr.ind lr, $3  }
0x3a: {  	_ = 	snop  }
0x3b: {  	_ = 	snop  }
0x3c: {  	p2 =	seq.s32 s10, $0x1;
	s10 =	sld [smem:$0x3FB6]  }
0x3d: {  	_ =	shalt  }
0x3e: {  	_ =	shalt  }
0x3f: {  	_ =	shalt  }
0x40: {  	_ =	shalt  }
0x41: {  	_ =	shalt  }
0x42: {  	_ =	shalt  }
0x43: {  	_ =	shalt  }
0x44: {  	_ =	shalt  }
0x45: {  	_ =	shalt  }
0x46: {  	_ =	shalt  }
0x47: {  	_ =	shalt  }
0x48: {  	_ =	shalt  }
0x49: {  	_ =	shalt  }
0x4a: {  	_ =	shalt  }
0x4b: {  	_ =	shalt  }
0x4c: {  	_ =	shalt  }
0x4d: {  	_ =	shalt  }
0x4e: {  	_ =	shalt  }
0x4f: {  	_ =	shalt  }
0x50: {  	_ =	shalt  }
0x51: {  	_ =	shalt  }
0x52: {  	_ =	shalt  }
0x53: {  	_ =	shalt  }
0x54: {  	_ =	shalt  }
0x55: {  	_ =	shalt  }
0x56: {  	_ =	shalt  }
0x57: {  	_ =	shalt  }
0x58: {  	_ =	shalt  }
0x59: {  	_ =	shalt  }
0x5a: {  	_ =	shalt  }
0x5b: {  	_ =	shalt  }
0x5c: {  	_ =	shalt  }
0x5d: {  	_ =	shalt  }
0x5e: {  	_ =	shalt  }
0x5f: {  	_ =	shalt  }
0x60: {  	_ =	shalt  }
0x61: {  	_ =	shalt  }
0x62: {  	_ =	shalt  }
0x63: {  	_ =	shalt  }
0x64: {  	_ =	shalt  }
0x65: {  	_ =	shalt  }
0x66: {  	_ =	shalt  }
0x67: {  	_ =	shalt  }
0x68: {  	_ =	shalt  }
0x69: {  	_ =	shalt  }
0x6a: {  	_ =	shalt  }
0x6b: {  	_ =	shalt  }
0x6c: {  	_ =	shalt  }
0x6d: {  	_ =	shalt  }
0x6e: {  	_ =	shalt  }
0x6f: {  	_ =	shalt  }
0x70: {  	_ =	shalt  }
0x71: {  	_ =	shalt  }
0x72: {  	_ =	shalt  }
0x73: {  	_ =	shalt  }
0x74: {  	_ =	shalt  }
0x75: {  	_ =	shalt  }
0x76: {  	_ =	shalt  }
0x77: {  	_ =	shalt  }
0x78: {  	_ =	shalt  }
0x79: {  	_ =	shalt  }
0x7a: {  	_ =	shalt  }
0x7b: {  	_ =	shalt  }
0x7c: {  	_ =	shalt  }
0x7d: {  	_ =	shalt  }
0x7e: {  	_ =	shalt  }
0x7f: {  	_ =	shalt  }
0x80: {  	_ =	shalt  }
0x81: {  	_ =	shalt  }
0x82: {  	_ =	shalt  }
0x83: {  	_ =	shalt  }
0x84: {  	_ =	shalt  }
0x85: {  	_ =	shalt  }
0x86: {  	_ =	shalt  }
0x87: {  	_ =	shalt  }
.Lfunc_end0:
.L_simem_size_0:
called_computation.5_lowered:
.L_overlay_start_0:
0x88: {  	s2 =	sld [smem:$0x3FD9]  }
0x89: {  	s3 =	sld [smem:$0x3FFE];
	_ =	sdelay $0x1  }
0x8a: {  	s1 =	srdreg.scid  }
0x8b: {  	s0 =	sand.u32 $0x1, s1  }
0x8c: {  	s16 =	sshll.u32 s0, $0xA;
	s2 =	sadd.s32 s3, s2  }
0x8d: {  	s2 =	sadd.s32 s2, s16  }
0x8e: {  	[smem:$0x3FC2] =	sst s2  }
0x8f: {  	_ = 	snop  }
0x90: {  	(tm) =	ssettm $0x1  }
0x91: {  	s17 =	sld [smem:$0x3FFB];
	_ =	sdelay $0x3  }
0x92: {  	_ =	strace s17  }
0x93: {  	s2 =	sld [smem:$0x3FFC];
	_ =	sdelay $0x3  }
0x94: {  	_ =	strace s2  }
0x95: {  	s2 =	sld [smem:$0x3FFD];
	_ =	sdelay $0x3  }
0x96: {  	_ =	strace s2  }
0x97: {  	_ =	strace $0x8FFFFFFF  }
0x98: {  	s18 =	sld [smem:$0x3FDB];
	_ =	sdelay $0x1  }
0x99: {  	s19 =	simm.s32 $_scs_section_size  }
0x9a: {  	s4 =	simm.s32 $_size__tile_overlayer_lowered;
	s5 =	simm.s32 $_tile_overlayer_lowered  }
0x9b: {  	s22 =	simm.s32 $0x1BFF;
	s21 =	sshll.u32 s5, $0x1;
	s2 =	sadd.s32 s19, s18  }
0x9c: {  	s6 =	simm.s32 $0x0;
	s20 =	sshll.u32 s4, $0x1;
	s4 =	sadd.s32 s21, s2  }
0x9d: {  	[timem:s6], [sflag:s22] =	dma.local [hbm:s4], s20  }
0x9e: {  	_ =	swait.ge [sflag:s22], s20  }
0x9f: {  	s3 =	ssub.s32 $0x0, s20;
	[sflag:s22] =	ssyncset.done $0x0  }
0xa0: {  	[sflag:s22] =	ssyncadd.s32 s3;
	_ =	sdelay $0x1  }
0xa1: {  	s23 =	simm.s32 $0x1B8B  }
0xa2: {  	_ =	swait.ge [sflag:s23], $0x1  }
0xa3: {  	[sflag:s23] =	ssyncset.done $0x0  }
0xa4: {  	s25 =	simm.s32 $0x1B8E;
	s24 =	sld [smem:$0x3FFE];
	[sflag:s23] =	ssyncadd.s32 $0xFFFFFFFF  }
0xa5: {  	s26 =	simm.s32 $execute0_lowered;
	[smem:$0x3FD2] =	sst s25  }
0xa6: {  	s4 =	sshll.u32 s26, $0x1;
	_ =	strace $0x80000055;
	[dreg:$0x1] =	wrdreg $0xFFFFFFFF  }
0xa7: {  	s28 =	simm.s32 $_size_execute0_lowered;
	s2 =	sadd.s32 s2, s4;
	[dreg:$0x0] =	wrdreg $0x0  }
0xa8: {  	s4 =	sshll.u32 s28, $0x1;
	[dreg:$0x2] =	wrdreg s2  }
0xa9: {  	[dreg:$0x3] =	wrdreg s4  }
0xaa: {  	[dreg:$0x4] =	wrdreg $0xC0  }
0xab: {  	_ =	task [dreg:s6], $0x5FFFF  }
0xac: {  	[dreg:$0x1] =	wrdreg $0xFFFFFFFF  }
0xad: {  	[dreg:$0x0] =	wrdreg $0x60  }
0xae: {  	[dreg:$0x2] =	wrdreg s24  }
0xaf: {  	[dreg:$0x3] =	wrdreg $0x9  }
0xb0: {  	_ =	task.clear_ibuf [dreg:s6], $0x4FFFF;
	_ =	strace $0x90000055  }
0xb1: {  	s29 =	simm.s32 $0x9;
	_ =	strace $0x80000057  }
0xb2: {  	_ =	swait.ge [sflag:s29], $0x1  }
0xb3: {  	[sflag:s29] =	ssyncadd.s32 $0xFFFFFFFF  }
0xb4: {  	_ =	strace $0x90000057  }
0xb5: {  	_ =	sfence  }
0xb6: {  	s30 =	sld [smem:$0x0];
	_ =	sdelay $0x2  }
0xb7: {  	s31 =	sshll.u32 s1, $0xD;
	s1 =	sshrl.u32 s1, $0x2  }
0xb8: {  	s3 =	sand.u32 $0x4000, s31;
	s1 =	sadd.s32 s1, s30  }
0xb9: {  	s0 =	sor.u32 s3, s0;
	s1 =	sshll.u32 s1, $0x11  }
0xba: {  	s0 =	sor.u32 s1, s0  }
0xbb: {  	s0 =	sadd.s32 $0x8F2B, s0  }
0xbc: {  	[sflag:s0] =	ssyncadd.remote.s32 $0x1  }
0xbd: {  	_ =	sfence.sel $0xFFFF  }
0xbe: {  	[dreg:$0x0] =	wrdreg $0xFFFFFFFF;
	(pc) =	sbr.abs _section_cstart, $3  }
0xbf: {  	[dreg:$0x1] =	wrdreg $0xFFFFFFFF  }
0xc0: {  	_ =	task.clear_ibuf [dreg:s6], $0x2FFFF;
	_ =	strace $0x9FFFFFFF  }
0xc1: {  	(tm) =	ssettm $0x7FFFFFFF  }
tec
execute0_lowered:
.L_overlay_start_1:
0x0: {  	(tag) =	ssettag $0x1  }
0x1: {  	s0 =	srdreg.scid;
	s5 =	rddreg [dreg:$0x0]  }
0x2: {  	s1 =	stileid.u32;
	s6 =	simm.s32 $0x1;
	s9 =	simm.s32 $0x1  }
0x3: {  	s10 =	simm.s32 $0x3;
	s13 =	simm.s32 $0x0;
	s2 =	sshll.u32 s0, $0x9  }
0x4: {  	s12 =	simm.s32 $0x0;
	s3 =	sshll.u32 s1, $0xA;
	s2 =	sand.u32 $0x200, s2  }
0x5: {  	s0 =	rddreg [dreg:$0x1];
	_ =	strace $0x80000056;
	s2 =	sor.u32 s3, s2  }
0x6: {  	s4 =	sadd.s32 $0xF000, s5;
	[sflag:s6] =	ssyncpa.u1 $0x0;
	s8 =	ssub.s32 $0x7000, s2  }
.Ltmp0:
0x7: {  	s3 =	sadd.s32 $0xB1E00, s5;
	s7 =	sand.u32 $0x3E00, s8;
	(pc) =	sbr.rel .LBB2_1-.Ltmp0, $4  }
0x8: {  	s5 =	sadd.s32 $0x54600, s5;
	s11 =	smov.u32 s2;
	p0 =	sne.s32 s7, $0x0  }
0x9: {  	s8 =	sshrl.u32 s8, $0xE;
	s7 =	simm.s32 $0x2;
	s9 =	simm.s32 @!p0 $0x0  }
0xa: {  	[sflag:s7] =	ssyncpa.u1 $0x0;
	p0 =	por $0x0, $0x0;
	s8 =	sadd.s32 s9, s8  }
0xb: {  	vm0 =	vmmov $0xffff;
	[sflag:s10] =	ssyncpa.u1 $0x0;
	s10 =	simm.s32 $0x0;
	s9 =	sadd.s32 $0x1, s8  }
.LBB2_4:
0xc: {  	vm1 =	veq.s32 v0, $0x80000000;
	v3 =	vand.u32 $0x3, v0;
	v62 =	vshll.u32 v0, $0xE  }
0xd: {  	v2 =	vand.u32 $0x3FFF, v2;
	v3 =	vsel vm1, $0xFFFFFFFF, v3;
	v0 =	vand.u32 $0x70000, v62  }
0xe: {  	v0 =	vsel vm1, $0xFFFF0000, v0;
	v4 =	vand.u32 $0xFFFF0000, v3;
	v3 =	vshll.u32 v3, $0x7  }
0xf: {  	v2 =	vsel vm1, $0xFFFFFFFF, v2;
	v0 =	vadd.s32 v4, v0;
	v3 =	vand.u32 $0x180, v3  }
0x10: {  	v63 =	vand.u32 $0x7F, v2;
	v2 =	vshll.u32 v2, $0x2;
	v0 =	vor.u32 v3, v0  }
0x11: {  	v2 =	vand.u32 $0xFFFFFE00, v2;
	v0 =	vor.u32 v63, v0  }
0x12: {  	v0 =	vadd.s32 v2, v0;
	_ =	sdelay $0x1  }
0x13: {  	(ifvalue) =	ssetifvalue $0x7FFFFFFF;
	s14 =	sadd.s32 $0x10, s14  }
0x14: {  	[tilespmem:s14], [sflag:$0x1] =	stream.indirect_vreg.gather [hbm4b:s3+s10], $0x1, v1, vm0, $0x4038;
	[tilespmem:$0x800] =	vst v63  }
0x15: {  	(ifvalue) =	ssetifvalue $0x7FFFFFFF;
	s14 =	sadd.s32 $0x10, s14  }
0x16: {  	[tilespmem:s14], [sflag:$0x1] =	stream.indirect_vreg.gather [hbm4b:s3+s10], $0x1, v0, vm0, $0x4038;
	[tilespmem:$0x800] =	vst v63  }
0x17: {  	_ =	swait.ge [sflag:s6], $0x200  }
0x18: {  	s30 =	sshrl.u32 s13, $0x3;
	[sflag:s6] =	ssyncset.done $0x0  }
0x19: {  	s31 =	sand.u32 $0x7, s13;
	s14 =	sadd.s32 s5, s30;
	[sflag:s6] =	ssyncadd.s32 $0xFFFFFE00  }
0x1a: {  	[hbm4b:s14+s31] =	stream.linear.scatter [tilespmem:s15], [sflag:$0x3], $0x200, $0x38;
	[tilespmem:$0x800] =	vst v63  }
.LBB2_5:
0x1b: {  	s15 =	sadd.s32 $0x4000, s11  }
0x1c: {  	p2 =	sgt.s32 s15, $0x6FFF  }
0x1d: {  	s15 =	smov.u32 @p2 s2;
	p2 =	sne.s32 s12, s9  }
.Ltmp1:
0x1e: {  	p1 =	slt.u32 s12, $0x2;
	(pc) =	sbr.rel @!p2 .LBB2_6-.Ltmp1, $4  }
0x1f: {  	s14 =	simm.s32 @!p1 $0x3  }
0x20: {  	s16 =	sadd.s32 $0x1, s12;
	_ =	swait.ge @!p1 [sflag:s14], $0x200  }
0x21: {  	s13 =	smov.u32 s11;
	p0 =	por !p0, !p0;
	[sflag:s14] =	ssyncset.done @!p1 $0x0  }
0x22: {  	s12 =	smov.u32 s16;
	s11 =	smov.u32 s15;
	[sflag:s14] =	ssyncadd.s32 @!p1 $0xFFFFFE00  }
.LBB2_1:
0x23: {  	p1 =	sge.u32 s12, s8  }
0x24: {  	s14 =	sxor.u32 @!p1 $0xFFFFFFFF, s12  }
0x25: {  	s31 =	sadd.s32 $0xFFFFFFFF, s12;
	s15 =	sshrl.u32 @!p1 s11, $0x3;
	s14 =	sshll.u32 @!p1 s14, $0x9  }
0x26: {  	s16 =	sand.u32 @!p1 $0x7, s11;
	s15 =	sadd.s32 @!p1 s4, s15;
	s14 =	sand.u32 @!p1 $0x200, s14  }
0x27: {  	[tilespmem:s14], [sflag:$0x2] =	stream.linear.gather @!p1 [hbm4b:s15+s16], $0x200, $0x38;
	[tilespmem:$0x800] =	vst v63  }
0x28: {  	p1 =	sge.u32 s31, s8  }
.Ltmp2:
0x29: {  	_ = 	snop;
	(pc) =	sbr.rel @p1 .LBB2_5-.Ltmp2, $1  }
0x2a: {  	_ =	sdelay $0x3  }
0x2b: {  	s14 =	simm.s32 $0x1  }
0x2c: {  	_ =	swait.ge [sflag:s7], $0x200;
	s14 =	simm.s32 @!p0 $0x0  }
0x2d: {  	[sflag:s7] =	ssyncset.done $0x0;
	s14 =	sshll.u32 s14, $0x9  }
0x2e: {  	[sflag:s7] =	ssyncadd.s32 $0xFFFFFE00;
	(ifvalue) =	ssetifvalue $0x7FFFFFFF;
	v0 =	vld.msk [tilespmem:s14+$0x0 ss:$0x1], $0xffff;
	_ =	sdelay $0x1  }
0x2f: {  	s15 =	sadd.s32 $0x10, s14  }
0x30: {  	v3 =	vld.msk [tilespmem:s15+$0x0 ss:$0x1], $0xffff;
	_ =	sdelay $0x1  }
0x31: {  	v1 =	vshrl.u32 v0, $0x5  }
0x32: {  	vm1 =	veq.s32 v0, $0x80000000;
	v2 =	vand.u32 $0x3, v0;
	v0 =	vshll.u32 v0, $0xE  }
0x33: {  	v2 =	vsel vm1, $0xFFFFFFFF, v2;
	v0 =	vand.u32 $0x70000, v0  }
0x34: {  	v1 =	vand.u32 $0x3FFF, v1;
	v62 =	vand.u32 $0x3, v3;
	v0 =	vsel vm1, $0xFFFF0000, v0  }
0x35: {  	v4 =	vand.u32 $0xFFFF0000, v2;
	v2 =	vshll.u32 v2, $0x7;
	v1 =	vsel vm1, $0xFFFFFFFF, v1  }
0x36: {  	vm1 =	veq.s32 v3, $0x80000000;
	v0 =	vadd.s32 v4, v0;
	v2 =	vand.u32 $0x180, v2  }
0x37: {  	v61 =	vand.u32 $0x7F, v1;
	v1 =	vshll.u32 v1, $0x2;
	v0 =	vor.u32 v2, v0  }
0x38: {  	v4 =	vsel vm1, $0xFFFFFFFF, v62;
	v1 =	vand.u32 $0xFFFFFE00, v1;
	v0 =	vor.u32 v61, v0  }
0x39: {  	s17 =	sadd.s32 $0x10, s15;
	v2 =	vshrl.u32 v3, $0x5;
	v3 =	vshll.u32 v3, $0xE;
	v1 =	vadd.s32 v1, v0  }
0x3a: {  	v5 =	vand.u32 $0xFFFF0000, v4;
	v3 =	vand.u32 $0x70000, v3;
	v0 =	vld.msk [tilespmem:s17+$0x0 ss:$0x1], $0xffff  }
0x3b: {  	v4 =	vshll.u32 v4, $0x7;
	v2 =	vand.u32 $0x3FFF, v2;
	v3 =	vsel vm1, $0xFFFF0000, v3  }
0x3c: {  	s31 =	sshll.u32 s12, $0x9;
	v4 =	vand.u32 $0x180, v4;
	v2 =	vsel vm1, $0xFFFFFFFF, v2;
	v3 =	vadd.s32 v5, v3  }
0x3d: {  	s14 =	sor.u32 $0x400, s14;
	s15 =	sand.u32 $0x200, s31;
	(ifvalue) =	ssetifvalue $0x7FFFFFFF;
	v63 =	vand.u32 $0x7F, v2;
	v2 =	vshll.u32 v2, $0x2;
	v3 =	vor.u32 v4, v3  }
0x3e: {  	v3 =	vor.u32 v63, v3;
	[tilespmem:s14], [sflag:$0x1] =	stream.indirect_vreg.gather [hbm4b:s3+s10], $0x1, v1, vm0, $0x4038;
	v1 =	vand.u32 $0xFFFFFE00, v2;
	[tilespmem:$0x800] =	vst v63  }
0x3f: {  	s16 =	simm.s32 $0x20;
	s15 =	sor.u32 $0x400, s15;
	s17 =	sadd.s32 $0x10, s17;
	v2 =	vshrl.u32 v0, $0x5;
	v1 =	vadd.s32 v1, v3  }
.LBB2_3:
0x40: {  	vm1 =	veq.s32 v0, $0x80000000;
	v3 =	vand.u32 $0x3, v0;
	v4 =	vshll.u32 v0, $0xE;
	v0 =	vld.msk [tilespmem:s17+$0x0 ss:$0x1], $0xffff;
	s16 =	sadd.s32 $0x10, s16  }
0x41: {  	v2 =	vand.u32 $0x3FFF, v2;
	v3 =	vsel vm1, $0xFFFFFFFF, v3;
	v4 =	vand.u32 $0x70000, v4;
	p1 =	slt.u32 s16, $0x1F0  }
.Ltmp3:
0x42: {  	v4 =	vsel vm1, $0xFFFF0000, v4;
	v5 =	vand.u32 $0xFFFF0000, v3;
	v3 =	vshll.u32 v3, $0x7;
	(pc) =	sbr.rel @p1 .LBB2_3-.Ltmp3, $4  }
0x43: {  	s14 =	sadd.s32 $0x10, s14;
	v2 =	vsel vm1, $0xFFFFFFFF, v2;
	v4 =	vadd.s32 v5, v4;
	v3 =	vand.u32 $0x180, v3;
	(ifvalue) =	ssetifvalue $0x7FFFFFFF  }
0x44: {  	v5 =	vand.u32 $0x7F, v2;
	v2 =	vshll.u32 v2, $0x2;
	v3 =	vor.u32 v3, v4;
	[tilespmem:s14], [sflag:$0x1] =	stream.indirect_vreg.gather [hbm4b:s3+s10], $0x1, v1, vm0, $0x4038;
	[tilespmem:$0x800] =	vst v63  }
0x45: {  	v1 =	vand.u32 $0xFFFFFE00, v2;
	v3 =	vor.u32 v5, v3  }
0x46: {  	s17 =	sadd.s32 $0x10, s17;
	v2 =	vshrl.u32 v0, $0x5;
	v1 =	vadd.s32 v1, v3  }
.Ltmp4:
0x47: {  	_ = 	snop;
	(pc) =	sbr.rel .LBB2_4-.Ltmp4, $1  }
0x48: {  	_ =	sdelay $0x3  }
.LBB2_6:
0x49: {  	_ =	sfence.sel $0x180000  }
0x4a: {  	s2 =	simm.s32 $0x2;
	[bflag:$0x0] =	sbarrier.arrive $0xFFFF  }
0x4b: {  	s30 =	simm.s32 $0x3;
	[sflag:s2] =	ssyncpa.u1 $0x1  }
0x4c: {  	s31 =	simm.s32 $0x1;
	[sflag:s30] =	ssyncpa.u1 $0x1  }
0x4d: {  	[sflag:s31] =	ssyncpa.u1 $0x1  }
0x4e: {  	p0 =	sne.s32 s1, $0x0;
	_ =	strace $0x90000056  }
0x4f: {  	s0 =	sadd.s32 @!p0 $0x100000, s0;
	[bflag:$0x2] =	sbarrier.arrive $0xFFFF  }
0x50: {  	[sflag:s0] =	ssyncadd.tile.s32 @!p0 $0x1;
	_ =	shalt  }
.Lfunc_end2:
_tile_overlayer_lowered:
.L_overlay_start_2:
0x51: {  	(tag) =	ssettag $0x2  }
0x52: {  	s0 =	rddreg [dreg:$0x0];
	s2 =	stileid.u32  }
0x53: {  	s1 =	rddreg [dreg:$0x1];
	p0 =	sne.s32 s2, $0x0  }
0x54: {  	s3 =	rddreg [dreg:$0x2];
	[bflag:$0x3] =	sbarrier.arrive $0xFFFF;
	s2 =	simm.s32 @!p0 $0x1C01  }
0x55: {  	[timem:s3], [sflag:s2] =	dma.local @!p0 [hbm:s0], s1  }
0x56: {  	s0 =	simm.s32 @!p0 $0x1  }
0x57: {  	_ =	swait.ge @!p0 [sflag:s0], s1  }
0x58: {  	s1 =	ssub.s32 @!p0 $0x0, s1;
	[sflag:s0] =	ssyncset.done @!p0 $0x0  }
0x59: {  	[sflag:s0] =	ssyncadd.s32 @!p0 s1  }
0x5a: {  	[bflag:$0x3] =	sbarrier.arrive $0xFFFF  }
0x5b: {  	_ =	shalt  }

// kernel: gather_offload_async_start.6
scs
__scs_entry_jumppad:
0x0: {  	(pc) =	sbr.rel $0x88, $3  }
0x1: {  	(tag) =	ssettag $0x0;
	lr =	simm.s32 $0x1  }
0x2: {  	[smem:$0x3F9B] =	sst lr;
	_ =	strace $0xD0000000  }
0x3: {  	_ = 	snop  }
0x4: {  	_ = 	snop  }
0x5: {  	_ = 	snop  }
0x6: {  	_ = 	snop  }
0x7: {  	_ = 	snop  }
__scs_overlays_trampoline_lowered:
0x8: {  	[smem:$0x3FAA] =	sst s0  }
0x9: {  	[smem:$0x3FAB] =	sst s1  }
0xa: {  	[smem:$0x3FAC] =	sst s2  }
0xb: {  	[smem:$0x3FAD] =	sst s3  }
0xc: {  	[smem:$0x3FAE] =	sst s4  }
0xd: {  	[smem:$0x3FAF] =	sst s5  }
0xe: {  	[smem:$0x3FB0] =	sst s6  }
0xf: {  	[smem:$0x3FB1] =	sst s7  }
0x10: {  	[smem:$0x3FB2] =	sst s8  }
0x11: {  	[smem:$0x3FB3] =	sst s9;
	s0 =	simm.s32 @!p0 $0x0  }
0x12: {  	s1 =	sld [smem:$0x3F99];
	s0 =	simm.s32 @p0 $0x1  }
0x13: {  	[smem:$0x3FB4] =	sst s0;
	s0 =	simm.s32 @!p1 $0x0  }
0x14: {  	s2 =	sld [smem:$0x3F98];
	s0 =	simm.s32 @p1 $0x1  }
0x15: {  	[smem:$0x3FB5] =	sst s0;
	s0 =	simm.s32 @!p2 $0x0  }
0x16: {  	s3 =	sld [smem:$0x3FDB];
	s0 =	simm.s32 @p2 $0x1  }
0x17: {  	s4 =	simm.s32 $0x1BF5;
	[smem:$0x3FB7] =	sst s0  }
0x18: {  	s0 =	sld [smem:$0x3F9A];
	_ =	swait.ge [sflag:s4], $0x0  }
0x19: {  	s7 =	sld [smem:$0x3F9B]  }
0x1a: {  	s8 =	sadd.s32 $0xFFFFE003, lr  }
0x1b: {  	s9 =	sadd.s32 $0xFFFFFEF7, lr;
	s5 =	simm.s32 $0xFFFFFFFF;
	p2 =	slt.u32 s8, $0xFFFFF086  }
0x1c: {  	p1 =	slt.u32 s9, $0xF7A;
	s5 =	simm.s32 @!p2 $0x0  }
0x1d: {  	s5 =	simm.s32 @p1 $0x1;
	p0 =	seq.s32 s7, s2  }
0x1e: {  	s7 =	smul.u32 @!p0 $0xF7A, s2;
	p2 =	seq.s32 @!p0 s5, $0x0  }
0x1f: {  	s9 =	smul.u32 $0xF7A, s1;
	s8 =	simm.s32 @!p0 $0x1BF5;
	p2 =	por !p2, p0  }
0x20: {  	[sflag:s8] =	ssyncset.s32 @!p0 $0xFFFFF086;
	s6 =	sadd.s32 @!p0 s3, s7;
	s7 =	simm.s32 @!p0 $0x108  }
0x21: {  	s3 =	sadd.s32 s3, s9;
	s6 =	sadd.s32 @!p0 $0x88, s6;
	s7 =	simm.s32 @p2 $0x1082  }
0x22: {  	[simem:s7], [sflag:s8] =	dma.local @!p0 [hbm:s6], $0xF7A  }
0x23: {  	s9 =	sor.u32 $0xD0000000, s2;
	s6 =	simm.s32 $0x108;
	_ =	swait.ge @!p0 [sflag:s8], $0x0  }
0x24: {  	s3 =	sadd.s32 $0x88, s3;
	s6 =	simm.s32 @!p1 $0x1082;
	[sflag:s4] =	ssyncset.s32 $0xFFFFF086  }
0x25: {  	[simem:s6], [sflag:s4] =	dma.local [hbm:s3], $0xF7A  }
0x26: {  	[smem:$0x3F9B] =	sst s1;
	(tag) =	ssettag s2;
	_ =	strace s9  }
0x27: {  	s1 =	sld [smem:$0x3FAB]  }
0x28: {  	s2 =	sld [smem:$0x3FAC]  }
0x29: {  	s4 =	sld [smem:$0x3FAE]  }
0x2a: {  	p0 =	seq.s32 s5, $0x0;
	s5 =	sld [smem:$0x3FAF]  }
0x2b: {  	s6 =	sld [smem:$0x3FB0]  }
0x2c: {  	s7 =	sld [smem:$0x3FB1]  }
0x2d: {  	s3 =	simm.s32 $0x108;
	s8 =	sld [smem:$0x3FB2]  }
0x2e: {  	s3 =	simm.s32 @!p0 $0x1082;
	s9 =	sld [smem:$0x3FB3]  }
0x2f: {  	lr =	sadd.s32 s0, s3;
	s0 =	sld [smem:$0x3FAA]  }
0x30: {  	s3 =	sld [smem:$0x3FAD]  }
0x31: {  	[smem:$0x3FB6] =	sst s10  }
0x32: {  	s10 =	sld [smem:$0x3FB4];
	_ =	sdelay $0x3  }
0x33: {  	p0 =	seq.s32 s10, $0x1;
	s10 =	sld [smem:$0x3FB6];
	_ =	sdelay $0x3  }
0x34: {  	[smem:$0x3FB6] =	sst s10  }
0x35: {  	s10 =	sld [smem:$0x3FB5];
	_ =	sdelay $0x3  }
0x36: {  	p1 =	seq.s32 s10, $0x1;
	s10 =	sld [smem:$0x3FB6];
	_ =	sdelay $0x3  }
0x37: {  	[smem:$0x3FB6] =	sst s10  }
0x38: {  	s10 =	sld [smem:$0x3FB7]  }
0x39: {  	_ = 	snop;
	(pc) =	sbr.ind lr, $3  }
0x3a: {  	_ = 	snop  }
0x3b: {  	_ = 	snop  }
0x3c: {  	p2 =	seq.s32 s10, $0x1;
	s10 =	sld [smem:$0x3FB6]  }
0x3d: {  	_ =	shalt  }
0x3e: {  	_ =	shalt  }
0x3f: {  	_ =	shalt  }
0x40: {  	_ =	shalt  }
0x41: {  	_ =	shalt  }
0x42: {  	_ =	shalt  }
0x43: {  	_ =	shalt  }
0x44: {  	_ =	shalt  }
0x45: {  	_ =	shalt  }
0x46: {  	_ =	shalt  }
0x47: {  	_ =	shalt  }
0x48: {  	_ =	shalt  }
0x49: {  	_ =	shalt  }
0x4a: {  	_ =	shalt  }
0x4b: {  	_ =	shalt  }
0x4c: {  	_ =	shalt  }
0x4d: {  	_ =	shalt  }
0x4e: {  	_ =	shalt  }
0x4f: {  	_ =	shalt  }
0x50: {  	_ =	shalt  }
0x51: {  	_ =	shalt  }
0x52: {  	_ =	shalt  }
0x53: {  	_ =	shalt  }
0x54: {  	_ =	shalt  }
0x55: {  	_ =	shalt  }
0x56: {  	_ =	shalt  }
0x57: {  	_ =	shalt  }
0x58: {  	_ =	shalt  }
0x59: {  	_ =	shalt  }
0x5a: {  	_ =	shalt  }
0x5b: {  	_ =	shalt  }
0x5c: {  	_ =	shalt  }
0x5d: {  	_ =	shalt  }
0x5e: {  	_ =	shalt  }
0x5f: {  	_ =	shalt  }
0x60: {  	_ =	shalt  }
0x61: {  	_ =	shalt  }
0x62: {  	_ =	shalt  }
0x63: {  	_ =	shalt  }
0x64: {  	_ =	shalt  }
0x65: {  	_ =	shalt  }
0x66: {  	_ =	shalt  }
0x67: {  	_ =	shalt  }
0x68: {  	_ =	shalt  }
0x69: {  	_ =	shalt  }
0x6a: {  	_ =	shalt  }
0x6b: {  	_ =	shalt  }
0x6c: {  	_ =	shalt  }
0x6d: {  	_ =	shalt  }
0x6e: {  	_ =	shalt  }
0x6f: {  	_ =	shalt  }
0x70: {  	_ =	shalt  }
0x71: {  	_ =	shalt  }
0x72: {  	_ =	shalt  }
0x73: {  	_ =	shalt  }
0x74: {  	_ =	shalt  }
0x75: {  	_ =	shalt  }
0x76: {  	_ =	shalt  }
0x77: {  	_ =	shalt  }
0x78: {  	_ =	shalt  }
0x79: {  	_ =	shalt  }
0x7a: {  	_ =	shalt  }
0x7b: {  	_ =	shalt  }
0x7c: {  	_ =	shalt  }
0x7d: {  	_ =	shalt  }
0x7e: {  	_ =	shalt  }
0x7f: {  	_ =	shalt  }
0x80: {  	_ =	shalt  }
0x81: {  	_ =	shalt  }
0x82: {  	_ =	shalt  }
0x83: {  	_ =	shalt  }
0x84: {  	_ =	shalt  }
0x85: {  	_ =	shalt  }
0x86: {  	_ =	shalt  }
0x87: {  	_ =	shalt  }
.Lfunc_end0:
.L_simem_size_0:
called_computation.6_lowered:
.L_overlay_start_0:
0x88: {  	s2 =	sld [smem:$0x3FD9]  }
0x89: {  	s3 =	sld [smem:$0x3FFE];
	_ =	sdelay $0x1  }
0x8a: {  	s1 =	srdreg.scid  }
0x8b: {  	s0 =	sand.u32 $0x1, s1  }
0x8c: {  	s16 =	sshll.u32 s0, $0xA;
	s2 =	sadd.s32 s3, s2  }
0x8d: {  	s2 =	sadd.s32 s2, s16  }
0x8e: {  	[smem:$0x3FC2] =	sst s2  }
0x8f: {  	_ = 	snop  }
0x90: {  	(tm) =	ssettm $0x1  }
0x91: {  	s17 =	sld [smem:$0x3FFB];
	_ =	sdelay $0x3  }
0x92: {  	_ =	strace s17  }
0x93: {  	s2 =	sld [smem:$0x3FFC];
	_ =	sdelay $0x3  }
0x94: {  	_ =	strace s2  }
0x95: {  	s2 =	sld [smem:$0x3FFD];
	_ =	sdelay $0x3  }
0x96: {  	_ =	strace s2  }
0x97: {  	_ =	strace $0x8FFFFFFF  }
0x98: {  	s18 =	sld [smem:$0x3FDB];
	_ =	sdelay $0x1  }
0x99: {  	s19 =	simm.s32 $_scs_section_size  }
0x9a: {  	s4 =	simm.s32 $_size__tile_overlayer_lowered;
	s5 =	simm.s32 $_tile_overlayer_lowered  }
0x9b: {  	s22 =	simm.s32 $0x1BFF;
	s21 =	sshll.u32 s5, $0x1;
	s2 =	sadd.s32 s19, s18  }
0x9c: {  	s6 =	simm.s32 $0x0;
	s20 =	sshll.u32 s4, $0x1;
	s4 =	sadd.s32 s21, s2  }
0x9d: {  	[timem:s6], [sflag:s22] =	dma.local [hbm:s4], s20  }
0x9e: {  	_ =	swait.ge [sflag:s22], s20  }
0x9f: {  	s3 =	ssub.s32 $0x0, s20;
	[sflag:s22] =	ssyncset.done $0x0  }
0xa0: {  	[sflag:s22] =	ssyncadd.s32 s3;
	_ =	sdelay $0x1  }
0xa1: {  	s23 =	simm.s32 $0x1B8B  }
0xa2: {  	_ =	swait.ge [sflag:s23], $0x1  }
0xa3: {  	[sflag:s23] =	ssyncset.done $0x0  }
0xa4: {  	s25 =	simm.s32 $0x1B8E;
	s24 =	sld [smem:$0x3FFE];
	[sflag:s23] =	ssyncadd.s32 $0xFFFFFFFF  }
0xa5: {  	s26 =	simm.s32 $execute0_lowered;
	[smem:$0x3FD2] =	sst s25  }
0xa6: {  	s4 =	sshll.u32 s26, $0x1;
	_ =	strace $0x80000058;
	[dreg:$0x1] =	wrdreg $0xFFFFFFFF  }
0xa7: {  	s28 =	simm.s32 $_size_execute0_lowered;
	s2 =	sadd.s32 s2, s4;
	[dreg:$0x0] =	wrdreg $0x0  }
0xa8: {  	s4 =	sshll.u32 s28, $0x1;
	[dreg:$0x2] =	wrdreg s2  }
0xa9: {  	[dreg:$0x3] =	wrdreg s4  }
0xaa: {  	[dreg:$0x4] =	wrdreg $0xC0  }
0xab: {  	_ =	task [dreg:s6], $0x5FFFF  }
0xac: {  	[dreg:$0x1] =	wrdreg $0xFFFFFFFF  }
0xad: {  	[dreg:$0x0] =	wrdreg $0x60  }
0xae: {  	[dreg:$0x2] =	wrdreg s24  }
0xaf: {  	[dreg:$0x3] =	wrdreg $0x9  }
0xb0: {  	_ =	task.clear_ibuf [dreg:s6], $0x4FFFF;
	_ =	strace $0x90000058  }
0xb1: {  	s29 =	simm.s32 $0x9;
	_ =	strace $0x8000005A  }
0xb2: {  	_ =	swait.ge [sflag:s29], $0x1  }
0xb3: {  	[sflag:s29] =	ssyncadd.s32 $0xFFFFFFFF  }
0xb4: {  	_ =	strace $0x9000005A  }
0xb5: {  	_ =	sfence  }
0xb6: {  	s30 =	sld [smem:$0x0];
	_ =	sdelay $0x2  }
0xb7: {  	s31 =	sshll.u32 s1, $0xD;
	s1 =	sshrl.u32 s1, $0x2  }
0xb8: {  	s3 =	sand.u32 $0x4000, s31;
	s1 =	sadd.s32 s1, s30  }
0xb9: {  	s0 =	sor.u32 s3, s0;
	s1 =	sshll.u32 s1, $0x11  }
0xba: {  	s0 =	sor.u32 s1, s0  }
0xbb: {  	s0 =	sadd.s32 $0x8F2B, s0  }
0xbc: {  	[sflag:s0] =	ssyncadd.remote.s32 $0x1  }
0xbd: {  	_ =	sfence.sel $0xFFFF  }
0xbe: {  	[dreg:$0x0] =	wrdreg $0xFFFFFFFF;
	(pc) =	sbr.abs _section_cstart, $3  }
0xbf: {  	[dreg:$0x1] =	wrdreg $0xFFFFFFFF  }
0xc0: {  	_ =	task.clear_ibuf [dreg:s6], $0x2FFFF;
	_ =	strace $0x9FFFFFFF  }
0xc1: {  	(tm) =	ssettm $0x7FFFFFFF  }
tec
execute0_lowered:
.L_overlay_start_1:
0x0: {  	(tag) =	ssettag $0x1  }
0x1: {  	s0 =	srdreg.scid;
	s5 =	rddreg [dreg:$0x0]  }
0x2: {  	s1 =	stileid.u32;
	s6 =	simm.s32 $0x1;
	s9 =	simm.s32 $0x1  }
0x3: {  	s10 =	simm.s32 $0x3;
	s13 =	simm.s32 $0x0;
	s2 =	sshll.u32 s0, $0x9  }
0x4: {  	s12 =	simm.s32 $0x0;
	s3 =	sshll.u32 s1, $0xA;
	s2 =	sand.u32 $0x200, s2  }
0x5: {  	s0 =	rddreg [dreg:$0x1];
	_ =	strace $0x80000059;
	s2 =	sor.u32 s3, s2  }
0x6: {  	s4 =	sadd.s32 $0x11C00, s5;
	[sflag:s6] =	ssyncpa.u1 $0x0;
	s8 =	ssub.s32 $0x7000, s2  }
.Ltmp0:
0x7: {  	s3 =	sadd.s32 $0xB1E00, s5;
	s7 =	sand.u32 $0x3E00, s8;
	(pc) =	sbr.rel .LBB2_1-.Ltmp0, $4  }
0x8: {  	s5 =	sadd.s32 $0xF000, s5;
	s11 =	smov.u32 s2;
	p0 =	sne.s32 s7, $0x0  }
0x9: {  	s8 =	sshrl.u32 s8, $0xE;
	s7 =	simm.s32 $0x2;
	s9 =	simm.s32 @!p0 $0x0  }
0xa: {  	[sflag:s7] =	ssyncpa.u1 $0x0;
	p0 =	por $0x0, $0x0;
	s8 =	sadd.s32 s9, s8  }
0xb: {  	vm0 =	vmmov $0xffff;
	[sflag:s10] =	ssyncpa.u1 $0x0;
	s10 =	simm.s32 $0x0;
	s9 =	sadd.s32 $0x1, s8  }
.LBB2_4:
0xc: {  	vm1 =	veq.s32 v0, $0x80000000;
	v3 =	vand.u32 $0x3, v0;
	v62 =	vshll.u32 v0, $0xE  }
0xd: {  	v2 =	vand.u32 $0x3FFF, v2;
	v3 =	vsel vm1, $0xFFFFFFFF, v3;
	v0 =	vand.u32 $0x70000, v62  }
0xe: {  	v0 =	vsel vm1, $0xFFFF0000, v0;
	v4 =	vand.u32 $0xFFFF0000, v3;
	v3 =	vshll.u32 v3, $0x7  }
0xf: {  	v2 =	vsel vm1, $0xFFFFFFFF, v2;
	v0 =	vadd.s32 v4, v0;
	v3 =	vand.u32 $0x180, v3  }
0x10: {  	v63 =	vand.u32 $0x7F, v2;
	v2 =	vshll.u32 v2, $0x2;
	v0 =	vor.u32 v3, v0  }
0x11: {  	v2 =	vand.u32 $0xFFFFFE00, v2;
	v0 =	vor.u32 v63, v0  }
0x12: {  	v0 =	vadd.s32 v2, v0;
	_ =	sdelay $0x1  }
0x13: {  	(ifvalue) =	ssetifvalue $0x7FFFFFFF;
	s14 =	sadd.s32 $0x10, s14  }
0x14: {  	[tilespmem:s14], [sflag:$0x1] =	stream.indirect_vreg.gather [hbm4b:s3+s10], $0x1, v1, vm0, $0x4038;
	[tilespmem:$0x800] =	vst v63  }
0x15: {  	(ifvalue) =	ssetifvalue $0x7FFFFFFF;
	s14 =	sadd.s32 $0x10, s14  }
0x16: {  	[tilespmem:s14], [sflag:$0x1] =	stream.indirect_vreg.gather [hbm4b:s3+s10], $0x1, v0, vm0, $0x4038;
	[tilespmem:$0x800] =	vst v63  }
0x17: {  	_ =	swait.ge [sflag:s6], $0x200  }
0x18: {  	s30 =	sshrl.u32 s13, $0x3;
	[sflag:s6] =	ssyncset.done $0x0  }
0x19: {  	s31 =	sand.u32 $0x7, s13;
	s14 =	sadd.s32 s5, s30;
	[sflag:s6] =	ssyncadd.s32 $0xFFFFFE00  }
0x1a: {  	[hbm4b:s14+s31] =	stream.linear.scatter [tilespmem:s15], [sflag:$0x3], $0x200, $0x38;
	[tilespmem:$0x800] =	vst v63  }
.LBB2_5:
0x1b: {  	s15 =	sadd.s32 $0x4000, s11  }
0x1c: {  	p2 =	sgt.s32 s15, $0x6FFF  }
0x1d: {  	s15 =	smov.u32 @p2 s2;
	p2 =	sne.s32 s12, s9  }
.Ltmp1:
0x1e: {  	p1 =	slt.u32 s12, $0x2;
	(pc) =	sbr.rel @!p2 .LBB2_6-.Ltmp1, $4  }
0x1f: {  	s14 =	simm.s32 @!p1 $0x3  }
0x20: {  	s16 =	sadd.s32 $0x1, s12;
	_ =	swait.ge @!p1 [sflag:s14], $0x200  }
0x21: {  	s13 =	smov.u32 s11;
	p0 =	por !p0, !p0;
	[sflag:s14] =	ssyncset.done @!p1 $0x0  }
0x22: {  	s12 =	smov.u32 s16;
	s11 =	smov.u32 s15;
	[sflag:s14] =	ssyncadd.s32 @!p1 $0xFFFFFE00  }
.LBB2_1:
0x23: {  	p1 =	sge.u32 s12, s8  }
0x24: {  	s14 =	sxor.u32 @!p1 $0xFFFFFFFF, s12  }
0x25: {  	s31 =	sadd.s32 $0xFFFFFFFF, s12;
	s15 =	sshrl.u32 @!p1 s11, $0x3;
	s14 =	sshll.u32 @!p1 s14, $0x9  }
0x26: {  	s16 =	sand.u32 @!p1 $0x7, s11;
	s15 =	sadd.s32 @!p1 s4, s15;
	s14 =	sand.u32 @!p1 $0x200, s14  }
0x27: {  	[tilespmem:s14], [sflag:$0x2] =	stream.linear.gather @!p1 [hbm4b:s15+s16], $0x200, $0x38;
	[tilespmem:$0x800] =	vst v63  }
0x28: {  	p1 =	sge.u32 s31, s8  }
.Ltmp2:
0x29: {  	_ = 	snop;
	(pc) =	sbr.rel @p1 .LBB2_5-.Ltmp2, $1  }
0x2a: {  	_ =	sdelay $0x3  }
0x2b: {  	s14 =	simm.s32 $0x1  }
0x2c: {  	_ =	swait.ge [sflag:s7], $0x200;
	s14 =	simm.s32 @!p0 $0x0  }
0x2d: {  	[sflag:s7] =	ssyncset.done $0x0;
	s14 =	sshll.u32 s14, $0x9  }
0x2e: {  	[sflag:s7] =	ssyncadd.s32 $0xFFFFFE00;
	(ifvalue) =	ssetifvalue $0x7FFFFFFF;
	v0 =	vld.msk [tilespmem:s14+$0x0 ss:$0x1], $0xffff;
	_ =	sdelay $0x1  }
0x2f: {  	s15 =	sadd.s32 $0x10, s14  }
0x30: {  	v3 =	vld.msk [tilespmem:s15+$0x0 ss:$0x1], $0xffff;
	_ =	sdelay $0x1  }
0x31: {  	v1 =	vshrl.u32 v0, $0x5  }
0x32: {  	vm1 =	veq.s32 v0, $0x80000000;
	v2 =	vand.u32 $0x3, v0;
	v0 =	vshll.u32 v0, $0xE  }
0x33: {  	v2 =	vsel vm1, $0xFFFFFFFF, v2;
	v0 =	vand.u32 $0x70000, v0  }
0x34: {  	v1 =	vand.u32 $0x3FFF, v1;
	v62 =	vand.u32 $0x3, v3;
	v0 =	vsel vm1, $0xFFFF0000, v0  }
0x35: {  	v4 =	vand.u32 $0xFFFF0000, v2;
	v2 =	vshll.u32 v2, $0x7;
	v1 =	vsel vm1, $0xFFFFFFFF, v1  }
0x36: {  	vm1 =	veq.s32 v3, $0x80000000;
	v0 =	vadd.s32 v4, v0;
	v2 =	vand.u32 $0x180, v2  }
0x37: {  	v61 =	vand.u32 $0x7F, v1;
	v1 =	vshll.u32 v1, $0x2;
	v0 =	vor.u32 v2, v0  }
0x38: {  	v4 =	vsel vm1, $0xFFFFFFFF, v62;
	v1 =	vand.u32 $0xFFFFFE00, v1;
	v0 =	vor.u32 v61, v0  }
0x39: {  	s17 =	sadd.s32 $0x10, s15;
	v2 =	vshrl.u32 v3, $0x5;
	v3 =	vshll.u32 v3, $0xE;
	v1 =	vadd.s32 v1, v0  }
0x3a: {  	v5 =	vand.u32 $0xFFFF0000, v4;
	v3 =	vand.u32 $0x70000, v3;
	v0 =	vld.msk [tilespmem:s17+$0x0 ss:$0x1], $0xffff  }
0x3b: {  	v4 =	vshll.u32 v4, $0x7;
	v2 =	vand.u32 $0x3FFF, v2;
	v3 =	vsel vm1, $0xFFFF0000, v3  }
0x3c: {  	s31 =	sshll.u32 s12, $0x9;
	v4 =	vand.u32 $0x180, v4;
	v2 =	vsel vm1, $0xFFFFFFFF, v2;
	v3 =	vadd.s32 v5, v3  }
0x3d: {  	s14 =	sor.u32 $0x400, s14;
	s15 =	sand.u32 $0x200, s31;
	(ifvalue) =	ssetifvalue $0x7FFFFFFF;
	v63 =	vand.u32 $0x7F, v2;
	v2 =	vshll.u32 v2, $0x2;
	v3 =	vor.u32 v4, v3  }
0x3e: {  	v3 =	vor.u32 v63, v3;
	[tilespmem:s14], [sflag:$0x1] =	stream.indirect_vreg.gather [hbm4b:s3+s10], $0x1, v1, vm0, $0x4038;
	v1 =	vand.u32 $0xFFFFFE00, v2;
	[tilespmem:$0x800] =	vst v63  }
0x3f: {  	s16 =	simm.s32 $0x20;
	s15 =	sor.u32 $0x400, s15;
	s17 =	sadd.s32 $0x10, s17;
	v2 =	vshrl.u32 v0, $0x5;
	v1 =	vadd.s32 v1, v3  }
.LBB2_3:
0x40: {  	vm1 =	veq.s32 v0, $0x80000000;
	v3 =	vand.u32 $0x3, v0;
	v4 =	vshll.u32 v0, $0xE;
	v0 =	vld.msk [tilespmem:s17+$0x0 ss:$0x1], $0xffff;
	s16 =	sadd.s32 $0x10, s16  }
0x41: {  	v2 =	vand.u32 $0x3FFF, v2;
	v3 =	vsel vm1, $0xFFFFFFFF, v3;
	v4 =	vand.u32 $0x70000, v4;
	p1 =	slt.u32 s16, $0x1F0  }
.Ltmp3:
0x42: {  	v4 =	vsel vm1, $0xFFFF0000, v4;
	v5 =	vand.u32 $0xFFFF0000, v3;
	v3 =	vshll.u32 v3, $0x7;
	(pc) =	sbr.rel @p1 .LBB2_3-.Ltmp3, $4  }
0x43: {  	s14 =	sadd.s32 $0x10, s14;
	v2 =	vsel vm1, $0xFFFFFFFF, v2;
	v4 =	vadd.s32 v5, v4;
	v3 =	vand.u32 $0x180, v3;
	(ifvalue) =	ssetifvalue $0x7FFFFFFF  }
0x44: {  	v5 =	vand.u32 $0x7F, v2;
	v2 =	vshll.u32 v2, $0x2;
	v3 =	vor.u32 v3, v4;
	[tilespmem:s14], [sflag:$0x1] =	stream.indirect_vreg.gather [hbm4b:s3+s10], $0x1, v1, vm0, $0x4038;
	[tilespmem:$0x800] =	vst v63  }
0x45: {  	v1 =	vand.u32 $0xFFFFFE00, v2;
	v3 =	vor.u32 v5, v3  }
0x46: {  	s17 =	sadd.s32 $0x10, s17;
	v2 =	vshrl.u32 v0, $0x5;
	v1 =	vadd.s32 v1, v3  }
.Ltmp4:
0x47: {  	_ = 	snop;
	(pc) =	sbr.rel .LBB2_4-.Ltmp4, $1  }
0x48: {  	_ =	sdelay $0x3  }
.LBB2_6:
0x49: {  	_ =	sfence.sel $0x180000  }
0x4a: {  	s2 =	simm.s32 $0x2;
	[bflag:$0x0] =	sbarrier.arrive $0xFFFF  }
0x4b: {  	s30 =	simm.s32 $0x3;
	[sflag:s2] =	ssyncpa.u1 $0x1  }
0x4c: {  	s31 =	simm.s32 $0x1;
	[sflag:s30] =	ssyncpa.u1 $0x1  }
0x4d: {  	[sflag:s31] =	ssyncpa.u1 $0x1  }
0x4e: {  	p0 =	sne.s32 s1, $0x0;
	_ =	strace $0x90000059  }
0x4f: {  	s0 =	sadd.s32 @!p0 $0x100000, s0;
	[bflag:$0x2] =	sbarrier.arrive $0xFFFF  }
0x50: {  	[sflag:s0] =	ssyncadd.tile.s32 @!p0 $0x1;
	_ =	shalt  }
.Lfunc_end2:
_tile_overlayer_lowered:
.L_overlay_start_2:
0x51: {  	(tag) =	ssettag $0x2  }
0x52: {  	s0 =	rddreg [dreg:$0x0];
	s2 =	stileid.u32  }
0x53: {  	s1 =	rddreg [dreg:$0x1];
	p0 =	sne.s32 s2, $0x0  }
0x54: {  	s3 =	rddreg [dreg:$0x2];
	[bflag:$0x3] =	sbarrier.arrive $0xFFFF;
	s2 =	simm.s32 @!p0 $0x1C01  }
0x55: {  	[timem:s3], [sflag:s2] =	dma.local @!p0 [hbm:s0], s1  }
0x56: {  	s0 =	simm.s32 @!p0 $0x1  }
0x57: {  	_ =	swait.ge @!p0 [sflag:s0], s1  }
0x58: {  	s1 =	ssub.s32 @!p0 $0x0, s1;
	[sflag:s0] =	ssyncset.done @!p0 $0x0  }
0x59: {  	[sflag:s0] =	ssyncadd.s32 @!p0 s1  }
0x5a: {  	[bflag:$0x3] =	sbarrier.arrive $0xFFFF  }
0x5b: {  	_ =	shalt  }

// kernel: gather_offload_async_start.7
scs
__scs_entry_jumppad:
0x0: {  	(pc) =	sbr.rel $0x88, $3  }
0x1: {  	(tag) =	ssettag $0x0;
	lr =	simm.s32 $0x1  }
0x2: {  	[smem:$0x3F9B] =	sst lr;
	_ =	strace $0xD0000000  }
0x3: {  	_ = 	snop  }
0x4: {  	_ = 	snop  }
0x5: {  	_ = 	snop  }
0x6: {  	_ = 	snop  }
0x7: {  	_ = 	snop  }
__scs_overlays_trampoline_lowered:
0x8: {  	[smem:$0x3FAA] =	sst s0  }
0x9: {  	[smem:$0x3FAB] =	sst s1  }
0xa: {  	[smem:$0x3FAC] =	sst s2  }
0xb: {  	[smem:$0x3FAD] =	sst s3  }
0xc: {  	[smem:$0x3FAE] =	sst s4  }
0xd: {  	[smem:$0x3FAF] =	sst s5  }
0xe: {  	[smem:$0x3FB0] =	sst s6  }
0xf: {  	[smem:$0x3FB1] =	sst s7  }
0x10: {  	[smem:$0x3FB2] =	sst s8  }
0x11: {  	[smem:$0x3FB3] =	sst s9;
	s0 =	simm.s32 @!p0 $0x0  }
0x12: {  	s1 =	sld [smem:$0x3F99];
	s0 =	simm.s32 @p0 $0x1  }
0x13: {  	[smem:$0x3FB4] =	sst s0;
	s0 =	simm.s32 @!p1 $0x0  }
0x14: {  	s2 =	sld [smem:$0x3F98];
	s0 =	simm.s32 @p1 $0x1  }
0x15: {  	[smem:$0x3FB5] =	sst s0;
	s0 =	simm.s32 @!p2 $0x0  }
0x16: {  	s3 =	sld [smem:$0x3FDB];
	s0 =	simm.s32 @p2 $0x1  }
0x17: {  	s4 =	simm.s32 $0x1BF5;
	[smem:$0x3FB7] =	sst s0  }
0x18: {  	s0 =	sld [smem:$0x3F9A];
	_ =	swait.ge [sflag:s4], $0x0  }
0x19: {  	s7 =	sld [smem:$0x3F9B]  }
0x1a: {  	s8 =	sadd.s32 $0xFFFFE003, lr  }
0x1b: {  	s9 =	sadd.s32 $0xFFFFFEF7, lr;
	s5 =	simm.s32 $0xFFFFFFFF;
	p2 =	slt.u32 s8, $0xFFFFF086  }
0x1c: {  	p1 =	slt.u32 s9, $0xF7A;
	s5 =	simm.s32 @!p2 $0x0  }
0x1d: {  	s5 =	simm.s32 @p1 $0x1;
	p0 =	seq.s32 s7, s2  }
0x1e: {  	s7 =	smul.u32 @!p0 $0xF7A, s2;
	p2 =	seq.s32 @!p0 s5, $0x0  }
0x1f: {  	s9 =	smul.u32 $0xF7A, s1;
	s8 =	simm.s32 @!p0 $0x1BF5;
	p2 =	por !p2, p0  }
0x20: {  	[sflag:s8] =	ssyncset.s32 @!p0 $0xFFFFF086;
	s6 =	sadd.s32 @!p0 s3, s7;
	s7 =	simm.s32 @!p0 $0x108  }
0x21: {  	s3 =	sadd.s32 s3, s9;
	s6 =	sadd.s32 @!p0 $0x88, s6;
	s7 =	simm.s32 @p2 $0x1082  }
0x22: {  	[simem:s7], [sflag:s8] =	dma.local @!p0 [hbm:s6], $0xF7A  }
0x23: {  	s9 =	sor.u32 $0xD0000000, s2;
	s6 =	simm.s32 $0x108;
	_ =	swait.ge @!p0 [sflag:s8], $0x0  }
0x24: {  	s3 =	sadd.s32 $0x88, s3;
	s6 =	simm.s32 @!p1 $0x1082;
	[sflag:s4] =	ssyncset.s32 $0xFFFFF086  }
0x25: {  	[simem:s6], [sflag:s4] =	dma.local [hbm:s3], $0xF7A  }
0x26: {  	[smem:$0x3F9B] =	sst s1;
	(tag) =	ssettag s2;
	_ =	strace s9  }
0x27: {  	s1 =	sld [smem:$0x3FAB]  }
0x28: {  	s2 =	sld [smem:$0x3FAC]  }
0x29: {  	s4 =	sld [smem:$0x3FAE]  }
0x2a: {  	p0 =	seq.s32 s5, $0x0;
	s5 =	sld [smem:$0x3FAF]  }
0x2b: {  	s6 =	sld [smem:$0x3FB0]  }
0x2c: {  	s7 =	sld [smem:$0x3FB1]  }
0x2d: {  	s3 =	simm.s32 $0x108;
	s8 =	sld [smem:$0x3FB2]  }
0x2e: {  	s3 =	simm.s32 @!p0 $0x1082;
	s9 =	sld [smem:$0x3FB3]  }
0x2f: {  	lr =	sadd.s32 s0, s3;
	s0 =	sld [smem:$0x3FAA]  }
0x30: {  	s3 =	sld [smem:$0x3FAD]  }
0x31: {  	[smem:$0x3FB6] =	sst s10  }
0x32: {  	s10 =	sld [smem:$0x3FB4];
	_ =	sdelay $0x3  }
0x33: {  	p0 =	seq.s32 s10, $0x1;
	s10 =	sld [smem:$0x3FB6];
	_ =	sdelay $0x3  }
0x34: {  	[smem:$0x3FB6] =	sst s10  }
0x35: {  	s10 =	sld [smem:$0x3FB5];
	_ =	sdelay $0x3  }
0x36: {  	p1 =	seq.s32 s10, $0x1;
	s10 =	sld [smem:$0x3FB6];
	_ =	sdelay $0x3  }
0x37: {  	[smem:$0x3FB6] =	sst s10  }
0x38: {  	s10 =	sld [smem:$0x3FB7]  }
0x39: {  	_ = 	snop;
	(pc) =	sbr.ind lr, $3  }
0x3a: {  	_ = 	snop  }
0x3b: {  	_ = 	snop  }
0x3c: {  	p2 =	seq.s32 s10, $0x1;
	s10 =	sld [smem:$0x3FB6]  }
0x3d: {  	_ =	shalt  }
0x3e: {  	_ =	shalt  }
0x3f: {  	_ =	shalt  }
0x40: {  	_ =	shalt  }
0x41: {  	_ =	shalt  }
0x42: {  	_ =	shalt  }
0x43: {  	_ =	shalt  }
0x44: {  	_ =	shalt  }
0x45: {  	_ =	shalt  }
0x46: {  	_ =	shalt  }
0x47: {  	_ =	shalt  }
0x48: {  	_ =	shalt  }
0x49: {  	_ =	shalt  }
0x4a: {  	_ =	shalt  }
0x4b: {  	_ =	shalt  }
0x4c: {  	_ =	shalt  }
0x4d: {  	_ =	shalt  }
0x4e: {  	_ =	shalt  }
0x4f: {  	_ =	shalt  }
0x50: {  	_ =	shalt  }
0x51: {  	_ =	shalt  }
0x52: {  	_ =	shalt  }
0x53: {  	_ =	shalt  }
0x54: {  	_ =	shalt  }
0x55: {  	_ =	shalt  }
0x56: {  	_ =	shalt  }
0x57: {  	_ =	shalt  }
0x58: {  	_ =	shalt  }
0x59: {  	_ =	shalt  }
0x5a: {  	_ =	shalt  }
0x5b: {  	_ =	shalt  }
0x5c: {  	_ =	shalt  }
0x5d: {  	_ =	shalt  }
0x5e: {  	_ =	shalt  }
0x5f: {  	_ =	shalt  }
0x60: {  	_ =	shalt  }
0x61: {  	_ =	shalt  }
0x62: {  	_ =	shalt  }
0x63: {  	_ =	shalt  }
0x64: {  	_ =	shalt  }
0x65: {  	_ =	shalt  }
0x66: {  	_ =	shalt  }
0x67: {  	_ =	shalt  }
0x68: {  	_ =	shalt  }
0x69: {  	_ =	shalt  }
0x6a: {  	_ =	shalt  }
0x6b: {  	_ =	shalt  }
0x6c: {  	_ =	shalt  }
0x6d: {  	_ =	shalt  }
0x6e: {  	_ =	shalt  }
0x6f: {  	_ =	shalt  }
0x70: {  	_ =	shalt  }
0x71: {  	_ =	shalt  }
0x72: {  	_ =	shalt  }
0x73: {  	_ =	shalt  }
0x74: {  	_ =	shalt  }
0x75: {  	_ =	shalt  }
0x76: {  	_ =	shalt  }
0x77: {  	_ =	shalt  }
0x78: {  	_ =	shalt  }
0x79: {  	_ =	shalt  }
0x7a: {  	_ =	shalt  }
0x7b: {  	_ =	shalt  }
0x7c: {  	_ =	shalt  }
0x7d: {  	_ =	shalt  }
0x7e: {  	_ =	shalt  }
0x7f: {  	_ =	shalt  }
0x80: {  	_ =	shalt  }
0x81: {  	_ =	shalt  }
0x82: {  	_ =	shalt  }
0x83: {  	_ =	shalt  }
0x84: {  	_ =	shalt  }
0x85: {  	_ =	shalt  }
0x86: {  	_ =	shalt  }
0x87: {  	_ =	shalt  }
.Lfunc_end0:
.L_simem_size_0:
called_computation.7_lowered:
.L_overlay_start_0:
0x88: {  	s2 =	sld [smem:$0x3FD9]  }
0x89: {  	s3 =	sld [smem:$0x3FFE];
	_ =	sdelay $0x1  }
0x8a: {  	s1 =	srdreg.scid  }
0x8b: {  	s0 =	sand.u32 $0x1, s1  }
0x8c: {  	s16 =	sshll.u32 s0, $0xA;
	s2 =	sadd.s32 s3, s2  }
0x8d: {  	s2 =	sadd.s32 s2, s16  }
0x8e: {  	[smem:$0x3FC2] =	sst s2  }
0x8f: {  	_ = 	snop  }
0x90: {  	(tm) =	ssettm $0x1  }
0x91: {  	s17 =	sld [smem:$0x3FFB];
	_ =	sdelay $0x3  }
0x92: {  	_ =	strace s17  }
0x93: {  	s2 =	sld [smem:$0x3FFC];
	_ =	sdelay $0x3  }
0x94: {  	_ =	strace s2  }
0x95: {  	s2 =	sld [smem:$0x3FFD];
	_ =	sdelay $0x3  }
0x96: {  	_ =	strace s2  }
0x97: {  	_ =	strace $0x8FFFFFFF  }
0x98: {  	s18 =	sld [smem:$0x3FDB];
	_ =	sdelay $0x1  }
0x99: {  	s19 =	simm.s32 $_scs_section_size  }
0x9a: {  	s4 =	simm.s32 $_size__tile_overlayer_lowered;
	s5 =	simm.s32 $_tile_overlayer_lowered  }
0x9b: {  	s22 =	simm.s32 $0x1BFF;
	s21 =	sshll.u32 s5, $0x1;
	s2 =	sadd.s32 s19, s18  }
0x9c: {  	s6 =	simm.s32 $0x0;
	s20 =	sshll.u32 s4, $0x1;
	s4 =	sadd.s32 s21, s2  }
0x9d: {  	[timem:s6], [sflag:s22] =	dma.local [hbm:s4], s20  }
0x9e: {  	_ =	swait.ge [sflag:s22], s20  }
0x9f: {  	s3 =	ssub.s32 $0x0, s20;
	[sflag:s22] =	ssyncset.done $0x0  }
0xa0: {  	[sflag:s22] =	ssyncadd.s32 s3;
	_ =	sdelay $0x1  }
0xa1: {  	s23 =	simm.s32 $0x1B8B  }
0xa2: {  	_ =	swait.ge [sflag:s23], $0x1  }
0xa3: {  	[sflag:s23] =	ssyncset.done $0x0  }
0xa4: {  	s25 =	simm.s32 $0x1B8E;
	s24 =	sld [smem:$0x3FFE];
	[sflag:s23] =	ssyncadd.s32 $0xFFFFFFFF  }
0xa5: {  	s26 =	simm.s32 $execute0_lowered;
	[smem:$0x3FD2] =	sst s25  }
0xa6: {  	s4 =	sshll.u32 s26, $0x1;
	_ =	strace $0x8000005B;
	[dreg:$0x1] =	wrdreg $0xFFFFFFFF  }
0xa7: {  	s28 =	simm.s32 $_size_execute0_lowered;
	s2 =	sadd.s32 s2, s4;
	[dreg:$0x0] =	wrdreg $0x0  }
0xa8: {  	s4 =	sshll.u32 s28, $0x1;
	[dreg:$0x2] =	wrdreg s2  }
0xa9: {  	[dreg:$0x3] =	wrdreg s4  }
0xaa: {  	[dreg:$0x4] =	wrdreg $0xC0  }
0xab: {  	_ =	task [dreg:s6], $0x5FFFF  }
0xac: {  	[dreg:$0x1] =	wrdreg $0xFFFFFFFF  }
0xad: {  	[dreg:$0x0] =	wrdreg $0x60  }
0xae: {  	[dreg:$0x2] =	wrdreg s24  }
0xaf: {  	[dreg:$0x3] =	wrdreg $0x9  }
0xb0: {  	_ =	task.clear_ibuf [dreg:s6], $0x4FFFF;
	_ =	strace $0x9000005B  }
0xb1: {  	s29 =	simm.s32 $0x9;
	_ =	strace $0x8000005D  }
0xb2: {  	_ =	swait.ge [sflag:s29], $0x1  }
0xb3: {  	[sflag:s29] =	ssyncadd.s32 $0xFFFFFFFF  }
0xb4: {  	_ =	strace $0x9000005D  }
0xb5: {  	_ =	sfence  }
0xb6: {  	s30 =	sld [smem:$0x0];
	_ =	sdelay $0x2  }
0xb7: {  	s31 =	sshll.u32 s1, $0xD;
	s1 =	sshrl.u32 s1, $0x2  }
0xb8: {  	s3 =	sand.u32 $0x4000, s31;
	s1 =	sadd.s32 s1, s30  }
0xb9: {  	s0 =	sor.u32 s3, s0;
	s1 =	sshll.u32 s1, $0x11  }
0xba: {  	s0 =	sor.u32 s1, s0  }
0xbb: {  	s0 =	sadd.s32 $0x8F2B, s0  }
0xbc: {  	[sflag:s0] =	ssyncadd.remote.s32 $0x1  }
0xbd: {  	_ =	sfence.sel $0xFFFF  }
0xbe: {  	[dreg:$0x0] =	wrdreg $0xFFFFFFFF;
	(pc) =	sbr.abs _section_cstart, $3  }
0xbf: {  	[dreg:$0x1] =	wrdreg $0xFFFFFFFF  }
0xc0: {  	_ =	task.clear_ibuf [dreg:s6], $0x2FFFF;
	_ =	strace $0x9FFFFFFF  }
0xc1: {  	(tm) =	ssettm $0x7FFFFFFF  }
tec
execute0_lowered:
.L_overlay_start_1:
0x0: {  	(tag) =	ssettag $0x1  }
0x1: {  	s0 =	srdreg.scid;
	s5 =	rddreg [dreg:$0x0]  }
0x2: {  	s1 =	stileid.u32;
	s6 =	simm.s32 $0x1;
	s9 =	simm.s32 $0x1  }
0x3: {  	s10 =	simm.s32 $0x3;
	s13 =	simm.s32 $0x0;
	s2 =	sshll.u32 s0, $0x9  }
0x4: {  	s12 =	simm.s32 $0x0;
	s3 =	sshll.u32 s1, $0xA;
	s2 =	sand.u32 $0x200, s2  }
0x5: {  	s0 =	rddreg [dreg:$0x1];
	_ =	strace $0x8000005C;
	s2 =	sor.u32 s3, s2  }
0x6: {  	s4 =	sadd.s32 $0x12C00, s5;
	[sflag:s6] =	ssyncpa.u1 $0x0;
	s8 =	ssub.s32 $0x7000, s2  }
.Ltmp0:
0x7: {  	s3 =	sadd.s32 $0xB1E00, s5;
	s7 =	sand.u32 $0x3E00, s8;
	(pc) =	sbr.rel .LBB2_1-.Ltmp0, $4  }
0x8: {  	s5 =	sadd.s32 $0xF000, s5;
	s11 =	smov.u32 s2;
	p0 =	sne.s32 s7, $0x0  }
0x9: {  	s8 =	sshrl.u32 s8, $0xE;
	s7 =	simm.s32 $0x2;
	s9 =	simm.s32 @!p0 $0x0  }
0xa: {  	[sflag:s7] =	ssyncpa.u1 $0x0;
	p0 =	por $0x0, $0x0;
	s8 =	sadd.s32 s9, s8  }
0xb: {  	vm0 =	vmmov $0xffff;
	[sflag:s10] =	ssyncpa.u1 $0x0;
	s10 =	simm.s32 $0x0;
	s9 =	sadd.s32 $0x1, s8  }
.LBB2_4:
0xc: {  	vm1 =	veq.s32 v0, $0x80000000;
	v3 =	vand.u32 $0x3, v0;
	v62 =	vshll.u32 v0, $0xE  }
0xd: {  	v2 =	vand.u32 $0x3FFF, v2;
	v3 =	vsel vm1, $0xFFFFFFFF, v3;
	v0 =	vand.u32 $0x70000, v62  }
0xe: {  	v0 =	vsel vm1, $0xFFFF0000, v0;
	v4 =	vand.u32 $0xFFFF0000, v3;
	v3 =	vshll.u32 v3, $0x7  }
0xf: {  	v2 =	vsel vm1, $0xFFFFFFFF, v2;
	v0 =	vadd.s32 v4, v0;
	v3 =	vand.u32 $0x180, v3  }
0x10: {  	v63 =	vand.u32 $0x7F, v2;
	v2 =	vshll.u32 v2, $0x2;
	v0 =	vor.u32 v3, v0  }
0x11: {  	v2 =	vand.u32 $0xFFFFFE00, v2;
	v0 =	vor.u32 v63, v0  }
0x12: {  	v0 =	vadd.s32 v2, v0;
	_ =	sdelay $0x1  }
0x13: {  	(ifvalue) =	ssetifvalue $0x7FFFFFFF;
	s14 =	sadd.s32 $0x10, s14  }
0x14: {  	[tilespmem:s14], [sflag:$0x1] =	stream.indirect_vreg.gather [hbm4b:s3+s10], $0x1, v1, vm0, $0x4038;
	[tilespmem:$0x800] =	vst v63  }
0x15: {  	(ifvalue) =	ssetifvalue $0x7FFFFFFF;
	s14 =	sadd.s32 $0x10, s14  }
0x16: {  	[tilespmem:s14], [sflag:$0x1] =	stream.indirect_vreg.gather [hbm4b:s3+s10], $0x1, v0, vm0, $0x4038;
	[tilespmem:$0x800] =	vst v63  }
0x17: {  	_ =	swait.ge [sflag:s6], $0x200  }
0x18: {  	s30 =	sshrl.u32 s13, $0x3;
	[sflag:s6] =	ssyncset.done $0x0  }
0x19: {  	s31 =	sand.u32 $0x7, s13;
	s14 =	sadd.s32 s5, s30;
	[sflag:s6] =	ssyncadd.s32 $0xFFFFFE00  }
0x1a: {  	[hbm4b:s14+s31] =	stream.linear.scatter [tilespmem:s15], [sflag:$0x3], $0x200, $0x38;
	[tilespmem:$0x800] =	vst v63  }
.LBB2_5:
0x1b: {  	s15 =	sadd.s32 $0x4000, s11  }
0x1c: {  	p2 =	sgt.s32 s15, $0x6FFF  }
0x1d: {  	s15 =	smov.u32 @p2 s2;
	p2 =	sne.s32 s12, s9  }
.Ltmp1:
0x1e: {  	p1 =	slt.u32 s12, $0x2;
	(pc) =	sbr.rel @!p2 .LBB2_6-.Ltmp1, $4  }
0x1f: {  	s14 =	simm.s32 @!p1 $0x3  }
0x20: {  	s16 =	sadd.s32 $0x1, s12;
	_ =	swait.ge @!p1 [sflag:s14], $0x200  }
0x21: {  	s13 =	smov.u32 s11;
	p0 =	por !p0, !p0;
	[sflag:s14] =	ssyncset.done @!p1 $0x0  }
0x22: {  	s12 =	smov.u32 s16;
	s11 =	smov.u32 s15;
	[sflag:s14] =	ssyncadd.s32 @!p1 $0xFFFFFE00  }
.LBB2_1:
0x23: {  	p1 =	sge.u32 s12, s8  }
0x24: {  	s14 =	sxor.u32 @!p1 $0xFFFFFFFF, s12  }
0x25: {  	s31 =	sadd.s32 $0xFFFFFFFF, s12;
	s15 =	sshrl.u32 @!p1 s11, $0x3;
	s14 =	sshll.u32 @!p1 s14, $0x9  }
0x26: {  	s16 =	sand.u32 @!p1 $0x7, s11;
	s15 =	sadd.s32 @!p1 s4, s15;
	s14 =	sand.u32 @!p1 $0x200, s14  }
0x27: {  	[tilespmem:s14], [sflag:$0x2] =	stream.linear.gather @!p1 [hbm4b:s15+s16], $0x200, $0x38;
	[tilespmem:$0x800] =	vst v63  }
0x28: {  	p1 =	sge.u32 s31, s8  }
.Ltmp2:
0x29: {  	_ = 	snop;
	(pc) =	sbr.rel @p1 .LBB2_5-.Ltmp2, $1  }
0x2a: {  	_ =	sdelay $0x3  }
0x2b: {  	s14 =	simm.s32 $0x1  }
0x2c: {  	_ =	swait.ge [sflag:s7], $0x200;
	s14 =	simm.s32 @!p0 $0x0  }
0x2d: {  	[sflag:s7] =	ssyncset.done $0x0;
	s14 =	sshll.u32 s14, $0x9  }
0x2e: {  	[sflag:s7] =	ssyncadd.s32 $0xFFFFFE00;
	(ifvalue) =	ssetifvalue $0x7FFFFFFF;
	v0 =	vld.msk [tilespmem:s14+$0x0 ss:$0x1], $0xffff;
	_ =	sdelay $0x1  }
0x2f: {  	s15 =	sadd.s32 $0x10, s14  }
0x30: {  	v3 =	vld.msk [tilespmem:s15+$0x0 ss:$0x1], $0xffff;
	_ =	sdelay $0x1  }
0x31: {  	v1 =	vshrl.u32 v0, $0x5  }
0x32: {  	vm1 =	veq.s32 v0, $0x80000000;
	v2 =	vand.u32 $0x3, v0;
	v0 =	vshll.u32 v0, $0xE  }
0x33: {  	v2 =	vsel vm1, $0xFFFFFFFF, v2;
	v0 =	vand.u32 $0x70000, v0  }
0x34: {  	v1 =	vand.u32 $0x3FFF, v1;
	v62 =	vand.u32 $0x3, v3;
	v0 =	vsel vm1, $0xFFFF0000, v0  }
0x35: {  	v4 =	vand.u32 $0xFFFF0000, v2;
	v2 =	vshll.u32 v2, $0x7;
	v1 =	vsel vm1, $0xFFFFFFFF, v1  }
0x36: {  	vm1 =	veq.s32 v3, $0x80000000;
	v0 =	vadd.s32 v4, v0;
	v2 =	vand.u32 $0x180, v2  }
0x37: {  	v61 =	vand.u32 $0x7F, v1;
	v1 =	vshll.u32 v1, $0x2;
	v0 =	vor.u32 v2, v0  }
0x38: {  	v4 =	vsel vm1, $0xFFFFFFFF, v62;
	v1 =	vand.u32 $0xFFFFFE00, v1;
	v0 =	vor.u32 v61, v0  }
0x39: {  	s17 =	sadd.s32 $0x10, s15;
	v2 =	vshrl.u32 v3, $0x5;
	v3 =	vshll.u32 v3, $0xE;
	v1 =	vadd.s32 v1, v0  }
0x3a: {  	v5 =	vand.u32 $0xFFFF0000, v4;
	v3 =	vand.u32 $0x70000, v3;
	v0 =	vld.msk [tilespmem:s17+$0x0 ss:$0x1], $0xffff  }
0x3b: {  	v4 =	vshll.u32 v4, $0x7;
	v2 =	vand.u32 $0x3FFF, v2;
	v3 =	vsel vm1, $0xFFFF0000, v3  }
0x3c: {  	s31 =	sshll.u32 s12, $0x9;
	v4 =	vand.u32 $0x180, v4;
	v2 =	vsel vm1, $0xFFFFFFFF, v2;
	v3 =	vadd.s32 v5, v3  }
0x3d: {  	s14 =	sor.u32 $0x400, s14;
	s15 =	sand.u32 $0x200, s31;
	(ifvalue) =	ssetifvalue $0x7FFFFFFF;
	v63 =	vand.u32 $0x7F, v2;
	v2 =	vshll.u32 v2, $0x2;
	v3 =	vor.u32 v4, v3  }
0x3e: {  	v3 =	vor.u32 v63, v3;
	[tilespmem:s14], [sflag:$0x1] =	stream.indirect_vreg.gather [hbm4b:s3+s10], $0x1, v1, vm0, $0x4038;
	v1 =	vand.u32 $0xFFFFFE00, v2;
	[tilespmem:$0x800] =	vst v63  }
0x3f: {  	s16 =	simm.s32 $0x20;
	s15 =	sor.u32 $0x400, s15;
	s17 =	sadd.s32 $0x10, s17;
	v2 =	vshrl.u32 v0, $0x5;
	v1 =	vadd.s32 v1, v3  }
.LBB2_3:
0x40: {  	vm1 =	veq.s32 v0, $0x80000000;
	v3 =	vand.u32 $0x3, v0;
	v4 =	vshll.u32 v0, $0xE;
	v0 =	vld.msk [tilespmem:s17+$0x0 ss:$0x1], $0xffff;
	s16 =	sadd.s32 $0x10, s16  }
0x41: {  	v2 =	vand.u32 $0x3FFF, v2;
	v3 =	vsel vm1, $0xFFFFFFFF, v3;
	v4 =	vand.u32 $0x70000, v4;
	p1 =	slt.u32 s16, $0x1F0  }
.Ltmp3:
0x42: {  	v4 =	vsel vm1, $0xFFFF0000, v4;
	v5 =	vand.u32 $0xFFFF0000, v3;
	v3 =	vshll.u32 v3, $0x7;
	(pc) =	sbr.rel @p1 .LBB2_3-.Ltmp3, $4  }
0x43: {  	s14 =	sadd.s32 $0x10, s14;
	v2 =	vsel vm1, $0xFFFFFFFF, v2;
	v4 =	vadd.s32 v5, v4;
	v3 =	vand.u32 $0x180, v3;
	(ifvalue) =	ssetifvalue $0x7FFFFFFF  }
0x44: {  	v5 =	vand.u32 $0x7F, v2;
	v2 =	vshll.u32 v2, $0x2;
	v3 =	vor.u32 v3, v4;
	[tilespmem:s14], [sflag:$0x1] =	stream.indirect_vreg.gather [hbm4b:s3+s10], $0x1, v1, vm0, $0x4038;
	[tilespmem:$0x800] =	vst v63  }
0x45: {  	v1 =	vand.u32 $0xFFFFFE00, v2;
	v3 =	vor.u32 v5, v3  }
0x46: {  	s17 =	sadd.s32 $0x10, s17;
	v2 =	vshrl.u32 v0, $0x5;
	v1 =	vadd.s32 v1, v3  }
.Ltmp4:
0x47: {  	_ = 	snop;
	(pc) =	sbr.rel .LBB2_4-.Ltmp4, $1  }
0x48: {  	_ =	sdelay $0x3  }
.LBB2_6:
0x49: {  	_ =	sfence.sel $0x180000  }
0x4a: {  	s2 =	simm.s32 $0x2;
	[bflag:$0x0] =	sbarrier.arrive $0xFFFF  }
0x4b: {  	s30 =	simm.s32 $0x3;
	[sflag:s2] =	ssyncpa.u1 $0x1  }
0x4c: {  	s31 =	simm.s32 $0x1;
	[sflag:s30] =	ssyncpa.u1 $0x1  }
0x4d: {  	[sflag:s31] =	ssyncpa.u1 $0x1  }
0x4e: {  	p0 =	sne.s32 s1, $0x0;
	_ =	strace $0x9000005C  }
0x4f: {  	s0 =	sadd.s32 @!p0 $0x100000, s0;
	[bflag:$0x2] =	sbarrier.arrive $0xFFFF  }
0x50: {  	[sflag:s0] =	ssyncadd.tile.s32 @!p0 $0x1;
	_ =	shalt  }
.Lfunc_end2:
_tile_overlayer_lowered:
.L_overlay_start_2:
0x51: {  	(tag) =	ssettag $0x2  }
0x52: {  	s0 =	rddreg [dreg:$0x0];
	s2 =	stileid.u32  }
0x53: {  	s1 =	rddreg [dreg:$0x1];
	p0 =	sne.s32 s2, $0x0  }
0x54: {  	s3 =	rddreg [dreg:$0x2];
	[bflag:$0x3] =	sbarrier.arrive $0xFFFF;
	s2 =	simm.s32 @!p0 $0x1C01  }
0x55: {  	[timem:s3], [sflag:s2] =	dma.local @!p0 [hbm:s0], s1  }
0x56: {  	s0 =	simm.s32 @!p0 $0x1  }
0x57: {  	_ =	swait.ge @!p0 [sflag:s0], s1  }
0x58: {  	s1 =	ssub.s32 @!p0 $0x0, s1;
	[sflag:s0] =	ssyncset.done @!p0 $0x0  }
0x59: {  	[sflag:s0] =	ssyncadd.s32 @!p0 s1  }
0x5a: {  	[bflag:$0x3] =	sbarrier.arrive $0xFFFF  }
0x5b: {  	_ =	shalt  }

// kernel: gather_offload_async_start.8
scs
__scs_entry_jumppad:
0x0: {  	(pc) =	sbr.rel $0x88, $3  }
0x1: {  	(tag) =	ssettag $0x0;
	lr =	simm.s32 $0x1  }
0x2: {  	[smem:$0x3F9B] =	sst lr;
	_ =	strace $0xD0000000  }
0x3: {  	_ = 	snop  }
0x4: {  	_ = 	snop  }
0x5: {  	_ = 	snop  }
0x6: {  	_ = 	snop  }
0x7: {  	_ = 	snop  }
__scs_overlays_trampoline_lowered:
0x8: {  	[smem:$0x3FAA] =	sst s0  }
0x9: {  	[smem:$0x3FAB] =	sst s1  }
0xa: {  	[smem:$0x3FAC] =	sst s2  }
0xb: {  	[smem:$0x3FAD] =	sst s3  }
0xc: {  	[smem:$0x3FAE] =	sst s4  }
0xd: {  	[smem:$0x3FAF] =	sst s5  }
0xe: {  	[smem:$0x3FB0] =	sst s6  }
0xf: {  	[smem:$0x3FB1] =	sst s7  }
0x10: {  	[smem:$0x3FB2] =	sst s8  }
0x11: {  	[smem:$0x3FB3] =	sst s9;
	s0 =	simm.s32 @!p0 $0x0  }
0x12: {  	s1 =	sld [smem:$0x3F99];
	s0 =	simm.s32 @p0 $0x1  }
0x13: {  	[smem:$0x3FB4] =	sst s0;
	s0 =	simm.s32 @!p1 $0x0  }
0x14: {  	s2 =	sld [smem:$0x3F98];
	s0 =	simm.s32 @p1 $0x1  }
0x15: {  	[smem:$0x3FB5] =	sst s0;
	s0 =	simm.s32 @!p2 $0x0  }
0x16: {  	s3 =	sld [smem:$0x3FDB];
	s0 =	simm.s32 @p2 $0x1  }
0x17: {  	s4 =	simm.s32 $0x1BF5;
	[smem:$0x3FB7] =	sst s0  }
0x18: {  	s0 =	sld [smem:$0x3F9A];
	_ =	swait.ge [sflag:s4], $0x0  }
0x19: {  	s7 =	sld [smem:$0x3F9B]  }
0x1a: {  	s8 =	sadd.s32 $0xFFFFE003, lr  }
0x1b: {  	s9 =	sadd.s32 $0xFFFFFEF7, lr;
	s5 =	simm.s32 $0xFFFFFFFF;
	p2 =	slt.u32 s8, $0xFFFFF086  }
0x1c: {  	p1 =	slt.u32 s9, $0xF7A;
	s5 =	simm.s32 @!p2 $0x0  }
0x1d: {  	s5 =	simm.s32 @p1 $0x1;
	p0 =	seq.s32 s7, s2  }
0x1e: {  	s7 =	smul.u32 @!p0 $0xF7A, s2;
	p2 =	seq.s32 @!p0 s5, $0x0  }
0x1f: {  	s9 =	smul.u32 $0xF7A, s1;
	s8 =	simm.s32 @!p0 $0x1BF5;
	p2 =	por !p2, p0  }
0x20: {  	[sflag:s8] =	ssyncset.s32 @!p0 $0xFFFFF086;
	s6 =	sadd.s32 @!p0 s3, s7;
	s7 =	simm.s32 @!p0 $0x108  }
0x21: {  	s3 =	sadd.s32 s3, s9;
	s6 =	sadd.s32 @!p0 $0x88, s6;
	s7 =	simm.s32 @p2 $0x1082  }
0x22: {  	[simem:s7], [sflag:s8] =	dma.local @!p0 [hbm:s6], $0xF7A  }
0x23: {  	s9 =	sor.u32 $0xD0000000, s2;
	s6 =	simm.s32 $0x108;
	_ =	swait.ge @!p0 [sflag:s8], $0x0  }
0x24: {  	s3 =	sadd.s32 $0x88, s3;
	s6 =	simm.s32 @!p1 $0x1082;
	[sflag:s4] =	ssyncset.s32 $0xFFFFF086  }
0x25: {  	[simem:s6], [sflag:s4] =	dma.local [hbm:s3], $0xF7A  }
0x26: {  	[smem:$0x3F9B] =	sst s1;
	(tag) =	ssettag s2;
	_ =	strace s9  }
0x27: {  	s1 =	sld [smem:$0x3FAB]  }
0x28: {  	s2 =	sld [smem:$0x3FAC]  }
0x29: {  	s4 =	sld [smem:$0x3FAE]  }
0x2a: {  	p0 =	seq.s32 s5, $0x0;
	s5 =	sld [smem:$0x3FAF]  }
0x2b: {  	s6 =	sld [smem:$0x3FB0]  }
0x2c: {  	s7 =	sld [smem:$0x3FB1]  }
0x2d: {  	s3 =	simm.s32 $0x108;
	s8 =	sld [smem:$0x3FB2]  }
0x2e: {  	s3 =	simm.s32 @!p0 $0x1082;
	s9 =	sld [smem:$0x3FB3]  }
0x2f: {  	lr =	sadd.s32 s0, s3;
	s0 =	sld [smem:$0x3FAA]  }
0x30: {  	s3 =	sld [smem:$0x3FAD]  }
0x31: {  	[smem:$0x3FB6] =	sst s10  }
0x32: {  	s10 =	sld [smem:$0x3FB4];
	_ =	sdelay $0x3  }
0x33: {  	p0 =	seq.s32 s10, $0x1;
	s10 =	sld [smem:$0x3FB6];
	_ =	sdelay $0x3  }
0x34: {  	[smem:$0x3FB6] =	sst s10  }
0x35: {  	s10 =	sld [smem:$0x3FB5];
	_ =	sdelay $0x3  }
0x36: {  	p1 =	seq.s32 s10, $0x1;
	s10 =	sld [smem:$0x3FB6];
	_ =	sdelay $0x3  }
0x37: {  	[smem:$0x3FB6] =	sst s10  }
0x38: {  	s10 =	sld [smem:$0x3FB7]  }
0x39: {  	_ = 	snop;
	(pc) =	sbr.ind lr, $3  }
0x3a: {  	_ = 	snop  }
0x3b: {  	_ = 	snop  }
0x3c: {  	p2 =	seq.s32 s10, $0x1;
	s10 =	sld [smem:$0x3FB6]  }
0x3d: {  	_ =	shalt  }
0x3e: {  	_ =	shalt  }
0x3f: {  	_ =	shalt  }
0x40: {  	_ =	shalt  }
0x41: {  	_ =	shalt  }
0x42: {  	_ =	shalt  }
0x43: {  	_ =	shalt  }
0x44: {  	_ =	shalt  }
0x45: {  	_ =	shalt  }
0x46: {  	_ =	shalt  }
0x47: {  	_ =	shalt  }
0x48: {  	_ =	shalt  }
0x49: {  	_ =	shalt  }
0x4a: {  	_ =	shalt  }
0x4b: {  	_ =	shalt  }
0x4c: {  	_ =	shalt  }
0x4d: {  	_ =	shalt  }
0x4e: {  	_ =	shalt  }
0x4f: {  	_ =	shalt  }
0x50: {  	_ =	shalt  }
0x51: {  	_ =	shalt  }
0x52: {  	_ =	shalt  }
0x53: {  	_ =	shalt  }
0x54: {  	_ =	shalt  }
0x55: {  	_ =	shalt  }
0x56: {  	_ =	shalt  }
0x57: {  	_ =	shalt  }
0x58: {  	_ =	shalt  }
0x59: {  	_ =	shalt  }
0x5a: {  	_ =	shalt  }
0x5b: {  	_ =	shalt  }
0x5c: {  	_ =	shalt  }
0x5d: {  	_ =	shalt  }
0x5e: {  	_ =	shalt  }
0x5f: {  	_ =	shalt  }
0x60: {  	_ =	shalt  }
0x61: {  	_ =	shalt  }
0x62: {  	_ =	shalt  }
0x63: {  	_ =	shalt  }
0x64: {  	_ =	shalt  }
0x65: {  	_ =	shalt  }
0x66: {  	_ =	shalt  }
0x67: {  	_ =	shalt  }
0x68: {  	_ =	shalt  }
0x69: {  	_ =	shalt  }
0x6a: {  	_ =	shalt  }
0x6b: {  	_ =	shalt  }
0x6c: {  	_ =	shalt  }
0x6d: {  	_ =	shalt  }
0x6e: {  	_ =	shalt  }
0x6f: {  	_ =	shalt  }
0x70: {  	_ =	shalt  }
0x71: {  	_ =	shalt  }
0x72: {  	_ =	shalt  }
0x73: {  	_ =	shalt  }
0x74: {  	_ =	shalt  }
0x75: {  	_ =	shalt  }
0x76: {  	_ =	shalt  }
0x77: {  	_ =	shalt  }
0x78: {  	_ =	shalt  }
0x79: {  	_ =	shalt  }
0x7a: {  	_ =	shalt  }
0x7b: {  	_ =	shalt  }
0x7c: {  	_ =	shalt  }
0x7d: {  	_ =	shalt  }
0x7e: {  	_ =	shalt  }
0x7f: {  	_ =	shalt  }
0x80: {  	_ =	shalt  }
0x81: {  	_ =	shalt  }
0x82: {  	_ =	shalt  }
0x83: {  	_ =	shalt  }
0x84: {  	_ =	shalt  }
0x85: {  	_ =	shalt  }
0x86: {  	_ =	shalt  }
0x87: {  	_ =	shalt  }
.Lfunc_end0:
.L_simem_size_0:
called_computation.8_lowered:
.L_overlay_start_0:
0x88: {  	s2 =	sld [smem:$0x3FD9]  }
0x89: {  	s3 =	sld [smem:$0x3FFE];
	_ =	sdelay $0x1  }
0x8a: {  	s1 =	srdreg.scid  }
0x8b: {  	s0 =	sand.u32 $0x1, s1  }
0x8c: {  	s14 =	sshll.u32 s0, $0xA;
	s2 =	sadd.s32 s3, s2  }
0x8d: {  	s2 =	sadd.s32 s2, s14  }
0x8e: {  	[smem:$0x3FC2] =	sst s2  }
0x8f: {  	_ = 	snop  }
0x90: {  	s2 =	sld [smem:$0x3FD0];
	_ =	sdelay $0x2  }
0x91: {  	s15 =	simm.s32 $0xB;
	s4 =	simm.s32 $0x10  }
0x92: {  	[smem:s4], [sflag:s15] =	dma.local [hbm:s2], $0x1  }
0x93: {  	_ =	swait.eq [sflag:s15], $0x1  }
0x94: {  	[sflag:s15] =	ssyncset.done $0x0  }
0x95: {  	[sflag:s15] =	ssyncadd.s32 $0xFFFFFFFF  }
0x96: {  	s16 =	sld [smem:$0x10];
	(tm) =	ssettm $0x1  }
0x97: {  	s17 =	sld [smem:$0x3FFB];
	_ =	sdelay $0x3  }
0x98: {  	_ =	strace s17  }
0x99: {  	s3 =	sld [smem:$0x3FFC];
	_ =	sdelay $0x3  }
0x9a: {  	_ =	strace s3  }
0x9b: {  	s3 =	sld [smem:$0x3FFD];
	_ =	sdelay $0x3  }
0x9c: {  	_ =	strace s3  }
0x9d: {  	_ =	strace $0x8FFFFFFF  }
0x9e: {  	s18 =	sld [smem:$0x3FDB];
	_ =	sdelay $0x1  }
0x9f: {  	s19 =	simm.s32 $_scs_section_size  }
0xa0: {  	s5 =	simm.s32 $_size__tile_overlayer_lowered;
	s6 =	simm.s32 $_tile_overlayer_lowered  }
0xa1: {  	s22 =	simm.s32 $0x1BFF;
	s21 =	sshll.u32 s6, $0x1;
	s3 =	sadd.s32 s19, s18  }
0xa2: {  	s7 =	simm.s32 $0x0;
	s20 =	sshll.u32 s5, $0x1;
	s5 =	sadd.s32 s21, s3  }
0xa3: {  	[timem:s7], [sflag:s22] =	dma.local [hbm:s5], s20  }
0xa4: {  	_ =	swait.ge [sflag:s22], s20  }
0xa5: {  	s4 =	ssub.s32 $0x0, s20;
	[sflag:s22] =	ssyncset.done $0x0  }
0xa6: {  	[sflag:s22] =	ssyncadd.s32 s4;
	_ =	sdelay $0x1  }
0xa7: {  	s23 =	simm.s32 $0x1B8B  }
0xa8: {  	_ =	swait.ge [sflag:s23], $0x1  }
0xa9: {  	[sflag:s23] =	ssyncset.done $0x0  }
0xaa: {  	s25 =	simm.s32 $0x1B8E;
	s24 =	sld [smem:$0x3FFE];
	[sflag:s23] =	ssyncadd.s32 $0xFFFFFFFF  }
0xab: {  	s26 =	simm.s32 $execute0_lowered;
	[smem:$0x3FD2] =	sst s25  }
0xac: {  	s5 =	sshll.u32 s26, $0x1;
	_ =	strace $0x8000005E;
	[dreg:$0x1] =	wrdreg $0xFFFFFFFF  }
0xad: {  	s28 =	simm.s32 $_size_execute0_lowered;
	s3 =	sadd.s32 s3, s5;
	[dreg:$0x0] =	wrdreg $0x0  }
0xae: {  	s5 =	sshll.u32 s28, $0x1;
	[dreg:$0x2] =	wrdreg s3  }
0xaf: {  	[dreg:$0x3] =	wrdreg s5  }
0xb0: {  	[dreg:$0x4] =	wrdreg $0xC0  }
0xb1: {  	_ =	task [dreg:s7], $0x5FFFF  }
0xb2: {  	[dreg:$0x1] =	wrdreg $0xFFFFFFFF  }
0xb3: {  	[dreg:$0x0] =	wrdreg $0x60  }
0xb4: {  	[dreg:$0x2] =	wrdreg s24  }
0xb5: {  	[dreg:$0x3] =	wrdreg s16  }
0xb6: {  	[dreg:$0x4] =	wrdreg $0x9  }
0xb7: {  	_ =	task.clear_ibuf [dreg:s7], $0x5FFFF;
	_ =	strace $0x9000005E  }
0xb8: {  	s29 =	simm.s32 $0x9;
	_ =	strace $0x80000060  }
0xb9: {  	_ =	swait.ge [sflag:s29], $0x1  }
0xba: {  	[sflag:s29] =	ssyncadd.s32 $0xFFFFFFFF  }
0xbb: {  	_ =	strace $0x90000060  }
0xbc: {  	_ =	sfence  }
0xbd: {  	s30 =	sld [smem:$0x0];
	_ =	sdelay $0x2  }
0xbe: {  	s31 =	sshll.u32 s1, $0xD;
	s1 =	sshrl.u32 s1, $0x2  }
0xbf: {  	s3 =	sand.u32 $0x4000, s31;
	s1 =	sadd.s32 s1, s30  }
0xc0: {  	s0 =	sor.u32 s3, s0;
	s1 =	sshll.u32 s1, $0x11  }
0xc1: {  	s0 =	sor.u32 s1, s0  }
0xc2: {  	s0 =	sadd.s32 $0x8F2B, s0  }
0xc3: {  	[sflag:s0] =	ssyncadd.remote.s32 $0x1  }
0xc4: {  	_ =	sfence.sel $0xFFFF  }
0xc5: {  	[dreg:$0x0] =	wrdreg $0xFFFFFFFF;
	(pc) =	sbr.abs _section_cstart, $3  }
0xc6: {  	[dreg:$0x1] =	wrdreg $0xFFFFFFFF  }
0xc7: {  	_ =	task.clear_ibuf [dreg:s7], $0x2FFFF;
	_ =	strace $0x9FFFFFFF  }
0xc8: {  	(tm) =	ssettm $0x7FFFFFFF  }
0xc9: {  	_ =	shalt  }
tec
execute0_lowered:
.L_overlay_start_1:
0x0: {  	(tag) =	ssettag $0x1  }
0x1: {  	s1 =	srdreg.scid;
	s5 =	rddreg [dreg:$0x0]  }
0x2: {  	s0 =	stileid.u32;
	s2 =	rddreg [dreg:$0x1];
	s6 =	simm.s32 $0x1  }
0x3: {  	s9 =	simm.s32 $0x1;
	s10 =	simm.s32 $0x3;
	s1 =	sshll.u32 s1, $0x9  }
0x4: {  	s13 =	simm.s32 $0x0;
	s3 =	sshll.u32 s0, $0xA;
	s4 =	sand.u32 $0x200, s1  }
0x5: {  	s12 =	simm.s32 $0x0;
	s1 =	rddreg [dreg:$0x2];
	s3 =	sor.u32 s3, s4  }
0x6: {  	_ =	strace $0x8000005F;
	s4 =	sadd.s32 $0xB1E00, s5;
	s8 =	ssub.s32 $0x7000, s3  }
.Ltmp0:
0x7: {  	s5 =	sadd.s32 $0xF000, s5;
	s7 =	sand.u32 $0x3E00, s8;
	(pc) =	sbr.rel .LBB2_1-.Ltmp0, $4  }
0x8: {  	[sflag:s6] =	ssyncpa.u1 $0x0;
	s11 =	smov.u32 s3;
	p0 =	sne.s32 s7, $0x0  }
0x9: {  	s8 =	sshrl.u32 s8, $0xE;
	s7 =	simm.s32 $0x2;
	s9 =	simm.s32 @!p0 $0x0  }
0xa: {  	[sflag:s7] =	ssyncpa.u1 $0x0;
	p0 =	por $0x0, $0x0;
	s8 =	sadd.s32 s9, s8  }
0xb: {  	vm0 =	vmmov $0xffff;
	[sflag:s10] =	ssyncpa.u1 $0x0;
	s10 =	simm.s32 $0x0;
	s9 =	sadd.s32 $0x1, s8  }
.LBB2_4:
0xc: {  	vm1 =	veq.s32 v0, $0x80000000;
	v3 =	vand.u32 $0x3, v0;
	v62 =	vshll.u32 v0, $0xE  }
0xd: {  	v2 =	vand.u32 $0x3FFF, v2;
	v3 =	vsel vm1, $0xFFFFFFFF, v3;
	v0 =	vand.u32 $0x70000, v62  }
0xe: {  	v0 =	vsel vm1, $0xFFFF0000, v0;
	v4 =	vand.u32 $0xFFFF0000, v3;
	v3 =	vshll.u32 v3, $0x7  }
0xf: {  	v2 =	vsel vm1, $0xFFFFFFFF, v2;
	v0 =	vadd.s32 v4, v0;
	v3 =	vand.u32 $0x180, v3  }
0x10: {  	v63 =	vand.u32 $0x7F, v2;
	v2 =	vshll.u32 v2, $0x2;
	v0 =	vor.u32 v3, v0  }
0x11: {  	v2 =	vand.u32 $0xFFFFFE00, v2;
	v0 =	vor.u32 v63, v0  }
0x12: {  	v0 =	vadd.s32 v2, v0;
	_ =	sdelay $0x1  }
0x13: {  	(ifvalue) =	ssetifvalue $0x7FFFFFFF;
	s14 =	sadd.s32 $0x10, s14  }
0x14: {  	[tilespmem:s14], [sflag:$0x1] =	stream.indirect_vreg.gather [hbm4b:s4+s10], $0x1, v1, vm0, $0x4038;
	[tilespmem:$0x800] =	vst v63  }
0x15: {  	(ifvalue) =	ssetifvalue $0x7FFFFFFF;
	s14 =	sadd.s32 $0x10, s14  }
0x16: {  	[tilespmem:s14], [sflag:$0x1] =	stream.indirect_vreg.gather [hbm4b:s4+s10], $0x1, v0, vm0, $0x4038;
	[tilespmem:$0x800] =	vst v63  }
0x17: {  	_ =	swait.ge [sflag:s6], $0x200  }
0x18: {  	s30 =	sshrl.u32 s13, $0x3;
	[sflag:s6] =	ssyncset.done $0x0  }
0x19: {  	s31 =	sand.u32 $0x7, s13;
	s14 =	sadd.s32 s5, s30;
	[sflag:s6] =	ssyncadd.s32 $0xFFFFFE00  }
0x1a: {  	[hbm4b:s14+s31] =	stream.linear.scatter [tilespmem:s15], [sflag:$0x3], $0x200, $0x38;
	[tilespmem:$0x800] =	vst v63  }
.LBB2_5:
0x1b: {  	s15 =	sadd.s32 $0x4000, s11  }
0x1c: {  	p2 =	sgt.s32 s15, $0x6FFF  }
0x1d: {  	s15 =	smov.u32 @p2 s3;
	p2 =	sne.s32 s12, s9  }
.Ltmp1:
0x1e: {  	p1 =	slt.u32 s12, $0x2;
	(pc) =	sbr.rel @!p2 .LBB2_6-.Ltmp1, $4  }
0x1f: {  	s14 =	simm.s32 @!p1 $0x3  }
0x20: {  	s16 =	sadd.s32 $0x1, s12;
	_ =	swait.ge @!p1 [sflag:s14], $0x200  }
0x21: {  	s13 =	smov.u32 s11;
	p0 =	por !p0, !p0;
	[sflag:s14] =	ssyncset.done @!p1 $0x0  }
0x22: {  	s12 =	smov.u32 s16;
	s11 =	smov.u32 s15;
	[sflag:s14] =	ssyncadd.s32 @!p1 $0xFFFFFE00  }
.LBB2_1:
0x23: {  	p1 =	sge.u32 s12, s8  }
0x24: {  	s14 =	sxor.u32 @!p1 $0xFFFFFFFF, s12  }
0x25: {  	s31 =	sadd.s32 $0xFFFFFFFF, s12;
	s15 =	sshrl.u32 @!p1 s11, $0x3;
	s14 =	sshll.u32 @!p1 s14, $0x9  }
0x26: {  	s16 =	sand.u32 @!p1 $0x7, s11;
	s15 =	sadd.s32 @!p1 s2, s15;
	s14 =	sand.u32 @!p1 $0x200, s14  }
0x27: {  	[tilespmem:s14], [sflag:$0x2] =	stream.linear.gather @!p1 [hbm4b:s15+s16], $0x200, $0x38;
	[tilespmem:$0x800] =	vst v63  }
0x28: {  	p1 =	sge.u32 s31, s8  }
.Ltmp2:
0x29: {  	_ = 	snop;
	(pc) =	sbr.rel @p1 .LBB2_5-.Ltmp2, $1  }
0x2a: {  	_ =	sdelay $0x3  }
0x2b: {  	s14 =	simm.s32 $0x1  }
0x2c: {  	_ =	swait.ge [sflag:s7], $0x200;
	s14 =	simm.s32 @!p0 $0x0  }
0x2d: {  	[sflag:s7] =	ssyncset.done $0x0;
	s14 =	sshll.u32 s14, $0x9  }
0x2e: {  	[sflag:s7] =	ssyncadd.s32 $0xFFFFFE00;
	(ifvalue) =	ssetifvalue $0x7FFFFFFF;
	v0 =	vld.msk [tilespmem:s14+$0x0 ss:$0x1], $0xffff;
	_ =	sdelay $0x1  }
0x2f: {  	s15 =	sadd.s32 $0x10, s14  }
0x30: {  	v3 =	vld.msk [tilespmem:s15+$0x0 ss:$0x1], $0xffff;
	_ =	sdelay $0x1  }
0x31: {  	v1 =	vshrl.u32 v0, $0x5  }
0x32: {  	vm1 =	veq.s32 v0, $0x80000000;
	v2 =	vand.u32 $0x3, v0;
	v0 =	vshll.u32 v0, $0xE  }
0x33: {  	v2 =	vsel vm1, $0xFFFFFFFF, v2;
	v0 =	vand.u32 $0x70000, v0  }
0x34: {  	v1 =	vand.u32 $0x3FFF, v1;
	v62 =	vand.u32 $0x3, v3;
	v0 =	vsel vm1, $0xFFFF0000, v0  }
0x35: {  	v4 =	vand.u32 $0xFFFF0000, v2;
	v2 =	vshll.u32 v2, $0x7;
	v1 =	vsel vm1, $0xFFFFFFFF, v1  }
0x36: {  	vm1 =	veq.s32 v3, $0x80000000;
	v0 =	vadd.s32 v4, v0;
	v2 =	vand.u32 $0x180, v2  }
0x37: {  	v61 =	vand.u32 $0x7F, v1;
	v1 =	vshll.u32 v1, $0x2;
	v0 =	vor.u32 v2, v0  }
0x38: {  	v4 =	vsel vm1, $0xFFFFFFFF, v62;
	v1 =	vand.u32 $0xFFFFFE00, v1;
	v0 =	vor.u32 v61, v0  }
0x39: {  	s17 =	sadd.s32 $0x10, s15;
	v2 =	vshrl.u32 v3, $0x5;
	v3 =	vshll.u32 v3, $0xE;
	v1 =	vadd.s32 v1, v0  }
0x3a: {  	v5 =	vand.u32 $0xFFFF0000, v4;
	v3 =	vand.u32 $0x70000, v3;
	v0 =	vld.msk [tilespmem:s17+$0x0 ss:$0x1], $0xffff  }
0x3b: {  	v4 =	vshll.u32 v4, $0x7;
	v2 =	vand.u32 $0x3FFF, v2;
	v3 =	vsel vm1, $0xFFFF0000, v3  }
0x3c: {  	s31 =	sshll.u32 s12, $0x9;
	v4 =	vand.u32 $0x180, v4;
	v2 =	vsel vm1, $0xFFFFFFFF, v2;
	v3 =	vadd.s32 v5, v3  }
0x3d: {  	s14 =	sor.u32 $0x400, s14;
	s15 =	sand.u32 $0x200, s31;
	(ifvalue) =	ssetifvalue $0x7FFFFFFF;
	v63 =	vand.u32 $0x7F, v2;
	v2 =	vshll.u32 v2, $0x2;
	v3 =	vor.u32 v4, v3  }
0x3e: {  	v3 =	vor.u32 v63, v3;
	[tilespmem:s14], [sflag:$0x1] =	stream.indirect_vreg.gather [hbm4b:s4+s10], $0x1, v1, vm0, $0x4038;
	v1 =	vand.u32 $0xFFFFFE00, v2;
	[tilespmem:$0x800] =	vst v63  }
0x3f: {  	s16 =	simm.s32 $0x20;
	s15 =	sor.u32 $0x400, s15;
	s17 =	sadd.s32 $0x10, s17;
	v2 =	vshrl.u32 v0, $0x5;
	v1 =	vadd.s32 v1, v3  }
.LBB2_3:
0x40: {  	vm1 =	veq.s32 v0, $0x80000000;
	v3 =	vand.u32 $0x3, v0;
	v4 =	vshll.u32 v0, $0xE;
	v0 =	vld.msk [tilespmem:s17+$0x0 ss:$0x1], $0xffff;
	s16 =	sadd.s32 $0x10, s16  }
0x41: {  	v2 =	vand.u32 $0x3FFF, v2;
	v3 =	vsel vm1, $0xFFFFFFFF, v3;
	v4 =	vand.u32 $0x70000, v4;
	p1 =	slt.u32 s16, $0x1F0  }
.Ltmp3:
0x42: {  	v4 =	vsel vm1, $0xFFFF0000, v4;
	v5 =	vand.u32 $0xFFFF0000, v3;
	v3 =	vshll.u32 v3, $0x7;
	(pc) =	sbr.rel @p1 .LBB2_3-.Ltmp3, $4  }
0x43: {  	s14 =	sadd.s32 $0x10, s14;
	v2 =	vsel vm1, $0xFFFFFFFF, v2;
	v4 =	vadd.s32 v5, v4;
	v3 =	vand.u32 $0x180, v3;
	(ifvalue) =	ssetifvalue $0x7FFFFFFF  }
0x44: {  	v5 =	vand.u32 $0x7F, v2;
	v2 =	vshll.u32 v2, $0x2;
	v3 =	vor.u32 v3, v4;
	[tilespmem:s14], [sflag:$0x1] =	stream.indirect_vreg.gather [hbm4b:s4+s10], $0x1, v1, vm0, $0x4038;
	[tilespmem:$0x800] =	vst v63  }
0x45: {  	v1 =	vand.u32 $0xFFFFFE00, v2;
	v3 =	vor.u32 v5, v3  }
0x46: {  	s17 =	sadd.s32 $0x10, s17;
	v2 =	vshrl.u32 v0, $0x5;
	v1 =	vadd.s32 v1, v3  }
.Ltmp4:
0x47: {  	_ = 	snop;
	(pc) =	sbr.rel .LBB2_4-.Ltmp4, $1  }
0x48: {  	_ =	sdelay $0x3  }
.LBB2_6:
0x49: {  	_ =	sfence.sel $0x180000  }
0x4a: {  	s2 =	simm.s32 $0x2;
	[bflag:$0x0] =	sbarrier.arrive $0xFFFF  }
0x4b: {  	s30 =	simm.s32 $0x3;
	[sflag:s2] =	ssyncpa.u1 $0x1  }
0x4c: {  	s31 =	simm.s32 $0x1;
	[sflag:s30] =	ssyncpa.u1 $0x1  }
0x4d: {  	[sflag:s31] =	ssyncpa.u1 $0x1  }
0x4e: {  	p0 =	sne.s32 s0, $0x0;
	_ =	strace $0x9000005F  }
0x4f: {  	s0 =	sadd.s32 @!p0 $0x100000, s1;
	[bflag:$0x2] =	sbarrier.arrive $0xFFFF  }
0x50: {  	[sflag:s0] =	ssyncadd.tile.s32 @!p0 $0x1;
	_ =	shalt  }
.Lfunc_end2:
_tile_overlayer_lowered:
.L_overlay_start_2:
0x51: {  	(tag) =	ssettag $0x2  }
0x52: {  	s0 =	rddreg [dreg:$0x0];
	s2 =	stileid.u32  }
0x53: {  	s1 =	rddreg [dreg:$0x1];
	p0 =	sne.s32 s2, $0x0  }
0x54: {  	s3 =	rddreg [dreg:$0x2];
	[bflag:$0x3] =	sbarrier.arrive $0xFFFF;
	s2 =	simm.s32 @!p0 $0x1C01  }
0x55: {  	[timem:s3], [sflag:s2] =	dma.local @!p0 [hbm:s0], s1  }
0x56: {  	s0 =	simm.s32 @!p0 $0x1  }
0x57: {  	_ =	swait.ge @!p0 [sflag:s0], s1  }
0x58: {  	s1 =	ssub.s32 @!p0 $0x0, s1;
	[sflag:s0] =	ssyncset.done @!p0 $0x0  }
0x59: {  	[sflag:s0] =	ssyncadd.s32 @!p0 s1  }
0x5a: {  	[bflag:$0x3] =	sbarrier.arrive $0xFFFF  }
0x5b: {  	_ =	shalt  }

// kernel: gather_offload_async_start.9
scs
__scs_entry_jumppad:
0x0: {  	(pc) =	sbr.rel $0x88, $3  }
0x1: {  	(tag) =	ssettag $0x0;
	lr =	simm.s32 $0x1  }
0x2: {  	[smem:$0x3F9B] =	sst lr;
	_ =	strace $0xD0000000  }
0x3: {  	_ = 	snop  }
0x4: {  	_ = 	snop  }
0x5: {  	_ = 	snop  }
0x6: {  	_ = 	snop  }
0x7: {  	_ = 	snop  }
__scs_overlays_trampoline_lowered:
0x8: {  	[smem:$0x3FAA] =	sst s0  }
0x9: {  	[smem:$0x3FAB] =	sst s1  }
0xa: {  	[smem:$0x3FAC] =	sst s2  }
0xb: {  	[smem:$0x3FAD] =	sst s3  }
0xc: {  	[smem:$0x3FAE] =	sst s4  }
0xd: {  	[smem:$0x3FAF] =	sst s5  }
0xe: {  	[smem:$0x3FB0] =	sst s6  }
0xf: {  	[smem:$0x3FB1] =	sst s7  }
0x10: {  	[smem:$0x3FB2] =	sst s8  }
0x11: {  	[smem:$0x3FB3] =	sst s9;
	s0 =	simm.s32 @!p0 $0x0  }
0x12: {  	s1 =	sld [smem:$0x3F99];
	s0 =	simm.s32 @p0 $0x1  }
0x13: {  	[smem:$0x3FB4] =	sst s0;
	s0 =	simm.s32 @!p1 $0x0  }
0x14: {  	s2 =	sld [smem:$0x3F98];
	s0 =	simm.s32 @p1 $0x1  }
0x15: {  	[smem:$0x3FB5] =	sst s0;
	s0 =	simm.s32 @!p2 $0x0  }
0x16: {  	s3 =	sld [smem:$0x3FDB];
	s0 =	simm.s32 @p2 $0x1  }
0x17: {  	s4 =	simm.s32 $0x1BF5;
	[smem:$0x3FB7] =	sst s0  }
0x18: {  	s0 =	sld [smem:$0x3F9A];
	_ =	swait.ge [sflag:s4], $0x0  }
0x19: {  	s7 =	sld [smem:$0x3F9B]  }
0x1a: {  	s8 =	sadd.s32 $0xFFFFE003, lr  }
0x1b: {  	s9 =	sadd.s32 $0xFFFFFEF7, lr;
	s5 =	simm.s32 $0xFFFFFFFF;
	p2 =	slt.u32 s8, $0xFFFFF086  }
0x1c: {  	p1 =	slt.u32 s9, $0xF7A;
	s5 =	simm.s32 @!p2 $0x0  }
0x1d: {  	s5 =	simm.s32 @p1 $0x1;
	p0 =	seq.s32 s7, s2  }
0x1e: {  	s7 =	smul.u32 @!p0 $0xF7A, s2;
	p2 =	seq.s32 @!p0 s5, $0x0  }
0x1f: {  	s9 =	smul.u32 $0xF7A, s1;
	s8 =	simm.s32 @!p0 $0x1BF5;
	p2 =	por !p2, p0  }
0x20: {  	[sflag:s8] =	ssyncset.s32 @!p0 $0xFFFFF086;
	s6 =	sadd.s32 @!p0 s3, s7;
	s7 =	simm.s32 @!p0 $0x108  }
0x21: {  	s3 =	sadd.s32 s3, s9;
	s6 =	sadd.s32 @!p0 $0x88, s6;
	s7 =	simm.s32 @p2 $0x1082  }
0x22: {  	[simem:s7], [sflag:s8] =	dma.local @!p0 [hbm:s6], $0xF7A  }
0x23: {  	s9 =	sor.u32 $0xD0000000, s2;
	s6 =	simm.s32 $0x108;
	_ =	swait.ge @!p0 [sflag:s8], $0x0  }
0x24: {  	s3 =	sadd.s32 $0x88, s3;
	s6 =	simm.s32 @!p1 $0x1082;
	[sflag:s4] =	ssyncset.s32 $0xFFFFF086  }
0x25: {  	[simem:s6], [sflag:s4] =	dma.local [hbm:s3], $0xF7A  }
0x26: {  	[smem:$0x3F9B] =	sst s1;
	(tag) =	ssettag s2;
	_ =	strace s9  }
0x27: {  	s1 =	sld [smem:$0x3FAB]  }
0x28: {  	s2 =	sld [smem:$0x3FAC]  }
0x29: {  	s4 =	sld [smem:$0x3FAE]  }
0x2a: {  	p0 =	seq.s32 s5, $0x0;
	s5 =	sld [smem:$0x3FAF]  }
0x2b: {  	s6 =	sld [smem:$0x3FB0]  }
0x2c: {  	s7 =	sld [smem:$0x3FB1]  }
0x2d: {  	s3 =	simm.s32 $0x108;
	s8 =	sld [smem:$0x3FB2]  }
0x2e: {  	s3 =	simm.s32 @!p0 $0x1082;
	s9 =	sld [smem:$0x3FB3]  }
0x2f: {  	lr =	sadd.s32 s0, s3;
	s0 =	sld [smem:$0x3FAA]  }
0x30: {  	s3 =	sld [smem:$0x3FAD]  }
0x31: {  	[smem:$0x3FB6] =	sst s10  }
0x32: {  	s10 =	sld [smem:$0x3FB4];
	_ =	sdelay $0x3  }
0x33: {  	p0 =	seq.s32 s10, $0x1;
	s10 =	sld [smem:$0x3FB6];
	_ =	sdelay $0x3  }
0x34: {  	[smem:$0x3FB6] =	sst s10  }
0x35: {  	s10 =	sld [smem:$0x3FB5];
	_ =	sdelay $0x3  }
0x36: {  	p1 =	seq.s32 s10, $0x1;
	s10 =	sld [smem:$0x3FB6];
	_ =	sdelay $0x3  }
0x37: {  	[smem:$0x3FB6] =	sst s10  }
0x38: {  	s10 =	sld [smem:$0x3FB7]  }
0x39: {  	_ = 	snop;
	(pc) =	sbr.ind lr, $3  }
0x3a: {  	_ = 	snop  }
0x3b: {  	_ = 	snop  }
0x3c: {  	p2 =	seq.s32 s10, $0x1;
	s10 =	sld [smem:$0x3FB6]  }
0x3d: {  	_ =	shalt  }
0x3e: {  	_ =	shalt  }
0x3f: {  	_ =	shalt  }
0x40: {  	_ =	shalt  }
0x41: {  	_ =	shalt  }
0x42: {  	_ =	shalt  }
0x43: {  	_ =	shalt  }
0x44: {  	_ =	shalt  }
0x45: {  	_ =	shalt  }
0x46: {  	_ =	shalt  }
0x47: {  	_ =	shalt  }
0x48: {  	_ =	shalt  }
0x49: {  	_ =	shalt  }
0x4a: {  	_ =	shalt  }
0x4b: {  	_ =	shalt  }
0x4c: {  	_ =	shalt  }
0x4d: {  	_ =	shalt  }
0x4e: {  	_ =	shalt  }
0x4f: {  	_ =	shalt  }
0x50: {  	_ =	shalt  }
0x51: {  	_ =	shalt  }
0x52: {  	_ =	shalt  }
0x53: {  	_ =	shalt  }
0x54: {  	_ =	shalt  }
0x55: {  	_ =	shalt  }
0x56: {  	_ =	shalt  }
0x57: {  	_ =	shalt  }
0x58: {  	_ =	shalt  }
0x59: {  	_ =	shalt  }
0x5a: {  	_ =	shalt  }
0x5b: {  	_ =	shalt  }
0x5c: {  	_ =	shalt  }
0x5d: {  	_ =	shalt  }
0x5e: {  	_ =	shalt  }
0x5f: {  	_ =	shalt  }
0x60: {  	_ =	shalt  }
0x61: {  	_ =	shalt  }
0x62: {  	_ =	shalt  }
0x63: {  	_ =	shalt  }
0x64: {  	_ =	shalt  }
0x65: {  	_ =	shalt  }
0x66: {  	_ =	shalt  }
0x67: {  	_ =	shalt  }
0x68: {  	_ =	shalt  }
0x69: {  	_ =	shalt  }
0x6a: {  	_ =	shalt  }
0x6b: {  	_ =	shalt  }
0x6c: {  	_ =	shalt  }
0x6d: {  	_ =	shalt  }
0x6e: {  	_ =	shalt  }
0x6f: {  	_ =	shalt  }
0x70: {  	_ =	shalt  }
0x71: {  	_ =	shalt  }
0x72: {  	_ =	shalt  }
0x73: {  	_ =	shalt  }
0x74: {  	_ =	shalt  }
0x75: {  	_ =	shalt  }
0x76: {  	_ =	shalt  }
0x77: {  	_ =	shalt  }
0x78: {  	_ =	shalt  }
0x79: {  	_ =	shalt  }
0x7a: {  	_ =	shalt  }
0x7b: {  	_ =	shalt  }
0x7c: {  	_ =	shalt  }
0x7d: {  	_ =	shalt  }
0x7e: {  	_ =	shalt  }
0x7f: {  	_ =	shalt  }
0x80: {  	_ =	shalt  }
0x81: {  	_ =	shalt  }
0x82: {  	_ =	shalt  }
0x83: {  	_ =	shalt  }
0x84: {  	_ =	shalt  }
0x85: {  	_ =	shalt  }
0x86: {  	_ =	shalt  }
0x87: {  	_ =	shalt  }
.Lfunc_end0:
.L_simem_size_0:
called_computation.9_lowered:
.L_overlay_start_0:
0x88: {  	s2 =	sld [smem:$0x3FD9]  }
0x89: {  	s3 =	sld [smem:$0x3FFE];
	_ =	sdelay $0x1  }
0x8a: {  	s1 =	srdreg.scid  }
0x8b: {  	s0 =	sand.u32 $0x1, s1  }
0x8c: {  	s16 =	sshll.u32 s0, $0xA;
	s2 =	sadd.s32 s3, s2  }
0x8d: {  	s2 =	sadd.s32 s2, s16  }
0x8e: {  	[smem:$0x3FC2] =	sst s2  }
0x8f: {  	_ = 	snop  }
0x90: {  	(tm) =	ssettm $0x1  }
0x91: {  	s17 =	sld [smem:$0x3FFB];
	_ =	sdelay $0x3  }
0x92: {  	_ =	strace s17  }
0x93: {  	s2 =	sld [smem:$0x3FFC];
	_ =	sdelay $0x3  }
0x94: {  	_ =	strace s2  }
0x95: {  	s2 =	sld [smem:$0x3FFD];
	_ =	sdelay $0x3  }
0x96: {  	_ =	strace s2  }
0x97: {  	_ =	strace $0x8FFFFFFF  }
0x98: {  	s18 =	sld [smem:$0x3FDB];
	_ =	sdelay $0x1  }
0x99: {  	s19 =	simm.s32 $_scs_section_size  }
0x9a: {  	s4 =	simm.s32 $_size__tile_overlayer_lowered;
	s5 =	simm.s32 $_tile_overlayer_lowered  }
0x9b: {  	s22 =	simm.s32 $0x1BFF;
	s21 =	sshll.u32 s5, $0x1;
	s2 =	sadd.s32 s19, s18  }
0x9c: {  	s6 =	simm.s32 $0x0;
	s20 =	sshll.u32 s4, $0x1;
	s4 =	sadd.s32 s21, s2  }
0x9d: {  	[timem:s6], [sflag:s22] =	dma.local [hbm:s4], s20  }
0x9e: {  	_ =	swait.ge [sflag:s22], s20  }
0x9f: {  	s3 =	ssub.s32 $0x0, s20;
	[sflag:s22] =	ssyncset.done $0x0  }
0xa0: {  	[sflag:s22] =	ssyncadd.s32 s3;
	_ =	sdelay $0x1  }
0xa1: {  	s23 =	simm.s32 $0x1B8B  }
0xa2: {  	_ =	swait.ge [sflag:s23], $0x1  }
0xa3: {  	[sflag:s23] =	ssyncset.done $0x0  }
0xa4: {  	s25 =	simm.s32 $0x1B8E;
	s24 =	sld [smem:$0x3FFE];
	[sflag:s23] =	ssyncadd.s32 $0xFFFFFFFF  }
0xa5: {  	s26 =	simm.s32 $execute0_lowered;
	[smem:$0x3FD2] =	sst s25  }
0xa6: {  	s4 =	sshll.u32 s26, $0x1;
	_ =	strace $0x80000061;
	[dreg:$0x1] =	wrdreg $0xFFFFFFFF  }
0xa7: {  	s28 =	simm.s32 $_size_execute0_lowered;
	s2 =	sadd.s32 s2, s4;
	[dreg:$0x0] =	wrdreg $0x0  }
0xa8: {  	s4 =	sshll.u32 s28, $0x1;
	[dreg:$0x2] =	wrdreg s2  }
0xa9: {  	[dreg:$0x3] =	wrdreg s4  }
0xaa: {  	[dreg:$0x4] =	wrdreg $0xC0  }
0xab: {  	_ =	task [dreg:s6], $0x5FFFF  }
0xac: {  	[dreg:$0x1] =	wrdreg $0xFFFFFFFF  }
0xad: {  	[dreg:$0x0] =	wrdreg $0x60  }
0xae: {  	[dreg:$0x2] =	wrdreg s24  }
0xaf: {  	[dreg:$0x3] =	wrdreg $0x9  }
0xb0: {  	_ =	task.clear_ibuf [dreg:s6], $0x4FFFF;
	_ =	strace $0x90000061  }
0xb1: {  	s29 =	simm.s32 $0x9;
	_ =	strace $0x80000063  }
0xb2: {  	_ =	swait.ge [sflag:s29], $0x1  }
0xb3: {  	[sflag:s29] =	ssyncadd.s32 $0xFFFFFFFF  }
0xb4: {  	_ =	strace $0x90000063  }
0xb5: {  	_ =	sfence  }
0xb6: {  	s30 =	sld [smem:$0x0];
	_ =	sdelay $0x2  }
0xb7: {  	s31 =	sshll.u32 s1, $0xD;
	s1 =	sshrl.u32 s1, $0x2  }
0xb8: {  	s3 =	sand.u32 $0x4000, s31;
	s1 =	sadd.s32 s1, s30  }
0xb9: {  	s0 =	sor.u32 s3, s0;
	s1 =	sshll.u32 s1, $0x11  }
0xba: {  	s0 =	sor.u32 s1, s0  }
0xbb: {  	s0 =	sadd.s32 $0x8F2B, s0  }
0xbc: {  	[sflag:s0] =	ssyncadd.remote.s32 $0x1  }
0xbd: {  	_ =	sfence.sel $0xFFFF  }
0xbe: {  	[dreg:$0x0] =	wrdreg $0xFFFFFFFF;
	(pc) =	sbr.abs _section_cstart, $3  }
0xbf: {  	[dreg:$0x1] =	wrdreg $0xFFFFFFFF  }
0xc0: {  	_ =	task.clear_ibuf [dreg:s6], $0x2FFFF;
	_ =	strace $0x9FFFFFFF  }
0xc1: {  	(tm) =	ssettm $0x7FFFFFFF  }
tec
execute0_lowered:
.L_overlay_start_1:
0x0: {  	(tag) =	ssettag $0x1  }
0x1: {  	s0 =	srdreg.scid;
	s5 =	rddreg [dreg:$0x0]  }
0x2: {  	s1 =	stileid.u32;
	s6 =	simm.s32 $0x1;
	s9 =	simm.s32 $0x1  }
0x3: {  	s10 =	simm.s32 $0x3;
	s13 =	simm.s32 $0x0;
	s2 =	sshll.u32 s0, $0xD  }
0x4: {  	s12 =	simm.s32 $0x0;
	s3 =	sshll.u32 s1, $0xE;
	s2 =	sand.u32 $0x2000, s2  }
0x5: {  	s0 =	rddreg [dreg:$0x1];
	_ =	strace $0x80000062;
	s2 =	sor.u32 s3, s2  }
0x6: {  	s4 =	sadd.s32 $0x14000, s5;
	[sflag:s6] =	ssyncpa.u1 $0x0;
	s8 =	ssub.s32 $0x80000, s2  }
.Ltmp0:
0x7: {  	s3 =	sadd.s32 $0xBFE00, s5;
	s7 =	sand.u32 $0x3E000, s8;
	(pc) =	sbr.rel .LBB2_1-.Ltmp0, $4  }
0x8: {  	s5 =	sadd.s32 $0x85600, s5;
	s11 =	smov.u32 s2;
	p0 =	sne.s32 s7, $0x0  }
0x9: {  	s8 =	sshrl.u32 s8, $0x12;
	s7 =	simm.s32 $0x2;
	s9 =	simm.s32 @!p0 $0x0  }
0xa: {  	[sflag:s7] =	ssyncpa.u1 $0x0;
	p0 =	por $0x0, $0x0;
	s8 =	sadd.s32 s9, s8  }
0xb: {  	vm0 =	vmmov $0xffff;
	[sflag:s10] =	ssyncpa.u1 $0x0;
	s10 =	simm.s32 $0x0;
	s9 =	sadd.s32 $0x1, s8  }
.LBB2_4:
0xc: {  	v3 =	vshrl.u32 v0, $0x2;
	v4 =	vshrl.u32 v0, $0x9;
	v1 =	vor.u32 v1, v2  }
0xd: {  	v62 =	vshll.u32 v0, $0x17;
	v60 =	vand.u32 $0x7F, v3;
	v61 =	vand.u32 $0xFFFF, v4  }
0xe: {  	v0 =	vand.u32 $0x1800000, v62;
	v2 =	vsel vm1, $0xFFFFFFFF, v60;
	v3 =	vsel vm1, $0xFFFFFFFF, v61  }
0xf: {  	v0 =	vsel vm1, $0xFF800000, v0;
	v63 =	vand.u32 $0x7F, v3;
	v5 =	vshll.u32 v2, $0x10  }
0x10: {  	v3 =	vshll.u32 v3, $0x3;
	v5 =	vand.u32 $0xFFF80000, v5;
	v0 =	vor.u32 v0, v63  }
0x11: {  	v2 =	vshll.u32 v2, $0x7;
	v3 =	vand.u32 $0xFFFFFC00, v3;
	v0 =	vadd.s32 v5, v0  }
0x12: {  	v2 =	vand.u32 $0x380, v2;
	v0 =	vadd.s32 v3, v0  }
0x13: {  	v0 =	vor.u32 v2, v0;
	_ =	sdelay $0x1  }
0x14: {  	(ifvalue) =	ssetifvalue $0x7FFFFFFF;
	s14 =	sadd.s32 $0x10, s14  }
0x15: {  	[tilespmem:s14], [sflag:$0x1] =	stream.indirect_vreg.gather [hbm4b:s3+s10], $0x1, v1, vm0, $0x4038;
	[tilespmem:$0x8000] =	vst v63  }
0x16: {  	(ifvalue) =	ssetifvalue $0x7FFFFFFF;
	s14 =	sadd.s32 $0x10, s14  }
0x17: {  	[tilespmem:s14], [sflag:$0x1] =	stream.indirect_vreg.gather [hbm4b:s3+s10], $0x1, v0, vm0, $0x4038;
	[tilespmem:$0x8000] =	vst v63  }
0x18: {  	_ =	swait.ge [sflag:s6], $0x2000  }
0x19: {  	s30 =	sshrl.u32 s13, $0x3;
	[sflag:s6] =	ssyncset.done $0x0  }
0x1a: {  	s31 =	sand.u32 $0x7, s13;
	s14 =	sadd.s32 s5, s30;
	[sflag:s6] =	ssyncadd.s32 $0xFFFFE000  }
0x1b: {  	[hbm4b:s14+s31] =	stream.linear.scatter [tilespmem:s15], [sflag:$0x3], $0x2000, $0x38;
	[tilespmem:$0x8000] =	vst v63  }
.LBB2_5:
0x1c: {  	s15 =	sadd.s32 $0x40000, s11  }
0x1d: {  	p2 =	sgt.s32 s15, $0x7FFFF  }
0x1e: {  	s15 =	smov.u32 @p2 s2;
	p2 =	sne.s32 s12, s9  }
.Ltmp1:
0x1f: {  	p1 =	slt.u32 s12, $0x2;
	(pc) =	sbr.rel @!p2 .LBB2_6-.Ltmp1, $4  }
0x20: {  	s14 =	simm.s32 @!p1 $0x3  }
0x21: {  	s16 =	sadd.s32 $0x1, s12;
	_ =	swait.ge @!p1 [sflag:s14], $0x2000  }
0x22: {  	s13 =	smov.u32 s11;
	p0 =	por !p0, !p0;
	[sflag:s14] =	ssyncset.done @!p1 $0x0  }
0x23: {  	s12 =	smov.u32 s16;
	s11 =	smov.u32 s15;
	[sflag:s14] =	ssyncadd.s32 @!p1 $0xFFFFE000  }
.LBB2_1:
0x24: {  	p1 =	sge.u32 s12, s8  }
0x25: {  	s14 =	sxor.u32 @!p1 $0xFFFFFFFF, s12  }
0x26: {  	s31 =	sadd.s32 $0xFFFFFFFF, s12;
	s15 =	sshrl.u32 @!p1 s11, $0x3;
	s14 =	sshll.u32 @!p1 s14, $0xD  }
0x27: {  	s16 =	sand.u32 @!p1 $0x7, s11;
	s15 =	sadd.s32 @!p1 s4, s15;
	s14 =	sand.u32 @!p1 $0x2000, s14  }
0x28: {  	[tilespmem:s14], [sflag:$0x2] =	stream.linear.gather @!p1 [hbm4b:s15+s16], $0x2000, $0x38;
	[tilespmem:$0x8000] =	vst v63  }
0x29: {  	p1 =	sge.u32 s31, s8  }
.Ltmp2:
0x2a: {  	_ = 	snop;
	(pc) =	sbr.rel @p1 .LBB2_5-.Ltmp2, $1  }
0x2b: {  	_ =	sdelay $0x3  }
0x2c: {  	s14 =	simm.s32 $0x1  }
0x2d: {  	_ =	swait.ge [sflag:s7], $0x2000;
	s14 =	simm.s32 @!p0 $0x0  }
0x2e: {  	[sflag:s7] =	ssyncset.done $0x0;
	s14 =	sshll.u32 s14, $0xD  }
0x2f: {  	[sflag:s7] =	ssyncadd.s32 $0xFFFFE000;
	(ifvalue) =	ssetifvalue $0x7FFFFFFF;
	v0 =	vld.msk [tilespmem:s14+$0x0 ss:$0x1], $0xffff;
	_ =	sdelay $0x4  }
0x30: {  	s15 =	sadd.s32 $0x10, s14;
	vm1 =	veq.s32 v0, $0x80000000;
	v1 =	vshrl.u32 v0, $0x2;
	v2 =	vshrl.u32 v0, $0x9  }
0x31: {  	v3 =	vld.msk [tilespmem:s15+$0x0 ss:$0x1], $0xffff;
	v0 =	vshll.u32 v0, $0x17;
	v1 =	vand.u32 $0x7F, v1;
	v2 =	vand.u32 $0xFFFF, v2  }
0x32: {  	v0 =	vand.u32 $0x1800000, v0;
	v1 =	vsel vm1, $0xFFFFFFFF, v1;
	v2 =	vsel vm1, $0xFFFFFFFF, v2  }
0x33: {  	v0 =	vsel vm1, $0xFF800000, v0;
	v4 =	vand.u32 $0x7F, v2;
	v5 =	vshll.u32 v1, $0x10  }
0x34: {  	v2 =	vshll.u32 v2, $0x3;
	v5 =	vand.u32 $0xFFF80000, v5;
	v0 =	vor.u32 v0, v4  }
0x35: {  	v1 =	vshll.u32 v1, $0x7;
	v2 =	vand.u32 $0xFFFFFC00, v2;
	v0 =	vadd.s32 v5, v0  }
0x36: {  	v62 =	vshrl.u32 v3, $0x9;
	v1 =	vand.u32 $0x380, v1;
	v0 =	vadd.s32 v2, v0  }
0x37: {  	s17 =	sadd.s32 $0x10, s15;
	vm1 =	veq.s32 v3, $0x80000000;
	v2 =	vshrl.u32 v3, $0x2;
	v1 =	vor.u32 v1, v0  }
0x38: {  	v4 =	vand.u32 $0xFFFF, v62;
	v3 =	vshll.u32 v3, $0x17;
	v0 =	vld.msk [tilespmem:s17+$0x0 ss:$0x1], $0xffff;
	v2 =	vand.u32 $0x7F, v2  }
0x39: {  	v4 =	vsel vm1, $0xFFFFFFFF, v4;
	v3 =	vand.u32 $0x1800000, v3;
	v2 =	vsel vm1, $0xFFFFFFFF, v2  }
0x3a: {  	s31 =	sshll.u32 s12, $0xD;
	v63 =	vand.u32 $0x7F, v4;
	v3 =	vsel vm1, $0xFF800000, v3;
	v6 =	vshll.u32 v2, $0x10  }
0x3b: {  	s14 =	sor.u32 $0x4000, s14;
	s15 =	sand.u32 $0x2000, s31;
	v4 =	vshll.u32 v4, $0x3;
	(ifvalue) =	ssetifvalue $0x7FFFFFFF;
	v3 =	vor.u32 v3, v63;
	v6 =	vand.u32 $0xFFF80000, v6  }
0x3c: {  	v4 =	vand.u32 $0xFFFFFC00, v4;
	[tilespmem:s14], [sflag:$0x1] =	stream.indirect_vreg.gather [hbm4b:s3+s10], $0x1, v1, vm0, $0x4038;
	v1 =	vshll.u32 v2, $0x7;
	v2 =	vadd.s32 v6, v3;
	[tilespmem:$0x8000] =	vst v63  }
0x3d: {  	s16 =	simm.s32 $0x20;
	s15 =	sor.u32 $0x4000, s15;
	s17 =	sadd.s32 $0x10, s17;
	vm1 =	veq.s32 v0, $0x80000000;
	v1 =	vand.u32 $0x380, v1;
	v2 =	vadd.s32 v4, v2  }
.LBB2_3:
0x3e: {  	v3 =	vld.msk [tilespmem:s17+$0x0 ss:$0x1], $0xffff;
	v4 =	vshrl.u32 v0, $0x2;
	v5 =	vshrl.u32 v0, $0x9;
	v1 =	vor.u32 v1, v2;
	s16 =	sadd.s32 $0x10, s16  }
0x3f: {  	v0 =	vshll.u32 v0, $0x17;
	v2 =	vand.u32 $0x7F, v4;
	v4 =	vand.u32 $0xFFFF, v5;
	p1 =	slt.u32 s16, $0x1FF0  }
.Ltmp3:
0x40: {  	v0 =	vand.u32 $0x1800000, v0;
	v2 =	vsel vm1, $0xFFFFFFFF, v2;
	v4 =	vsel vm1, $0xFFFFFFFF, v4;
	(pc) =	sbr.rel @p1 .LBB2_3-.Ltmp3, $4  }
0x41: {  	v0 =	vsel vm1, $0xFF800000, v0;
	v5 =	vand.u32 $0x7F, v4;
	v6 =	vshll.u32 v2, $0x10  }
0x42: {  	s14 =	sadd.s32 $0x10, s14;
	v4 =	vshll.u32 v4, $0x3;
	v6 =	vand.u32 $0xFFF80000, v6;
	v7 =	vor.u32 v0, v5;
	(ifvalue) =	ssetifvalue $0x7FFFFFFF  }
0x43: {  	v2 =	vshll.u32 v2, $0x7;
	v4 =	vand.u32 $0xFFFFFC00, v4;
	v5 =	vadd.s32 v6, v7;
	[tilespmem:s14], [sflag:$0x1] =	stream.indirect_vreg.gather [hbm4b:s3+s10], $0x1, v1, vm0, $0x4038;
	[tilespmem:$0x8000] =	vst v63  }
0x44: {  	s17 =	sadd.s32 $0x10, s17;
	vm1 =	veq.s32 v3, $0x80000000;
	v1 =	vand.u32 $0x380, v2;
	v0 =	vmovc v3;
	v2 =	vadd.s32 v4, v5  }
.Ltmp4:
0x45: {  	_ = 	snop;
	(pc) =	sbr.rel .LBB2_4-.Ltmp4, $1  }
0x46: {  	_ =	sdelay $0x3  }
.LBB2_6:
0x47: {  	_ =	sfence.sel $0x180000  }
0x48: {  	s2 =	simm.s32 $0x2;
	[bflag:$0x0] =	sbarrier.arrive $0xFFFF  }
0x49: {  	s30 =	simm.s32 $0x3;
	[sflag:s2] =	ssyncpa.u1 $0x1  }
0x4a: {  	s31 =	simm.s32 $0x1;
	[sflag:s30] =	ssyncpa.u1 $0x1  }
0x4b: {  	[sflag:s31] =	ssyncpa.u1 $0x1  }
0x4c: {  	p0 =	sne.s32 s1, $0x0;
	_ =	strace $0x90000062  }
0x4d: {  	s0 =	sadd.s32 @!p0 $0x100000, s0;
	[bflag:$0x2] =	sbarrier.arrive $0xFFFF  }
0x4e: {  	[sflag:s0] =	ssyncadd.tile.s32 @!p0 $0x1;
	_ =	shalt  }
.Lfunc_end2:
_tile_overlayer_lowered:
.L_overlay_start_2:
0x4f: {  	(tag) =	ssettag $0x2  }
0x50: {  	s0 =	rddreg [dreg:$0x0];
	s2 =	stileid.u32  }
0x51: {  	s1 =	rddreg [dreg:$0x1];
	p0 =	sne.s32 s2, $0x0  }
0x52: {  	s3 =	rddreg [dreg:$0x2];
	[bflag:$0x3] =	sbarrier.arrive $0xFFFF;
	s2 =	simm.s32 @!p0 $0x1C01  }
0x53: {  	[timem:s3], [sflag:s2] =	dma.local @!p0 [hbm:s0], s1  }
0x54: {  	s0 =	simm.s32 @!p0 $0x1  }
0x55: {  	_ =	swait.ge @!p0 [sflag:s0], s1  }
0x56: {  	s1 =	ssub.s32 @!p0 $0x0, s1;
	[sflag:s0] =	ssyncset.done @!p0 $0x0  }
0x57: {  	[sflag:s0] =	ssyncadd.s32 @!p0 s1  }
0x58: {  	[bflag:$0x3] =	sbarrier.arrive $0xFFFF  }
0x59: {  	_ =	shalt  }

// kernel: gather_offload_async_start
scs
__scs_entry_jumppad:
0x0: {  	(pc) =	sbr.rel $0x88, $3  }
0x1: {  	(tag) =	ssettag $0x0;
	lr =	simm.s32 $0x1  }
0x2: {  	[smem:$0x3F9B] =	sst lr;
	_ =	strace $0xD0000000  }
0x3: {  	_ = 	snop  }
0x4: {  	_ = 	snop  }
0x5: {  	_ = 	snop  }
0x6: {  	_ = 	snop  }
0x7: {  	_ = 	snop  }
__scs_overlays_trampoline_lowered:
0x8: {  	[smem:$0x3FAA] =	sst s0  }
0x9: {  	[smem:$0x3FAB] =	sst s1  }
0xa: {  	[smem:$0x3FAC] =	sst s2  }
0xb: {  	[smem:$0x3FAD] =	sst s3  }
0xc: {  	[smem:$0x3FAE] =	sst s4  }
0xd: {  	[smem:$0x3FAF] =	sst s5  }
0xe: {  	[smem:$0x3FB0] =	sst s6  }
0xf: {  	[smem:$0x3FB1] =	sst s7  }
0x10: {  	[smem:$0x3FB2] =	sst s8  }
0x11: {  	[smem:$0x3FB3] =	sst s9;
	s0 =	simm.s32 @!p0 $0x0  }
0x12: {  	s1 =	sld [smem:$0x3F99];
	s0 =	simm.s32 @p0 $0x1  }
0x13: {  	[smem:$0x3FB4] =	sst s0;
	s0 =	simm.s32 @!p1 $0x0  }
0x14: {  	s2 =	sld [smem:$0x3F98];
	s0 =	simm.s32 @p1 $0x1  }
0x15: {  	[smem:$0x3FB5] =	sst s0;
	s0 =	simm.s32 @!p2 $0x0  }
0x16: {  	s3 =	sld [smem:$0x3FDB];
	s0 =	simm.s32 @p2 $0x1  }
0x17: {  	s4 =	simm.s32 $0x1BF5;
	[smem:$0x3FB7] =	sst s0  }
0x18: {  	s0 =	sld [smem:$0x3F9A];
	_ =	swait.ge [sflag:s4], $0x0  }
0x19: {  	s7 =	sld [smem:$0x3F9B]  }
0x1a: {  	s8 =	sadd.s32 $0xFFFFE003, lr  }
0x1b: {  	s9 =	sadd.s32 $0xFFFFFEF7, lr;
	s5 =	simm.s32 $0xFFFFFFFF;
	p2 =	slt.u32 s8, $0xFFFFF086  }
0x1c: {  	p1 =	slt.u32 s9, $0xF7A;
	s5 =	simm.s32 @!p2 $0x0  }
0x1d: {  	s5 =	simm.s32 @p1 $0x1;
	p0 =	seq.s32 s7, s2  }
0x1e: {  	s7 =	smul.u32 @!p0 $0xF7A, s2;
	p2 =	seq.s32 @!p0 s5, $0x0  }
0x1f: {  	s9 =	smul.u32 $0xF7A, s1;
	s8 =	simm.s32 @!p0 $0x1BF5;
	p2 =	por !p2, p0  }
0x20: {  	[sflag:s8] =	ssyncset.s32 @!p0 $0xFFFFF086;
	s6 =	sadd.s32 @!p0 s3, s7;
	s7 =	simm.s32 @!p0 $0x108  }
0x21: {  	s3 =	sadd.s32 s3, s9;
	s6 =	sadd.s32 @!p0 $0x88, s6;
	s7 =	simm.s32 @p2 $0x1082  }
0x22: {  	[simem:s7], [sflag:s8] =	dma.local @!p0 [hbm:s6], $0xF7A  }
0x23: {  	s9 =	sor.u32 $0xD0000000, s2;
	s6 =	simm.s32 $0x108;
	_ =	swait.ge @!p0 [sflag:s8], $0x0  }
0x24: {  	s3 =	sadd.s32 $0x88, s3;
	s6 =	simm.s32 @!p1 $0x1082;
	[sflag:s4] =	ssyncset.s32 $0xFFFFF086  }
0x25: {  	[simem:s6], [sflag:s4] =	dma.local [hbm:s3], $0xF7A  }
0x26: {  	[smem:$0x3F9B] =	sst s1;
	(tag) =	ssettag s2;
	_ =	strace s9  }
0x27: {  	s1 =	sld [smem:$0x3FAB]  }
0x28: {  	s2 =	sld [smem:$0x3FAC]  }
0x29: {  	s4 =	sld [smem:$0x3FAE]  }
0x2a: {  	p0 =	seq.s32 s5, $0x0;
	s5 =	sld [smem:$0x3FAF]  }
0x2b: {  	s6 =	sld [smem:$0x3FB0]  }
0x2c: {  	s7 =	sld [smem:$0x3FB1]  }
0x2d: {  	s3 =	simm.s32 $0x108;
	s8 =	sld [smem:$0x3FB2]  }
0x2e: {  	s3 =	simm.s32 @!p0 $0x1082;
	s9 =	sld [smem:$0x3FB3]  }
0x2f: {  	lr =	sadd.s32 s0, s3;
	s0 =	sld [smem:$0x3FAA]  }
0x30: {  	s3 =	sld [smem:$0x3FAD]  }
0x31: {  	[smem:$0x3FB6] =	sst s10  }
0x32: {  	s10 =	sld [smem:$0x3FB4];
	_ =	sdelay $0x3  }
0x33: {  	p0 =	seq.s32 s10, $0x1;
	s10 =	sld [smem:$0x3FB6];
	_ =	sdelay $0x3  }
0x34: {  	[smem:$0x3FB6] =	sst s10  }
0x35: {  	s10 =	sld [smem:$0x3FB5];
	_ =	sdelay $0x3  }
0x36: {  	p1 =	seq.s32 s10, $0x1;
	s10 =	sld [smem:$0x3FB6];
	_ =	sdelay $0x3  }
0x37: {  	[smem:$0x3FB6] =	sst s10  }
0x38: {  	s10 =	sld [smem:$0x3FB7]  }
0x39: {  	_ = 	snop;
	(pc) =	sbr.ind lr, $3  }
0x3a: {  	_ = 	snop  }
0x3b: {  	_ = 	snop  }
0x3c: {  	p2 =	seq.s32 s10, $0x1;
	s10 =	sld [smem:$0x3FB6]  }
0x3d: {  	_ =	shalt  }
0x3e: {  	_ =	shalt  }
0x3f: {  	_ =	shalt  }
0x40: {  	_ =	shalt  }
0x41: {  	_ =	shalt  }
0x42: {  	_ =	shalt  }
0x43: {  	_ =	shalt  }
0x44: {  	_ =	shalt  }
0x45: {  	_ =	shalt  }
0x46: {  	_ =	shalt  }
0x47: {  	_ =	shalt  }
0x48: {  	_ =	shalt  }
0x49: {  	_ =	shalt  }
0x4a: {  	_ =	shalt  }
0x4b: {  	_ =	shalt  }
0x4c: {  	_ =	shalt  }
0x4d: {  	_ =	shalt  }
0x4e: {  	_ =	shalt  }
0x4f: {  	_ =	shalt  }
0x50: {  	_ =	shalt  }
0x51: {  	_ =	shalt  }
0x52: {  	_ =	shalt  }
0x53: {  	_ =	shalt  }
0x54: {  	_ =	shalt  }
0x55: {  	_ =	shalt  }
0x56: {  	_ =	shalt  }
0x57: {  	_ =	shalt  }
0x58: {  	_ =	shalt  }
0x59: {  	_ =	shalt  }
0x5a: {  	_ =	shalt  }
0x5b: {  	_ =	shalt  }
0x5c: {  	_ =	shalt  }
0x5d: {  	_ =	shalt  }
0x5e: {  	_ =	shalt  }
0x5f: {  	_ =	shalt  }
0x60: {  	_ =	shalt  }
0x61: {  	_ =	shalt  }
0x62: {  	_ =	shalt  }
0x63: {  	_ =	shalt  }
0x64: {  	_ =	shalt  }
0x65: {  	_ =	shalt  }
0x66: {  	_ =	shalt  }
0x67: {  	_ =	shalt  }
0x68: {  	_ =	shalt  }
0x69: {  	_ =	shalt  }
0x6a: {  	_ =	shalt  }
0x6b: {  	_ =	shalt  }
0x6c: {  	_ =	shalt  }
0x6d: {  	_ =	shalt  }
0x6e: {  	_ =	shalt  }
0x6f: {  	_ =	shalt  }
0x70: {  	_ =	shalt  }
0x71: {  	_ =	shalt  }
0x72: {  	_ =	shalt  }
0x73: {  	_ =	shalt  }
0x74: {  	_ =	shalt  }
0x75: {  	_ =	shalt  }
0x76: {  	_ =	shalt  }
0x77: {  	_ =	shalt  }
0x78: {  	_ =	shalt  }
0x79: {  	_ =	shalt  }
0x7a: {  	_ =	shalt  }
0x7b: {  	_ =	shalt  }
0x7c: {  	_ =	shalt  }
0x7d: {  	_ =	shalt  }
0x7e: {  	_ =	shalt  }
0x7f: {  	_ =	shalt  }
0x80: {  	_ =	shalt  }
0x81: {  	_ =	shalt  }
0x82: {  	_ =	shalt  }
0x83: {  	_ =	shalt  }
0x84: {  	_ =	shalt  }
0x85: {  	_ =	shalt  }
0x86: {  	_ =	shalt  }
0x87: {  	_ =	shalt  }
.Lfunc_end0:
.L_simem_size_0:
called_computation_lowered:
.L_overlay_start_0:
0x88: {  	s2 =	sld [smem:$0x3FD9]  }
0x89: {  	s3 =	sld [smem:$0x3FFE];
	_ =	sdelay $0x1  }
0x8a: {  	s1 =	srdreg.scid  }
0x8b: {  	s0 =	sand.u32 $0x1, s1  }
0x8c: {  	s14 =	sshll.u32 s0, $0xA;
	s2 =	sadd.s32 s3, s2  }
0x8d: {  	s2 =	sadd.s32 s2, s14  }
0x8e: {  	[smem:$0x3FC2] =	sst s2  }
0x8f: {  	_ = 	snop  }
0x90: {  	s2 =	sld [smem:$0x3FD0];
	_ =	sdelay $0x2  }
0x91: {  	s15 =	simm.s32 $0xB;
	s4 =	simm.s32 $0x10  }
0x92: {  	[smem:s4], [sflag:s15] =	dma.local [hbm:s2], $0x1  }
0x93: {  	_ =	swait.eq [sflag:s15], $0x1  }
0x94: {  	[sflag:s15] =	ssyncset.done $0x0  }
0x95: {  	[sflag:s15] =	ssyncadd.s32 $0xFFFFFFFF  }
0x96: {  	s16 =	sld [smem:$0x11];
	(tm) =	ssettm $0x1  }
0x97: {  	s17 =	sld [smem:$0x3FFB];
	_ =	sdelay $0x3  }
0x98: {  	_ =	strace s17  }
0x99: {  	s3 =	sld [smem:$0x3FFC];
	_ =	sdelay $0x3  }
0x9a: {  	_ =	strace s3  }
0x9b: {  	s3 =	sld [smem:$0x3FFD];
	_ =	sdelay $0x3  }
0x9c: {  	_ =	strace s3  }
0x9d: {  	_ =	strace $0x8FFFFFFF  }
0x9e: {  	s18 =	sld [smem:$0x3FDB];
	_ =	sdelay $0x1  }
0x9f: {  	s19 =	simm.s32 $_scs_section_size  }
0xa0: {  	s5 =	simm.s32 $_size__tile_overlayer_lowered;
	s6 =	simm.s32 $_tile_overlayer_lowered  }
0xa1: {  	s22 =	simm.s32 $0x1BFF;
	s21 =	sshll.u32 s6, $0x1;
	s3 =	sadd.s32 s19, s18  }
0xa2: {  	s7 =	simm.s32 $0x0;
	s20 =	sshll.u32 s5, $0x1;
	s5 =	sadd.s32 s21, s3  }
0xa3: {  	[timem:s7], [sflag:s22] =	dma.local [hbm:s5], s20  }
0xa4: {  	_ =	swait.ge [sflag:s22], s20  }
0xa5: {  	s4 =	ssub.s32 $0x0, s20;
	[sflag:s22] =	ssyncset.done $0x0  }
0xa6: {  	[sflag:s22] =	ssyncadd.s32 s4;
	_ =	sdelay $0x1  }
0xa7: {  	s23 =	simm.s32 $0x1B8B  }
0xa8: {  	_ =	swait.ge [sflag:s23], $0x1  }
0xa9: {  	[sflag:s23] =	ssyncset.done $0x0  }
0xaa: {  	s25 =	simm.s32 $0x1B8E;
	s24 =	sld [smem:$0x3FFE];
	[sflag:s23] =	ssyncadd.s32 $0xFFFFFFFF  }
0xab: {  	s26 =	simm.s32 $execute0_lowered;
	[smem:$0x3FD2] =	sst s25  }
0xac: {  	s5 =	sshll.u32 s26, $0x1;
	_ =	strace $0x80000052;
	[dreg:$0x1] =	wrdreg $0xFFFFFFFF  }
0xad: {  	s28 =	simm.s32 $_size_execute0_lowered;
	s3 =	sadd.s32 s3, s5;
	[dreg:$0x0] =	wrdreg $0x0  }
0xae: {  	s5 =	sshll.u32 s28, $0x1;
	[dreg:$0x2] =	wrdreg s3  }
0xaf: {  	[dreg:$0x3] =	wrdreg s5  }
0xb0: {  	[dreg:$0x4] =	wrdreg $0xC0  }
0xb1: {  	_ =	task [dreg:s7], $0x5FFFF  }
0xb2: {  	[dreg:$0x1] =	wrdreg $0xFFFFFFFF  }
0xb3: {  	[dreg:$0x0] =	wrdreg $0x60  }
0xb4: {  	[dreg:$0x2] =	wrdreg s24  }
0xb5: {  	[dreg:$0x3] =	wrdreg s16  }
0xb6: {  	[dreg:$0x4] =	wrdreg $0x9  }
0xb7: {  	_ =	task.clear_ibuf [dreg:s7], $0x5FFFF;
	_ =	strace $0x90000052  }
0xb8: {  	s29 =	simm.s32 $0x9;
	_ =	strace $0x80000054  }
0xb9: {  	_ =	swait.ge [sflag:s29], $0x1  }
0xba: {  	[sflag:s29] =	ssyncadd.s32 $0xFFFFFFFF  }
0xbb: {  	_ =	strace $0x90000054  }
0xbc: {  	_ =	sfence  }
0xbd: {  	s30 =	sld [smem:$0x0];
	_ =	sdelay $0x2  }
0xbe: {  	s31 =	sshll.u32 s1, $0xD;
	s1 =	sshrl.u32 s1, $0x2  }
0xbf: {  	s3 =	sand.u32 $0x4000, s31;
	s1 =	sadd.s32 s1, s30  }
0xc0: {  	s0 =	sor.u32 s3, s0;
	s1 =	sshll.u32 s1, $0x11  }
0xc1: {  	s0 =	sor.u32 s1, s0  }
0xc2: {  	s0 =	sadd.s32 $0x8F2B, s0  }
0xc3: {  	[sflag:s0] =	ssyncadd.remote.s32 $0x1  }
0xc4: {  	_ =	sfence.sel $0xFFFF  }
0xc5: {  	[dreg:$0x0] =	wrdreg $0xFFFFFFFF;
	(pc) =	sbr.abs _section_cstart, $3  }
0xc6: {  	[dreg:$0x1] =	wrdreg $0xFFFFFFFF  }
0xc7: {  	_ =	task.clear_ibuf [dreg:s7], $0x2FFFF;
	_ =	strace $0x9FFFFFFF  }
0xc8: {  	(tm) =	ssettm $0x7FFFFFFF  }
0xc9: {  	_ =	shalt  }
tec
execute0_lowered:
.L_overlay_start_1:
0x0: {  	(tag) =	ssettag $0x1  }
0x1: {  	s7 =	rddreg [dreg:$0x0]  }
0x2: {  	s0 =	srdreg.scid;
	s2 =	rddreg [dreg:$0x1]  }
0x3: {  	s1 =	stileid.u32;
	s5 =	simm.s32 $0x2;
	s9 =	simm.s32 $0x3  }
0x4: {  	s3 =	sshll.u32 s0, $0x4;
	s0 =	rddreg [dreg:$0x2];
	_ =	strace $0x80000053  }
.Ltmp0:
0x5: {  	s4 =	sand.u32 $0x10, s3;
	s3 =	simm.s32 $0x1;
	(pc) =	sbr.rel .LBB2_1-.Ltmp0, $4  }
0x6: {  	s12 =	simm.s32 $0x0;
	s4 =	sor.u32 s1, s4;
	[sflag:s3] =	ssyncpa.u1 $0x0  }
0x7: {  	s10 =	simm.s32 $0x0;
	s4 =	smul.u32 $0x60, s4;
	[sflag:s5] =	ssyncpa.u1 $0x0  }
0x8: {  	s6 =	sadd.s32 $0x41C00, s7;
	s7 =	sadd.s32 $0x10800, s7;
	[sflag:s9] =	ssyncpa.u1 $0x0  }
0x9: {  	vm0 =	vmmov $0xff;
	vm1 =	vcmask $0x3F20;
	s9 =	simm.s32 $0x60;
	s8 =	sadd.s32 $0x60, s4;
	s11 =	smov.u32 s4  }
.LBB2_10:
0xa: {  	s12 =	sshrl.u32 s11, $0x3  }
0xb: {  	s13 =	sand.u32 $0x7, s11;
	s12 =	sadd.s32 s2, s12  }
0xc: {  	[tilespmem:s9], [sflag:$0x2] =	stream.linear.gather [hbm4b:s12+s13], $0x60, $0x38;
	[tilespmem:$0x60C0] =	vst v63  }
.LBB2_8:
0xd: {  	s12 =	sadd.s32 $0x60, s11  }
0xe: {  	s13 =	smov.u32 s4;
	p0 =	slt.s32 s12, s8  }
0xf: {  	s13 =	smov.u32 @p0 s12  }
0x10: {  	s10 =	sadd.s32 $0x1, s10;
	s12 =	smov.u32 s11;
	s11 =	smov.u32 s13  }
.LBB2_1:
0x11: {  	p0 =	seq.s32 s10, $0x0  }
.Ltmp1:
0x12: {  	_ = 	snop;
	(pc) =	sbr.rel @p0 .LBB2_10-.Ltmp1, $1  }
0x13: {  	_ =	sdelay $0x3  }
0x14: {  	p0 =	seq.s32 s10, $0x1  }
.Ltmp2:
0x15: {  	_ = 	snop;
	(pc) =	sbr.rel @!p0 .LBB2_9-.Ltmp2, $1  }
0x16: {  	_ =	sdelay $0x3  }
0x17: {  	_ =	swait.ge [sflag:s5], $0x60  }
0x18: {  	[sflag:s5] =	ssyncset.done $0x0  }
0x19: {  	s13 =	simm.s32 $0x0;
	[sflag:s5] =	ssyncadd.s32 $0xFFFFFFA0  }
0x1a: {  	v0 =	vld.msk [tilespmem:s13+$0x60 ss:$0x1], $0xffff;
	_ =	sdelay $0x4  }
0x1b: {  	v1 =	vand.u32 $0x3, v0;
	v2 =	vshll.u32 v0, $0x5  }
0x1c: {  	vm2 =	veq.s32 v0, $0x80000000;
	v0 =	vmul.u32 $0xE0000, v1;
	v1 =	vand.u32 $0xFFF80, v2  }
0x1d: {  	v1 =	vsel vm2, $0xFFFFFF80, v1  }
0x1e: {  	v0 =	vsel vm2, $0xFFF20000, v0;
	v2 =	vand.u32 $0xFFFFFC00, v1  }
0x1f: {  	v1 =	vand.u32 $0x380, v1;
	v0 =	vadd.s32 v0, v2  }
0x20: {  	v0 =	vor.u32 v1, v0  }
0x21: {  	v0 =	vshrl.u32 v0, $0x3;
	_ =	sdelay $0x3  }
0x22: {  	s13 =	simm.s32 $0x30C0  }
0x23: {  	[tilespmem:s13], [sflag:$0x1] =	stream.indirect_vreg.gather [hbm:s6], $0x80, v0, vm0, $0x38;
	[tilespmem:$0x60C0] =	vst v63  }
0x24: {  	s14 =	simm.s32 $0x34C0;
	s31 =	simm.s32 $0x10  }
0x25: {  	[tilespmem:s14], [sflag:$0x1] =	stream.indirect_vreg.gather [hbm:s6], $0x80, v0, vm1, $0x38;
	[tilespmem:$0x60C0] =	vst v63  }
0x26: {  	s14 =	simm.s32 $0x80;
	v0 =	vld.msk [tilespmem:s31+$0x60 ss:$0x1], $0xffff  }
.LBB2_4:
0x27: {  	p0 =	sne.s32 s14, $0x140;
	_ =	sdelay $0x4  }
0x28: {  	v1 =	vand.u32 $0x3, v0;
	v2 =	vshll.u32 v0, $0x5  }
0x29: {  	vm2 =	veq.s32 v0, $0x80000000;
	v0 =	vmul.u32 $0xE0000, v1;
	v1 =	vand.u32 $0xFFF80, v2  }
0x2a: {  	v1 =	vsel vm2, $0xFFFFFF80, v1  }
0x2b: {  	v0 =	vsel vm2, $0xFFF20000, v0;
	v2 =	vand.u32 $0xFFFFFC00, v1  }
0x2c: {  	v1 =	vand.u32 $0x380, v1;
	v0 =	vadd.s32 v0, v2  }
0x2d: {  	v0 =	vor.u32 v1, v0  }
0x2e: {  	v0 =	vshrl.u32 v0, $0x3;
	_ =	sdelay $0x3  }
.Ltmp3:
0x2f: {  	s13 =	sadd.s32 $0x800, s13;
	(pc) =	sbr.rel @p0 .LBB2_4-.Ltmp3, $4  }
0x30: {  	[tilespmem:s13], [sflag:$0x1] =	stream.indirect_vreg.gather [hbm:s6], $0x80, v0, vm0, $0x38;
	[tilespmem:$0x60C0] =	vst v63  }
0x31: {  	s15 =	sshra.s32 s14, $0x2;
	s16 =	sadd.s32 $0x400, s13  }
0x32: {  	[tilespmem:s16], [sflag:$0x1] =	stream.indirect_vreg.gather [hbm:s6], $0x80, v0, vm1, $0x38;
	[tilespmem:$0x60C0] =	vst v63  }
0x33: {  	s14 =	sadd.s32 $0x40, s14;
	v0 =	vld.msk [tilespmem:s15+$0x60 ss:$0x1], $0xffff  }
0x34: {  	_ =	sdelay $0x3  }
0x35: {  	v1 =	vand.u32 $0x3, v0;
	v2 =	vshll.u32 v0, $0x5  }
0x36: {  	vm2 =	veq.s32 v0, $0x80000000;
	v61 =	vmul.u32 $0xE0000, v1;
	v62 =	vand.u32 $0xFFF80, v2  }
0x37: {  	v1 =	vsel vm2, $0xFFFFFF80, v62  }
0x38: {  	v0 =	vsel vm2, $0xFFF20000, v61;
	v63 =	vand.u32 $0xFFFFFC00, v1  }
0x39: {  	v1 =	vand.u32 $0x380, v1;
	v0 =	vadd.s32 v0, v63  }
0x3a: {  	v0 =	vor.u32 v1, v0  }
0x3b: {  	v0 =	vshrl.u32 v0, $0x3;
	_ =	sdelay $0x3  }
0x3c: {  	s13 =	sadd.s32 $0x800, s13  }
0x3d: {  	[tilespmem:s13], [sflag:$0x1] =	stream.indirect_vreg.gather [hbm:s6], $0x80, v0, vm0, $0x38;
	[tilespmem:$0x60C0] =	vst v63  }
0x3e: {  	s13 =	sadd.s32 $0x400, s13  }
0x3f: {  	[tilespmem:s13], [sflag:$0x1] =	stream.indirect_vreg.gather [hbm:s6], $0x80, v0, vm1, $0x38;
	[tilespmem:$0x60C0] =	vst v63  }
0x40: {  	s12 =	sshll.u32 s12, $0x4;
	s14 =	simm.s32 $0x80;
	_ =	swait.ge [sflag:s3], $0x3000  }
0x41: {  	s15 =	simm.s32 $0x34C0;
	s12 =	sadd.s32 s12, s7;
	[sflag:s3] =	ssyncset.done $0x0  }
0x42: {  	s16 =	sadd.s32 $0x0, s12;
	s13 =	simm.s32 $0x30C0;
	[sflag:s3] =	ssyncadd.s32 $0xFFFFD000  }
.LBB2_6:
0x43: {  	[hbm:s16] =	stream.linear.scatter [tilespmem:s13], [sflag:$0x3], $0x400, $0x38;
	[tilespmem:$0x60C0] =	vst v63  }
0x44: {  	s16 =	smov.u32 s14;
	s13 =	smov.u32 s15;
	p0 =	seq.s32 s14, $0x580  }
.Ltmp4:
0x45: {  	s14 =	sadd.s32 $0x80, s14;
	(pc) =	sbr.rel @!p0 .LBB2_6-.Ltmp4, $2  }
0x46: {  	_ =	sdelay $0x2  }
0x47: {  	s15 =	sadd.s32 $0x400, s15;
	s16 =	sadd.s32 s16, s12  }
.Ltmp5:
0x48: {  	(pc) =	sbr.rel .LBB2_8-.Ltmp5, $2  }
0x49: {  	_ =	sdelay $0x2  }
0x4a: {  	[hbm:s16] =	stream.linear.scatter [tilespmem:s13], [sflag:$0x3], $0x400, $0x38;
	[tilespmem:$0x60C0] =	vst v63  }
.LBB2_9:
0x4b: {  	s2 =	simm.s32 $0x3  }
0x4c: {  	_ =	swait.ge [sflag:s2], $0x3000  }
0x4d: {  	[sflag:s2] =	ssyncset.done $0x0  }
0x4e: {  	[sflag:s2] =	ssyncadd.s32 $0xFFFFD000  }
0x4f: {  	_ =	sfence.sel $0x180000  }
0x50: {  	s3 =	simm.s32 $0x2;
	[bflag:$0x0] =	sbarrier.arrive $0xFFFF  }
0x51: {  	[sflag:s3] =	ssyncpa.u1 $0x1  }
0x52: {  	s31 =	simm.s32 $0x1;
	[sflag:s2] =	ssyncpa.u1 $0x1  }
0x53: {  	[sflag:s31] =	ssyncpa.u1 $0x1  }
0x54: {  	p0 =	sne.s32 s1, $0x0;
	_ =	strace $0x90000053  }
0x55: {  	s0 =	sadd.s32 @!p0 $0x100000, s0;
	[bflag:$0x2] =	sbarrier.arrive $0xFFFF  }
0x56: {  	[sflag:s0] =	ssyncadd.tile.s32 @!p0 $0x1;
	_ =	shalt  }
.Lfunc_end2:
_tile_overlayer_lowered:
.L_overlay_start_2:
0x57: {  	(tag) =	ssettag $0x2  }
0x58: {  	s0 =	rddreg [dreg:$0x0];
	s2 =	stileid.u32  }
0x59: {  	s1 =	rddreg [dreg:$0x1];
	p0 =	sne.s32 s2, $0x0  }
0x5a: {  	s3 =	rddreg [dreg:$0x2];
	[bflag:$0x3] =	sbarrier.arrive $0xFFFF;
	s2 =	simm.s32 @!p0 $0x1C01  }
0x5b: {  	[timem:s3], [sflag:s2] =	dma.local @!p0 [hbm:s0], s1  }
0x5c: {  	s0 =	simm.s32 @!p0 $0x1  }
0x5d: {  	_ =	swait.ge @!p0 [sflag:s0], s1  }
0x5e: {  	s1 =	ssub.s32 @!p0 $0x0, s1;
	[sflag:s0] =	ssyncset.done @!p0 $0x0  }
0x5f: {  	[sflag:s0] =	ssyncadd.s32 @!p0 s1  }
0x60: {  	[bflag:$0x3] =	sbarrier.arrive $0xFFFF  }
0x61: {  	_ =	shalt  }

</sc_bundles>
